<compile_context>
chip_gen: v7x
topology: tpu7x:2x2x1
jax: 0.10.2.dev20260603
libtpu: 0.0.44.dev20260713+nightly
codegen_flags: <defaults>
</compile_context>

<pallas_src>
import functools

import jax
import jax.numpy as jnp
from jax import lax
from jax.experimental import pallas as pl
from jax.experimental.pallas import tpu as pltpu
from jax.experimental.pallas import tpu_sc as plsc

N = 10000
E = 320000
D_IN = 128
HID = 16
HEADS = 8
D_OUT = 64

NPAD = 10240
NW = 32
K = 64
NCHUNK = 160
EW = NCHUNK * K
EPAD = NW * EW
ROWS_PER_TILE = NPAD // 16

ACC1_W = 136
ACC2_W = 80

F32 = jnp.float32
I32 = jnp.int32



def _tc_a_body(x_ref, w1_ref, af_ref, df_ref, gdup_ref, h_ref, as_ref, ad_ref):
    x = x_ref[...]
    h = jnp.dot(x, w1_ref[...], preferred_element_type=F32)
    h_ref[...] = h
    gdup = gdup_ref[...]
    as_ref[...] = jnp.dot(h * af_ref[...], gdup, preferred_element_type=F32)
    ad_ref[...] = jnp.dot(h * df_ref[...], gdup, preferred_element_type=F32)


def _tc_b_body(parts_ref, b1_ref, w2_ref, gexp_ref, a2s_ref, a2d_ref,
               h2_ref, as2_ref, ad2_ref):
    p = parts_ref[0] + parts_ref[1]
    num = p[:, 0:128]
    dend = p[:, 128:136]
    den = jnp.dot(dend, gexp_ref[...], preferred_element_type=F32)
    hcur = jnp.maximum(num / (den + 1e-16) + b1_ref[...], 0.0)
    h2 = jnp.dot(hcur, w2_ref[...], preferred_element_type=F32)
    h2_ref[...] = h2
    as2_ref[...] = jnp.dot(h2, a2s_ref[...], preferred_element_type=F32)
    ad2_ref[...] = jnp.dot(h2, a2d_ref[...], preferred_element_type=F32)


def _tc_c_body(parts_ref, b2_ref, out_ref):
    p = parts_ref[0] + parts_ref[1]
    num = p[:, 0:64]
    den = p[:, 64:65]
    z = num / (den + 1e-16) + b2_ref[...]
    m = jnp.max(z, axis=1, keepdims=True)
    lse = jnp.log(jnp.sum(jnp.exp(z - m), axis=1, keepdims=True)) + m
    out_ref[...] = z - lse



_MESH = plsc.VectorSubcoreMesh(core_axis_name="c", subcore_axis_name="s")

_GDN = lax.GatherDimensionNumbers(
    offset_dims=(), collapsed_slice_dims=(0,), start_index_map=(0,))


def _lane_bcast(v, h):
    idx = jnp.full((16,), h, I32)
    return lax.gather(v, idx[:, None], _GDN, (1,),
                      mode=lax.GatherScatterMode.PROMISE_IN_BOUNDS)


def _make_sc_kernel(feat_w, acc_w, n_head_vec):

    zvecs = acc_w // 16

    @functools.partial(
        pl.kernel,
        out_type=jax.ShapeDtypeStruct((2, NPAD, acc_w), F32),
        mesh=_MESH,
        compiler_params=pltpu.CompilerParams(
            needs_layout_passes=False, use_tc_tiling_on_sc=False),
        scratch_types=[
            pltpu.VMEM((3, K), I32),
            pltpu.VMEM((3, K), I32),
            pltpu.VMEM((K, 16), F32),
            pltpu.VMEM((K, 16), F32),
            pltpu.VMEM((K, 16), F32),
            pltpu.VMEM((K, 16), F32),
            pltpu.VMEM((K, feat_w), F32),
            pltpu.VMEM((K, feat_w), F32),
            pltpu.VMEM((K, acc_w), F32),
            pltpu.VMEM((K, acc_w), F32),
            pltpu.VMEM_SHARED((NPAD, acc_w), F32),
            pltpu.SemaphoreType.DMA,
            pltpu.SemaphoreType.DMA,
            pltpu.SemaphoreType.DMA,
            pltpu.SemaphoreType.DMA,
        ],
    )
    def sc_kernel(edata, asrc, adst, htab, out,
                  ed0, ed1, ar0, ar1, br0, br1, hr0, hr1, m0, m1, acc,
                  se0, se1, sg0, sg1):
        cid = lax.axis_index("c")
        sid = lax.axis_index("s")
        wid = cid * 16 + sid
        zero16 = jnp.zeros((16,), F32)
        bufs = ((ed0, ar0, br0, hr0, m0, se0, sg0),
                (ed1, ar1, br1, hr1, m1, se1, sg1))

        @pl.loop(0, K)
        def _zero_msg(j):
            for t in range(zvecs):
                m0[j, pl.ds(16 * t, 16)] = zero16

        for b in range(ROWS_PER_TILE // K):
            pltpu.sync_copy(m0, acc.at[pl.ds(sid * ROWS_PER_TILE + b * K, K)])
        plsc.subcore_barrier()

        tbase = wid * NCHUNK

        def issue_gathers(ed, ar, br, hr, sg):
            pltpu.async_copy(asrc.at[ed.at[0]], ar, sg)
            pltpu.async_copy(adst.at[ed.at[1]], br, sg)
            pltpu.async_copy(htab.at[ed.at[0]], hr, sg)

        def wait_gathers(ed, ar, br, hr, sg):
            pltpu.make_async_copy(asrc.at[ed.at[0]], ar, sg).wait()
            pltpu.make_async_copy(adst.at[ed.at[1]], br, sg).wait()
            pltpu.make_async_copy(htab.at[ed.at[0]], hr, sg).wait()

        pltpu.async_copy(edata.at[tbase], ed0, se0).wait()
        issue_gathers(ed0, ar0, br0, hr0, sg0)
        pltpu.async_copy(edata.at[tbase + 1], ed1, se1)

        @pl.loop(0, NCHUNK // 2)
        def _pair(g):
            for u in (0, 1):
                cc = 2 * g + u
                ed, ar, br, hr, m, se, sg = bufs[u]
                edn, arn, brn, hrn, mn, sen, sgn = bufs[1 - u]

                @pl.when(cc + 1 < NCHUNK)
                def _prefetch_next():
                    pltpu.make_async_copy(
                        edata.at[tbase + cc + 1], edn, sen).wait()
                    issue_gathers(edn, arn, brn, hrn, sgn)

                wait_gathers(ed, ar, br, hr, sg)

                @pl.loop(0, K)
                def _edge(j):
                    va = ar[j, pl.ds(0, 16)]
                    vb = br[j, pl.ds(0, 16)]
                    e = va + vb
                    e = jnp.where(e >= 0.0, e, 0.2 * e)
                    ex = jnp.exp(e)
                    wb = plsc.load_gather(
                        ed, [jnp.full((16,), 2, I32), jnp.full((16,), j, I32)])
                    cf = ex * plsc.bitcast(wb, F32)
                    if n_head_vec:
                        m[j, pl.ds(feat_w - 8, 16)] = ex
                        for h in range(n_head_vec):
                            hv = hr[j, pl.ds(16 * h, 16)]
                            m[j, pl.ds(16 * h, 16)] = hv * _lane_bcast(cf, h)
                    else:
                        m[j, pl.ds(feat_w, 16)] = ex
                        for t in range(feat_w // 16):
                            hv = hr[j, pl.ds(16 * t, 16)]
                            m[j, pl.ds(16 * t, 16)] = hv * cf

                pltpu.sync_copy(m, acc.at[ed.at[1]], add=True)

                @pl.when(cc + 2 < NCHUNK)
                def _prefetch_records():
                    pltpu.async_copy(edata.at[tbase + cc + 2], ed, se)

        plsc.subcore_barrier()

        pltpu.sync_copy(
            acc.at[pl.ds(sid * ROWS_PER_TILE, ROWS_PER_TILE)],
            out.at[cid, pl.ds(sid * ROWS_PER_TILE, ROWS_PER_TILE)])

    return sc_kernel


_sc_layer1 = _make_sc_kernel(128, ACC1_W, 8)
_sc_layer2 = _make_sc_kernel(64, ACC2_W, 0)



@jax.jit
def kernel(X, A, W, W1, a_src1, a_dst1, b1, W2, a_src2, a_dst2, b2):
    xp = jnp.zeros((NPAD, D_IN), F32).at[:N].set(X)
    pad_idx = jnp.full((EPAD - E,), NPAD - 1, I32)
    sp = jnp.concatenate([A[0], pad_idx]).reshape(NW, NCHUNK, K)
    dp = jnp.concatenate([A[1], pad_idx]).reshape(NW, NCHUNK, K)
    wb = lax.bitcast_convert_type(
        jnp.concatenate([W, jnp.zeros((EPAD - E,), F32)]), I32
    ).reshape(NW, NCHUNK, K)
    edata = jnp.stack([sp, dp, wb], axis=2).reshape(NW * NCHUNK, 3, K)

    lane = jnp.arange(128)
    head16 = jnp.arange(16)
    gdup = (lane[:, None] // 16 == (head16[None, :] % 8)).astype(F32)
    head8 = jnp.arange(8)
    gexp = (lane[None, :] // 16 == head8[:, None]).astype(F32)
    af = a_src1.reshape(1, 128)
    df = a_dst1.reshape(1, 128)
    a2s = jnp.tile(a_src2.reshape(D_OUT, 1), (1, 16))
    a2d = jnp.tile(a_dst2.reshape(D_OUT, 1), (1, 16))

    blk = 1024
    grid = NPAD // blk

    h1, asd, add_ = pl.pallas_call(
        _tc_a_body,
        grid=(grid,),
        in_specs=[
            pl.BlockSpec((blk, D_IN), lambda i: (i, 0)),
            pl.BlockSpec((D_IN, 128), lambda i: (0, 0)),
            pl.BlockSpec((1, 128), lambda i: (0, 0)),
            pl.BlockSpec((1, 128), lambda i: (0, 0)),
            pl.BlockSpec((128, 16), lambda i: (0, 0)),
        ],
        out_specs=[
            pl.BlockSpec((blk, 128), lambda i: (i, 0)),
            pl.BlockSpec((blk, 16), lambda i: (i, 0)),
            pl.BlockSpec((blk, 16), lambda i: (i, 0)),
        ],
        out_shape=[
            jax.ShapeDtypeStruct((NPAD, 128), F32),
            jax.ShapeDtypeStruct((NPAD, 16), F32),
            jax.ShapeDtypeStruct((NPAD, 16), F32),
        ],
    )(xp, W1, af, df, gdup)

    parts1 = _sc_layer1(edata, asd, add_, h1)

    h2, as2, ad2 = pl.pallas_call(
        _tc_b_body,
        grid=(grid,),
        in_specs=[
            pl.BlockSpec((2, blk, ACC1_W), lambda i: (0, i, 0)),
            pl.BlockSpec((1, 128), lambda i: (0, 0)),
            pl.BlockSpec((128, D_OUT), lambda i: (0, 0)),
            pl.BlockSpec((8, 128), lambda i: (0, 0)),
            pl.BlockSpec((D_OUT, 16), lambda i: (0, 0)),
            pl.BlockSpec((D_OUT, 16), lambda i: (0, 0)),
        ],
        out_specs=[
            pl.BlockSpec((blk, D_OUT), lambda i: (i, 0)),
            pl.BlockSpec((blk, 16), lambda i: (i, 0)),
            pl.BlockSpec((blk, 16), lambda i: (i, 0)),
        ],
        out_shape=[
            jax.ShapeDtypeStruct((NPAD, D_OUT), F32),
            jax.ShapeDtypeStruct((NPAD, 16), F32),
            jax.ShapeDtypeStruct((NPAD, 16), F32),
        ],
    )(parts1, b1.reshape(1, 128), W2, gexp, a2s, a2d)

    parts2 = _sc_layer2(edata, as2, ad2, h2)

    out = pl.pallas_call(
        _tc_c_body,
        grid=(grid,),
        in_specs=[
            pl.BlockSpec((2, blk, ACC2_W), lambda i: (0, i, 0)),
            pl.BlockSpec((1, D_OUT), lambda i: (0, 0)),
        ],
        out_specs=pl.BlockSpec((blk, D_OUT), lambda i: (i, 0)),
        out_shape=jax.ShapeDtypeStruct((NPAD, D_OUT), F32),
    )(parts2, b2.reshape(1, D_OUT))

    return out[:N]

# --- scband reference (transcript-rebuilt; emitter-appended) ---
"""Pipeline reference for scband-gat-11089605558973 (READ-ONLY COPY).

The authoritative reference and input builder live on the scoring server;
editing this copy changes nothing except your own understanding.
"""

import jax, jax.numpy as jnp
import numpy as np

N = 10000
E = 320000
D_IN = 128
HID = 16
HEADS = 8
D_OUT = 64


def _gat_conv(x, edge_index, edge_w, lin, a_src, a_dst, bias, heads, out_dim, concat):
    n = x.shape[0]
    h = (x @ lin).reshape(n, heads, out_dim)
    src = edge_index[0]
    dst = edge_index[1]
    alpha_src = (h * a_src[None, :, :]).sum(-1)  # [N, heads]
    alpha_dst = (h * a_dst[None, :, :]).sum(-1)  # [N, heads]
    e = alpha_src[src] + alpha_dst[dst]          # [E, heads]
    e = jax.nn.leaky_relu(e, negative_slope=0.2)
    # segment softmax over incoming edges per dst node
    e_max = jax.ops.segment_max(e, dst, num_segments=n)
    e_max = jnp.where(jnp.isfinite(e_max), e_max, 0.0)
    ex = jnp.exp(e - e_max[dst])
    denom = jax.ops.segment_sum(ex, dst, num_segments=n)
    alpha = ex / (denom[dst] + 1e-16)            # [E, heads]
    alpha = alpha * edge_w[:, None]              # modulate by edge weight
    msg = h[src] * alpha[:, :, None]             # [E, heads, out_dim]
    out = jax.ops.segment_sum(msg, dst, num_segments=n)  # [N, heads, out_dim]
    if concat:
        out = out.reshape(n, heads * out_dim)
        out = out + bias
    else:
        out = out.mean(axis=1)
        out = out + bias
    return out


def setup_inputs(seed: int = 0) -> dict:
    key = jax.random.key(seed)
    ks = jax.random.split(key, 12)
    X = jax.random.normal(ks[0], (N, D_IN), dtype=jnp.float32)
    A = jax.random.randint(ks[1], (2, E), 0, N, dtype=jnp.int32)
    W = jax.random.uniform(ks[2], (E,), dtype=jnp.float32)
    s = 0.1
    W1 = jax.random.normal(ks[3], (D_IN, HEADS * HID), dtype=jnp.float32) * s
    a_src1 = jax.random.normal(ks[4], (HEADS, HID), dtype=jnp.float32) * s
    a_dst1 = jax.random.normal(ks[5], (HEADS, HID), dtype=jnp.float32) * s
    b1 = jnp.zeros((HEADS * HID,), dtype=jnp.float32)
    W2 = jax.random.normal(ks[6], (HEADS * HID, 1 * D_OUT), dtype=jnp.float32) * s
    a_src2 = jax.random.normal(ks[7], (1, D_OUT), dtype=jnp.float32) * s
    a_dst2 = jax.random.normal(ks[8], (1, D_OUT), dtype=jnp.float32) * s
    b2 = jnp.zeros((D_OUT,), dtype=jnp.float32)
    return {"X": X, "A": A, "W": W, "W1": W1, "a_src1": a_src1, "a_dst1": a_dst1, "b1": b1, "W2": W2, "a_src2": a_src2, "a_dst2": a_dst2, "b2": b2}


def reference(X, A, W, W1, a_src1, a_dst1, b1, W2, a_src2, a_dst2, b2):
    # layer 1: GATConv(input_dim, hidden, heads=8), concat=True, then ReLU
    H = _gat_conv(X, A, W, W1, a_src1, a_dst1, b1, HEADS, HID, True)
    H = jax.nn.relu(H)
    # dropout with training=False -> identity
    # layer 2: GATConv(heads*hidden, output_dim, heads=1, concat=False)
    Z = _gat_conv(H, A, W, W2, a_src2, a_dst2, b2, 1, D_OUT, False)
    return jax.nn.log_softmax(Z, axis=1)

if __name__ == "__main__":
    import jax
    _d = setup_inputs()
    print(jax.jit(kernel)(*tuple(_d.values())))

</pallas_src>

<mosaic_0001>
#map = affine_map<(d0, d1) -> (0, 0, 0)>
#map1 = affine_map<(d0, d1) -> (0, 0)>
module attributes {stable_mosaic.version = 14 : i64} {
  func.func @sc_kernel(%arg0: i32, %arg1: i32, %arg2: memref<5120x3x64xi32, #tpu.memory_space<hbm>>, %arg3: memref<10240x16xf32, #tpu.memory_space<hbm>>, %arg4: memref<10240x16xf32, #tpu.memory_space<hbm>>, %arg5: memref<10240x64xf32, #tpu.memory_space<hbm>>, %arg6: memref<2x10240x80xf32, #tpu.memory_space<hbm>>, %arg7: memref<3x64xi32, #tpu.memory_space<vmem>>, %arg8: memref<3x64xi32, #tpu.memory_space<vmem>>, %arg9: memref<64x16xf32, #tpu.memory_space<vmem>>, %arg10: memref<64x16xf32, #tpu.memory_space<vmem>>, %arg11: memref<64x16xf32, #tpu.memory_space<vmem>>, %arg12: memref<64x16xf32, #tpu.memory_space<vmem>>, %arg13: memref<64x64xf32, #tpu.memory_space<vmem>>, %arg14: memref<64x64xf32, #tpu.memory_space<vmem>>, %arg15: memref<64x80xf32, #tpu.memory_space<vmem>>, %arg16: memref<64x80xf32, #tpu.memory_space<vmem>>, %arg17: memref<10240x80xf32, #tpu.memory_space<vmem_shared>>, %arg18: memref<!tpu.dma_semaphore, #tpu.memory_space<semaphore_mem>>, %arg19: memref<!tpu.dma_semaphore, #tpu.memory_space<semaphore_mem>>, %arg20: memref<!tpu.dma_semaphore, #tpu.memory_space<semaphore_mem>>, %arg21: memref<!tpu.dma_semaphore, #tpu.memory_space<semaphore_mem>>) attributes {dimension_semantics = [#tpu.dimension_semantics<core_parallel>, #tpu.dimension_semantics<subcore_parallel>], iteration_bounds = array<i64: 2, 16>, scalar_prefetch = 0 : i64, scratch_operands = 15 : i64, tpu.core_type = #tpu.core_type<sc_vector_subcore>, window_params = [{transform_indices = #map}, {transform_indices = #map1}, {transform_indices = #map1}, {transform_indices = #map1}, {transform_indices = #map}]} {
    %mul3A = arith.constant 16 : i32
    %mul3A_0 = arith.muli %arg0, %mul3A : i32
    %add3A = arith.addi %mul3A_0, %arg1 : i32
    %broadcast_in_dim3A = arith.constant 0.000000e+00 : f32
    %broadcast_in_dim3A_1 = vector.broadcast %broadcast_in_dim3A : f32 to vector<16xf32>
    %scan3A = arith.constant 0 : i32
    %scan3A_2 = arith.constant 64 : i32
    %scan3A_3 = arith.addi %scan3A, %scan3A_2 : i32
    %scan3A_4 = arith.constant 1 : i32
    scf.for %scan3A_103 = %scan3A to %scan3A_3 step %scan3A_4  : i32 {
      %mul3A_104 = arith.constant 1 : i32
      %mul3A_105 = arith.muli %scan3A_103, %mul3A_104 : i32
      %add3A_106 = arith.constant 0 : i32
      %add3A_107 = arith.addi %add3A_106, %mul3A_105 : i32
      %swap3A = arith.index_cast %add3A_107 : i32 to index
      %swap3A_108 = arith.constant 0 : index
      %swap3A_109 = tpu.vector_load %arg15[%swap3A, %swap3A_108] {strides = array<i32>} : memref<64x80xf32, #tpu.memory_space<vmem>>, vector<16xf32>,
      tpu.vector_store %arg15[%swap3A, %swap3A_108], %broadcast_in_dim3A_1 {strides = array<i32>} : memref<64x80xf32, #tpu.memory_space<vmem>>, vector<16xf32>,
      %swap3A_110 = arith.index_cast %add3A_107 : i32 to index
      %swap3A_111 = arith.constant 16 : index
      %swap3A_112 = tpu.vector_load %arg15[%swap3A_110, %swap3A_111] {strides = array<i32>} : memref<64x80xf32, #tpu.memory_space<vmem>>, vector<16xf32>,
      tpu.vector_store %arg15[%swap3A_110, %swap3A_111], %broadcast_in_dim3A_1 {strides = array<i32>} : memref<64x80xf32, #tpu.memory_space<vmem>>, vector<16xf32>,
      %swap3A_113 = arith.index_cast %add3A_107 : i32 to index
      %swap3A_114 = arith.constant 32 : index
      %swap3A_115 = tpu.vector_load %arg15[%swap3A_113, %swap3A_114] {strides = array<i32>} : memref<64x80xf32, #tpu.memory_space<vmem>>, vector<16xf32>,
      tpu.vector_store %arg15[%swap3A_113, %swap3A_114], %broadcast_in_dim3A_1 {strides = array<i32>} : memref<64x80xf32, #tpu.memory_space<vmem>>, vector<16xf32>,
      %swap3A_116 = arith.index_cast %add3A_107 : i32 to index
      %swap3A_117 = arith.constant 48 : index
      %swap3A_118 = tpu.vector_load %arg15[%swap3A_116, %swap3A_117] {strides = array<i32>} : memref<64x80xf32, #tpu.memory_space<vmem>>, vector<16xf32>,
      tpu.vector_store %arg15[%swap3A_116, %swap3A_117], %broadcast_in_dim3A_1 {strides = array<i32>} : memref<64x80xf32, #tpu.memory_space<vmem>>, vector<16xf32>,
      %swap3A_119 = arith.index_cast %add3A_107 : i32 to index
      %swap3A_120 = arith.constant 64 : index
      %swap3A_121 = tpu.vector_load %arg15[%swap3A_119, %swap3A_120] {strides = array<i32>} : memref<64x80xf32, #tpu.memory_space<vmem>>, vector<16xf32>,
      tpu.vector_store %arg15[%swap3A_119, %swap3A_120], %broadcast_in_dim3A_1 {strides = array<i32>} : memref<64x80xf32, #tpu.memory_space<vmem>>, vector<16xf32>,
    }
    %scan3A_5 = arith.constant 64 : i32
    %mul3A_6 = arith.constant 640 : i32
    %mul3A_7 = arith.muli %arg1, %mul3A_6 : i32
    %add3A_8 = arith.constant 0 : i32
    %add3A_9 = arith.addi %mul3A_7, %add3A_8 : i32
    "tpu.region"() ({
      %run_scoped3A = tpu.sem_alloc : memref<!tpu.dma_semaphore, #tpu.memory_space<semaphore_mem>>
      %dma_start3A_103 = arith.constant 0 : i32
      %dma_start3A_104 = tpu.memref_slice %arg17[%add3A_9, %dma_start3A_103] : memref<10240x80xf32, #tpu.memory_space<vmem_shared>> -> memref<64x80xf32, #tpu.memory_space<vmem_shared>>
      %dma_start3A_105 = arith.constant 0 : i32
      %dma_start3A_106 = tpu.memref_slice %arg17[%add3A_9, %dma_start3A_105] : memref<10240x80xf32, #tpu.memory_space<vmem_shared>> -> memref<64x80xf32, #tpu.memory_space<vmem_shared>>
      tpu.enqueue_dma source(%arg15 : memref<64x80xf32, #tpu.memory_space<vmem>>) target(%dma_start3A_106 : memref<64x80xf32, #tpu.memory_space<vmem_shared>>) target_semaphore(%run_scoped3A : memref<!tpu.dma_semaphore, #tpu.memory_space<semaphore_mem>>)
      %dma_wait3A_107 = arith.constant 0 : i32
      %dma_wait3A_108 = tpu.memref_slice %arg17[%add3A_9, %dma_wait3A_107] : memref<10240x80xf32, #tpu.memory_space<vmem_shared>> -> memref<64x80xf32, #tpu.memory_space<vmem_shared>>
      %dma_wait3A_109 = arith.constant 0 : i32
      %dma_wait3A_110 = tpu.memref_slice %arg17[%add3A_9, %dma_wait3A_109] : memref<10240x80xf32, #tpu.memory_space<vmem_shared>> -> memref<64x80xf32, #tpu.memory_space<vmem_shared>>
      tpu.wait_dma2 semaphore(%run_scoped3A : memref<!tpu.dma_semaphore, #tpu.memory_space<semaphore_mem>>) src(%arg15 : memref<64x80xf32, #tpu.memory_space<vmem>>) dst(%dma_wait3A_110 : memref<64x80xf32, #tpu.memory_space<vmem_shared>>)
      tpu.yield
    }) : () -> ()
    %mul3A_10 = arith.constant 640 : i32
    %mul3A_11 = arith.muli %arg1, %mul3A_10 : i32
    %add3A_12 = arith.constant 64 : i32
    %add3A_13 = arith.addi %mul3A_11, %add3A_12 : i32
    "tpu.region"() ({
      %run_scoped3A = tpu.sem_alloc : memref<!tpu.dma_semaphore, #tpu.memory_space<semaphore_mem>>
      %dma_start3A_103 = arith.constant 0 : i32
      %dma_start3A_104 = tpu.memref_slice %arg17[%add3A_13, %dma_start3A_103] : memref<10240x80xf32, #tpu.memory_space<vmem_shared>> -> memref<64x80xf32, #tpu.memory_space<vmem_shared>>
      %dma_start3A_105 = arith.constant 0 : i32
      %dma_start3A_106 = tpu.memref_slice %arg17[%add3A_13, %dma_start3A_105] : memref<10240x80xf32, #tpu.memory_space<vmem_shared>> -> memref<64x80xf32, #tpu.memory_space<vmem_shared>>
      tpu.enqueue_dma source(%arg15 : memref<64x80xf32, #tpu.memory_space<vmem>>) target(%dma_start3A_106 : memref<64x80xf32, #tpu.memory_space<vmem_shared>>) target_semaphore(%run_scoped3A : memref<!tpu.dma_semaphore, #tpu.memory_space<semaphore_mem>>)
      %dma_wait3A_107 = arith.constant 0 : i32
      %dma_wait3A_108 = tpu.memref_slice %arg17[%add3A_13, %dma_wait3A_107] : memref<10240x80xf32, #tpu.memory_space<vmem_shared>> -> memref<64x80xf32, #tpu.memory_space<vmem_shared>>
      %dma_wait3A_109 = arith.constant 0 : i32
      %dma_wait3A_110 = tpu.memref_slice %arg17[%add3A_13, %dma_wait3A_109] : memref<10240x80xf32, #tpu.memory_space<vmem_shared>> -> memref<64x80xf32, #tpu.memory_space<vmem_shared>>
      tpu.wait_dma2 semaphore(%run_scoped3A : memref<!tpu.dma_semaphore, #tpu.memory_space<semaphore_mem>>) src(%arg15 : memref<64x80xf32, #tpu.memory_space<vmem>>) dst(%dma_wait3A_110 : memref<64x80xf32, #tpu.memory_space<vmem_shared>>)
      tpu.yield
    }) : () -> ()
    %mul3A_14 = arith.constant 640 : i32
    %mul3A_15 = arith.muli %arg1, %mul3A_14 : i32
    %add3A_16 = arith.constant 128 : i32
    %add3A_17 = arith.addi %mul3A_15, %add3A_16 : i32
    "tpu.region"() ({
      %run_scoped3A = tpu.sem_alloc : memref<!tpu.dma_semaphore, #tpu.memory_space<semaphore_mem>>
      %dma_start3A_103 = arith.constant 0 : i32
      %dma_start3A_104 = tpu.memref_slice %arg17[%add3A_17, %dma_start3A_103] : memref<10240x80xf32, #tpu.memory_space<vmem_shared>> -> memref<64x80xf32, #tpu.memory_space<vmem_shared>>
      %dma_start3A_105 = arith.constant 0 : i32
      %dma_start3A_106 = tpu.memref_slice %arg17[%add3A_17, %dma_start3A_105] : memref<10240x80xf32, #tpu.memory_space<vmem_shared>> -> memref<64x80xf32, #tpu.memory_space<vmem_shared>>
      tpu.enqueue_dma source(%arg15 : memref<64x80xf32, #tpu.memory_space<vmem>>) target(%dma_start3A_106 : memref<64x80xf32, #tpu.memory_space<vmem_shared>>) target_semaphore(%run_scoped3A : memref<!tpu.dma_semaphore, #tpu.memory_space<semaphore_mem>>)
      %dma_wait3A_107 = arith.constant 0 : i32
      %dma_wait3A_108 = tpu.memref_slice %arg17[%add3A_17, %dma_wait3A_107] : memref<10240x80xf32, #tpu.memory_space<vmem_shared>> -> memref<64x80xf32, #tpu.memory_space<vmem_shared>>
      %dma_wait3A_109 = arith.constant 0 : i32
      %dma_wait3A_110 = tpu.memref_slice %arg17[%add3A_17, %dma_wait3A_109] : memref<10240x80xf32, #tpu.memory_space<vmem_shared>> -> memref<64x80xf32, #tpu.memory_space<vmem_shared>>
      tpu.wait_dma2 semaphore(%run_scoped3A : memref<!tpu.dma_semaphore, #tpu.memory_space<semaphore_mem>>) src(%arg15 : memref<64x80xf32, #tpu.memory_space<vmem>>) dst(%dma_wait3A_110 : memref<64x80xf32, #tpu.memory_space<vmem_shared>>)
      tpu.yield
    }) : () -> ()
    %mul3A_18 = arith.constant 640 : i32
    %mul3A_19 = arith.muli %arg1, %mul3A_18 : i32
    %add3A_20 = arith.constant 192 : i32
    %add3A_21 = arith.addi %mul3A_19, %add3A_20 : i32
    "tpu.region"() ({
      %run_scoped3A = tpu.sem_alloc : memref<!tpu.dma_semaphore, #tpu.memory_space<semaphore_mem>>
      %dma_start3A_103 = arith.constant 0 : i32
      %dma_start3A_104 = tpu.memref_slice %arg17[%add3A_21, %dma_start3A_103] : memref<10240x80xf32, #tpu.memory_space<vmem_shared>> -> memref<64x80xf32, #tpu.memory_space<vmem_shared>>
      %dma_start3A_105 = arith.constant 0 : i32
      %dma_start3A_106 = tpu.memref_slice %arg17[%add3A_21, %dma_start3A_105] : memref<10240x80xf32, #tpu.memory_space<vmem_shared>> -> memref<64x80xf32, #tpu.memory_space<vmem_shared>>
      tpu.enqueue_dma source(%arg15 : memref<64x80xf32, #tpu.memory_space<vmem>>) target(%dma_start3A_106 : memref<64x80xf32, #tpu.memory_space<vmem_shared>>) target_semaphore(%run_scoped3A : memref<!tpu.dma_semaphore, #tpu.memory_space<semaphore_mem>>)
      %dma_wait3A_107 = arith.constant 0 : i32
      %dma_wait3A_108 = tpu.memref_slice %arg17[%add3A_21, %dma_wait3A_107] : memref<10240x80xf32, #tpu.memory_space<vmem_shared>> -> memref<64x80xf32, #tpu.memory_space<vmem_shared>>
      %dma_wait3A_109 = arith.constant 0 : i32
      %dma_wait3A_110 = tpu.memref_slice %arg17[%add3A_21, %dma_wait3A_109] : memref<10240x80xf32, #tpu.memory_space<vmem_shared>> -> memref<64x80xf32, #tpu.memory_space<vmem_shared>>
      tpu.wait_dma2 semaphore(%run_scoped3A : memref<!tpu.dma_semaphore, #tpu.memory_space<semaphore_mem>>) src(%arg15 : memref<64x80xf32, #tpu.memory_space<vmem>>) dst(%dma_wait3A_110 : memref<64x80xf32, #tpu.memory_space<vmem_shared>>)
      tpu.yield
    }) : () -> ()
    %mul3A_22 = arith.constant 640 : i32
    %mul3A_23 = arith.muli %arg1, %mul3A_22 : i32
    %add3A_24 = arith.constant 256 : i32
    %add3A_25 = arith.addi %mul3A_23, %add3A_24 : i32
    "tpu.region"() ({
      %run_scoped3A = tpu.sem_alloc : memref<!tpu.dma_semaphore, #tpu.memory_space<semaphore_mem>>
      %dma_start3A_103 = arith.constant 0 : i32
      %dma_start3A_104 = tpu.memref_slice %arg17[%add3A_25, %dma_start3A_103] : memref<10240x80xf32, #tpu.memory_space<vmem_shared>> -> memref<64x80xf32, #tpu.memory_space<vmem_shared>>
      %dma_start3A_105 = arith.constant 0 : i32
      %dma_start3A_106 = tpu.memref_slice %arg17[%add3A_25, %dma_start3A_105] : memref<10240x80xf32, #tpu.memory_space<vmem_shared>> -> memref<64x80xf32, #tpu.memory_space<vmem_shared>>
      tpu.enqueue_dma source(%arg15 : memref<64x80xf32, #tpu.memory_space<vmem>>) target(%dma_start3A_106 : memref<64x80xf32, #tpu.memory_space<vmem_shared>>) target_semaphore(%run_scoped3A : memref<!tpu.dma_semaphore, #tpu.memory_space<semaphore_mem>>)
      %dma_wait3A_107 = arith.constant 0 : i32
      %dma_wait3A_108 = tpu.memref_slice %arg17[%add3A_25, %dma_wait3A_107] : memref<10240x80xf32, #tpu.memory_space<vmem_shared>> -> memref<64x80xf32, #tpu.memory_space<vmem_shared>>
      %dma_wait3A_109 = arith.constant 0 : i32
      %dma_wait3A_110 = tpu.memref_slice %arg17[%add3A_25, %dma_wait3A_109] : memref<10240x80xf32, #tpu.memory_space<vmem_shared>> -> memref<64x80xf32, #tpu.memory_space<vmem_shared>>
      tpu.wait_dma2 semaphore(%run_scoped3A : memref<!tpu.dma_semaphore, #tpu.memory_space<semaphore_mem>>) src(%arg15 : memref<64x80xf32, #tpu.memory_space<vmem>>) dst(%dma_wait3A_110 : memref<64x80xf32, #tpu.memory_space<vmem_shared>>)
      tpu.yield
    }) : () -> ()
    %mul3A_26 = arith.constant 640 : i32
    %mul3A_27 = arith.muli %arg1, %mul3A_26 : i32
    %add3A_28 = arith.constant 320 : i32
    %add3A_29 = arith.addi %mul3A_27, %add3A_28 : i32
    "tpu.region"() ({
      %run_scoped3A = tpu.sem_alloc : memref<!tpu.dma_semaphore, #tpu.memory_space<semaphore_mem>>
      %dma_start3A_103 = arith.constant 0 : i32
      %dma_start3A_104 = tpu.memref_slice %arg17[%add3A_29, %dma_start3A_103] : memref<10240x80xf32, #tpu.memory_space<vmem_shared>> -> memref<64x80xf32, #tpu.memory_space<vmem_shared>>
      %dma_start3A_105 = arith.constant 0 : i32
      %dma_start3A_106 = tpu.memref_slice %arg17[%add3A_29, %dma_start3A_105] : memref<10240x80xf32, #tpu.memory_space<vmem_shared>> -> memref<64x80xf32, #tpu.memory_space<vmem_shared>>
      tpu.enqueue_dma source(%arg15 : memref<64x80xf32, #tpu.memory_space<vmem>>) target(%dma_start3A_106 : memref<64x80xf32, #tpu.memory_space<vmem_shared>>) target_semaphore(%run_scoped3A : memref<!tpu.dma_semaphore, #tpu.memory_space<semaphore_mem>>)
      %dma_wait3A_107 = arith.constant 0 : i32
      %dma_wait3A_108 = tpu.memref_slice %arg17[%add3A_29, %dma_wait3A_107] : memref<10240x80xf32, #tpu.memory_space<vmem_shared>> -> memref<64x80xf32, #tpu.memory_space<vmem_shared>>
      %dma_wait3A_109 = arith.constant 0 : i32
      %dma_wait3A_110 = tpu.memref_slice %arg17[%add3A_29, %dma_wait3A_109] : memref<10240x80xf32, #tpu.memory_space<vmem_shared>> -> memref<64x80xf32, #tpu.memory_space<vmem_shared>>
      tpu.wait_dma2 semaphore(%run_scoped3A : memref<!tpu.dma_semaphore, #tpu.memory_space<semaphore_mem>>) src(%arg15 : memref<64x80xf32, #tpu.memory_space<vmem>>) dst(%dma_wait3A_110 : memref<64x80xf32, #tpu.memory_space<vmem_shared>>)
      tpu.yield
    }) : () -> ()
    %mul3A_30 = arith.constant 640 : i32
    %mul3A_31 = arith.muli %arg1, %mul3A_30 : i32
    %add3A_32 = arith.constant 384 : i32
    %add3A_33 = arith.addi %mul3A_31, %add3A_32 : i32
    "tpu.region"() ({
      %run_scoped3A = tpu.sem_alloc : memref<!tpu.dma_semaphore, #tpu.memory_space<semaphore_mem>>
      %dma_start3A_103 = arith.constant 0 : i32
      %dma_start3A_104 = tpu.memref_slice %arg17[%add3A_33, %dma_start3A_103] : memref<10240x80xf32, #tpu.memory_space<vmem_shared>> -> memref<64x80xf32, #tpu.memory_space<vmem_shared>>
      %dma_start3A_105 = arith.constant 0 : i32
      %dma_start3A_106 = tpu.memref_slice %arg17[%add3A_33, %dma_start3A_105] : memref<10240x80xf32, #tpu.memory_space<vmem_shared>> -> memref<64x80xf32, #tpu.memory_space<vmem_shared>>
      tpu.enqueue_dma source(%arg15 : memref<64x80xf32, #tpu.memory_space<vmem>>) target(%dma_start3A_106 : memref<64x80xf32, #tpu.memory_space<vmem_shared>>) target_semaphore(%run_scoped3A : memref<!tpu.dma_semaphore, #tpu.memory_space<semaphore_mem>>)
      %dma_wait3A_107 = arith.constant 0 : i32
      %dma_wait3A_108 = tpu.memref_slice %arg17[%add3A_33, %dma_wait3A_107] : memref<10240x80xf32, #tpu.memory_space<vmem_shared>> -> memref<64x80xf32, #tpu.memory_space<vmem_shared>>
      %dma_wait3A_109 = arith.constant 0 : i32
      %dma_wait3A_110 = tpu.memref_slice %arg17[%add3A_33, %dma_wait3A_109] : memref<10240x80xf32, #tpu.memory_space<vmem_shared>> -> memref<64x80xf32, #tpu.memory_space<vmem_shared>>
      tpu.wait_dma2 semaphore(%run_scoped3A : memref<!tpu.dma_semaphore, #tpu.memory_space<semaphore_mem>>) src(%arg15 : memref<64x80xf32, #tpu.memory_space<vmem>>) dst(%dma_wait3A_110 : memref<64x80xf32, #tpu.memory_space<vmem_shared>>)
      tpu.yield
    }) : () -> ()
    %mul3A_34 = arith.constant 640 : i32
    %mul3A_35 = arith.muli %arg1, %mul3A_34 : i32
    %add3A_36 = arith.constant 448 : i32
    %add3A_37 = arith.addi %mul3A_35, %add3A_36 : i32
    "tpu.region"() ({
      %run_scoped3A = tpu.sem_alloc : memref<!tpu.dma_semaphore, #tpu.memory_space<semaphore_mem>>
      %dma_start3A_103 = arith.constant 0 : i32
      %dma_start3A_104 = tpu.memref_slice %arg17[%add3A_37, %dma_start3A_103] : memref<10240x80xf32, #tpu.memory_space<vmem_shared>> -> memref<64x80xf32, #tpu.memory_space<vmem_shared>>
      %dma_start3A_105 = arith.constant 0 : i32
      %dma_start3A_106 = tpu.memref_slice %arg17[%add3A_37, %dma_start3A_105] : memref<10240x80xf32, #tpu.memory_space<vmem_shared>> -> memref<64x80xf32, #tpu.memory_space<vmem_shared>>
      tpu.enqueue_dma source(%arg15 : memref<64x80xf32, #tpu.memory_space<vmem>>) target(%dma_start3A_106 : memref<64x80xf32, #tpu.memory_space<vmem_shared>>) target_semaphore(%run_scoped3A : memref<!tpu.dma_semaphore, #tpu.memory_space<semaphore_mem>>)
      %dma_wait3A_107 = arith.constant 0 : i32
      %dma_wait3A_108 = tpu.memref_slice %arg17[%add3A_37, %dma_wait3A_107] : memref<10240x80xf32, #tpu.memory_space<vmem_shared>> -> memref<64x80xf32, #tpu.memory_space<vmem_shared>>
      %dma_wait3A_109 = arith.constant 0 : i32
      %dma_wait3A_110 = tpu.memref_slice %arg17[%add3A_37, %dma_wait3A_109] : memref<10240x80xf32, #tpu.memory_space<vmem_shared>> -> memref<64x80xf32, #tpu.memory_space<vmem_shared>>
      tpu.wait_dma2 semaphore(%run_scoped3A : memref<!tpu.dma_semaphore, #tpu.memory_space<semaphore_mem>>) src(%arg15 : memref<64x80xf32, #tpu.memory_space<vmem>>) dst(%dma_wait3A_110 : memref<64x80xf32, #tpu.memory_space<vmem_shared>>)
      tpu.yield
    }) : () -> ()
    %mul3A_38 = arith.constant 640 : i32
    %mul3A_39 = arith.muli %arg1, %mul3A_38 : i32
    %add3A_40 = arith.constant 512 : i32
    %add3A_41 = arith.addi %mul3A_39, %add3A_40 : i32
    "tpu.region"() ({
      %run_scoped3A = tpu.sem_alloc : memref<!tpu.dma_semaphore, #tpu.memory_space<semaphore_mem>>
      %dma_start3A_103 = arith.constant 0 : i32
      %dma_start3A_104 = tpu.memref_slice %arg17[%add3A_41, %dma_start3A_103] : memref<10240x80xf32, #tpu.memory_space<vmem_shared>> -> memref<64x80xf32, #tpu.memory_space<vmem_shared>>
      %dma_start3A_105 = arith.constant 0 : i32
      %dma_start3A_106 = tpu.memref_slice %arg17[%add3A_41, %dma_start3A_105] : memref<10240x80xf32, #tpu.memory_space<vmem_shared>> -> memref<64x80xf32, #tpu.memory_space<vmem_shared>>
      tpu.enqueue_dma source(%arg15 : memref<64x80xf32, #tpu.memory_space<vmem>>) target(%dma_start3A_106 : memref<64x80xf32, #tpu.memory_space<vmem_shared>>) target_semaphore(%run_scoped3A : memref<!tpu.dma_semaphore, #tpu.memory_space<semaphore_mem>>)
      %dma_wait3A_107 = arith.constant 0 : i32
      %dma_wait3A_108 = tpu.memref_slice %arg17[%add3A_41, %dma_wait3A_107] : memref<10240x80xf32, #tpu.memory_space<vmem_shared>> -> memref<64x80xf32, #tpu.memory_space<vmem_shared>>
      %dma_wait3A_109 = arith.constant 0 : i32
      %dma_wait3A_110 = tpu.memref_slice %arg17[%add3A_41, %dma_wait3A_109] : memref<10240x80xf32, #tpu.memory_space<vmem_shared>> -> memref<64x80xf32, #tpu.memory_space<vmem_shared>>
      tpu.wait_dma2 semaphore(%run_scoped3A : memref<!tpu.dma_semaphore, #tpu.memory_space<semaphore_mem>>) src(%arg15 : memref<64x80xf32, #tpu.memory_space<vmem>>) dst(%dma_wait3A_110 : memref<64x80xf32, #tpu.memory_space<vmem_shared>>)
      tpu.yield
    }) : () -> ()
    %mul3A_42 = arith.constant 640 : i32
    %mul3A_43 = arith.muli %arg1, %mul3A_42 : i32
    %add3A_44 = arith.constant 576 : i32
    %add3A_45 = arith.addi %mul3A_43, %add3A_44 : i32
    "tpu.region"() ({
      %run_scoped3A = tpu.sem_alloc : memref<!tpu.dma_semaphore, #tpu.memory_space<semaphore_mem>>
      %dma_start3A_103 = arith.constant 0 : i32
      %dma_start3A_104 = tpu.memref_slice %arg17[%add3A_45, %dma_start3A_103] : memref<10240x80xf32, #tpu.memory_space<vmem_shared>> -> memref<64x80xf32, #tpu.memory_space<vmem_shared>>
      %dma_start3A_105 = arith.constant 0 : i32
      %dma_start3A_106 = tpu.memref_slice %arg17[%add3A_45, %dma_start3A_105] : memref<10240x80xf32, #tpu.memory_space<vmem_shared>> -> memref<64x80xf32, #tpu.memory_space<vmem_shared>>
      tpu.enqueue_dma source(%arg15 : memref<64x80xf32, #tpu.memory_space<vmem>>) target(%dma_start3A_106 : memref<64x80xf32, #tpu.memory_space<vmem_shared>>) target_semaphore(%run_scoped3A : memref<!tpu.dma_semaphore, #tpu.memory_space<semaphore_mem>>)
      %dma_wait3A_107 = arith.constant 0 : i32
      %dma_wait3A_108 = tpu.memref_slice %arg17[%add3A_45, %dma_wait3A_107] : memref<10240x80xf32, #tpu.memory_space<vmem_shared>> -> memref<64x80xf32, #tpu.memory_space<vmem_shared>>
      %dma_wait3A_109 = arith.constant 0 : i32
      %dma_wait3A_110 = tpu.memref_slice %arg17[%add3A_45, %dma_wait3A_109] : memref<10240x80xf32, #tpu.memory_space<vmem_shared>> -> memref<64x80xf32, #tpu.memory_space<vmem_shared>>
      tpu.wait_dma2 semaphore(%run_scoped3A : memref<!tpu.dma_semaphore, #tpu.memory_space<semaphore_mem>>) src(%arg15 : memref<64x80xf32, #tpu.memory_space<vmem>>) dst(%dma_wait3A_110 : memref<64x80xf32, #tpu.memory_space<vmem_shared>>)
      tpu.yield
    }) : () -> ()
    %barrier3A = arith.constant 0 : index
    tpu.barrier barrier_id(%barrier3A)
    %mul3A_46 = arith.constant 160 : i32
    %mul3A_47 = arith.muli %add3A, %mul3A_46 : i32
    %dma_start3A = arith.constant 0 : i32
    %dma_start3A_48 = arith.constant 0 : i32
    %dma_start3A_49 = tpu.memref_slice %arg2[%mul3A_47, %dma_start3A, %dma_start3A_48] : memref<5120x3x64xi32, #tpu.memory_space<hbm>> -> memref<1x3x64xi32, #tpu.memory_space<hbm>>
    %dma_start3A_50 = tpu.memref_squeeze %dma_start3A_49 : memref<1x3x64xi32, #tpu.memory_space<hbm>> -> memref<3x64xi32, #tpu.memory_space<hbm>>
    %dma_start3A_51 = arith.constant 0 : i32
    %dma_start3A_52 = arith.constant 0 : i32
    %dma_start3A_53 = tpu.memref_slice %arg2[%mul3A_47, %dma_start3A_51, %dma_start3A_52] : memref<5120x3x64xi32, #tpu.memory_space<hbm>> -> memref<1x3x64xi32, #tpu.memory_space<hbm>>
    %dma_start3A_54 = tpu.memref_squeeze %dma_start3A_53 : memref<1x3x64xi32, #tpu.memory_space<hbm>> -> memref<3x64xi32, #tpu.memory_space<hbm>>
    tpu.enqueue_dma source(%dma_start3A_54 : memref<3x64xi32, #tpu.memory_space<hbm>>) target(%arg7 : memref<3x64xi32, #tpu.memory_space<vmem>>) target_semaphore(%arg18 : memref<!tpu.dma_semaphore, #tpu.memory_space<semaphore_mem>>)
    %dma_wait3A = arith.constant 0 : i32
    %dma_wait3A_55 = arith.constant 0 : i32
    %dma_wait3A_56 = tpu.memref_slice %arg2[%mul3A_47, %dma_wait3A, %dma_wait3A_55] : memref<5120x3x64xi32, #tpu.memory_space<hbm>> -> memref<1x3x64xi32, #tpu.memory_space<hbm>>
    %dma_wait3A_57 = tpu.memref_squeeze %dma_wait3A_56 : memref<1x3x64xi32, #tpu.memory_space<hbm>> -> memref<3x64xi32, #tpu.memory_space<hbm>>
    %dma_wait3A_58 = arith.constant 0 : i32
    %dma_wait3A_59 = arith.constant 0 : i32
    %dma_wait3A_60 = tpu.memref_slice %arg2[%mul3A_47, %dma_wait3A_58, %dma_wait3A_59] : memref<5120x3x64xi32, #tpu.memory_space<hbm>> -> memref<1x3x64xi32, #tpu.memory_space<hbm>>
    %dma_wait3A_61 = tpu.memref_squeeze %dma_wait3A_60 : memref<1x3x64xi32, #tpu.memory_space<hbm>> -> memref<3x64xi32, #tpu.memory_space<hbm>>
    tpu.wait_dma2 semaphore(%arg18 : memref<!tpu.dma_semaphore, #tpu.memory_space<semaphore_mem>>) src(%dma_wait3A_61 : memref<3x64xi32, #tpu.memory_space<hbm>>) dst(%arg7 : memref<3x64xi32, #tpu.memory_space<vmem>>)
    %dma_start3A_62 = arith.constant 0 : i32
    %dma_start3A_63 = arith.constant 0 : i32
    %dma_start3A_64 = tpu.memref_slice %arg7[%dma_start3A_62, %dma_start3A_63] : memref<3x64xi32, #tpu.memory_space<vmem>> -> memref<1x64xi32, #tpu.memory_space<vmem>>
    %dma_start3A_65 = tpu.memref_squeeze %dma_start3A_64 : memref<1x64xi32, #tpu.memory_space<vmem>> -> memref<64xi32, #tpu.memory_space<vmem>>
    %dma_start3A_66 = arith.constant 0 : i32
    %dma_start3A_67 = arith.constant 0 : i32
    %dma_start3A_68 = tpu.memref_slice %arg3[%dma_start3A_66, %dma_start3A_67] : memref<10240x16xf32, #tpu.memory_space<hbm>> -> memref<10240x16xf32, #tpu.memory_space<hbm>>
    tpu.enqueue_indirect_dma source(%dma_start3A_68 : memref<10240x16xf32, #tpu.memory_space<hbm>>) target(%arg9 : memref<64x16xf32, #tpu.memory_space<vmem>>) offsets(%dma_start3A_65 : memref<64xi32, #tpu.memory_space<vmem>>) semaphore(%arg20 : memref<!tpu.dma_semaphore, #tpu.memory_space<semaphore_mem>>)
    %dma_start3A_69 = arith.constant 1 : i32
    %dma_start3A_70 = arith.constant 0 : i32
    %dma_start3A_71 = tpu.memref_slice %arg7[%dma_start3A_69, %dma_start3A_70] : memref<3x64xi32, #tpu.memory_space<vmem>> -> memref<1x64xi32, #tpu.memory_space<vmem>>
    %dma_start3A_72 = tpu.memref_squeeze %dma_start3A_71 : memref<1x64xi32, #tpu.memory_space<vmem>> -> memref<64xi32, #tpu.memory_space<vmem>>
    %dma_start3A_73 = arith.constant 0 : i32
    %dma_start3A_74 = arith.constant 0 : i32
    %dma_start3A_75 = tpu.memref_slice %arg4[%dma_start3A_73, %dma_start3A_74] : memref<10240x16xf32, #tpu.memory_space<hbm>> -> memref<10240x16xf32, #tpu.memory_space<hbm>>
    tpu.enqueue_indirect_dma source(%dma_start3A_75 : memref<10240x16xf32, #tpu.memory_space<hbm>>) target(%arg11 : memref<64x16xf32, #tpu.memory_space<vmem>>) offsets(%dma_start3A_72 : memref<64xi32, #tpu.memory_space<vmem>>) semaphore(%arg20 : memref<!tpu.dma_semaphore, #tpu.memory_space<semaphore_mem>>)
    %dma_start3A_76 = arith.constant 0 : i32
    %dma_start3A_77 = arith.constant 0 : i32
    %dma_start3A_78 = tpu.memref_slice %arg7[%dma_start3A_76, %dma_start3A_77] : memref<3x64xi32, #tpu.memory_space<vmem>> -> memref<1x64xi32, #tpu.memory_space<vmem>>
    %dma_start3A_79 = tpu.memref_squeeze %dma_start3A_78 : memref<1x64xi32, #tpu.memory_space<vmem>> -> memref<64xi32, #tpu.memory_space<vmem>>
    %dma_start3A_80 = arith.constant 0 : i32
    %dma_start3A_81 = arith.constant 0 : i32
    %dma_start3A_82 = tpu.memref_slice %arg5[%dma_start3A_80, %dma_start3A_81] : memref<10240x64xf32, #tpu.memory_space<hbm>> -> memref<10240x64xf32, #tpu.memory_space<hbm>>
    tpu.enqueue_indirect_dma source(%dma_start3A_82 : memref<10240x64xf32, #tpu.memory_space<hbm>>) target(%arg13 : memref<64x64xf32, #tpu.memory_space<vmem>>) offsets(%dma_start3A_79 : memref<64xi32, #tpu.memory_space<vmem>>) semaphore(%arg20 : memref<!tpu.dma_semaphore, #tpu.memory_space<semaphore_mem>>)
    %add3A_83 = arith.constant 1 : i32
    %add3A_84 = arith.addi %mul3A_47, %add3A_83 : i32
    %dma_start3A_85 = arith.constant 0 : i32
    %dma_start3A_86 = arith.constant 0 : i32
    %dma_start3A_87 = tpu.memref_slice %arg2[%add3A_84, %dma_start3A_85, %dma_start3A_86] : memref<5120x3x64xi32, #tpu.memory_space<hbm>> -> memref<1x3x64xi32, #tpu.memory_space<hbm>>
    %dma_start3A_88 = tpu.memref_squeeze %dma_start3A_87 : memref<1x3x64xi32, #tpu.memory_space<hbm>> -> memref<3x64xi32, #tpu.memory_space<hbm>>
    %dma_start3A_89 = arith.constant 0 : i32
    %dma_start3A_90 = arith.constant 0 : i32
    %dma_start3A_91 = tpu.memref_slice %arg2[%add3A_84, %dma_start3A_89, %dma_start3A_90] : memref<5120x3x64xi32, #tpu.memory_space<hbm>> -> memref<1x3x64xi32, #tpu.memory_space<hbm>>
    %dma_start3A_92 = tpu.memref_squeeze %dma_start3A_91 : memref<1x3x64xi32, #tpu.memory_space<hbm>> -> memref<3x64xi32, #tpu.memory_space<hbm>>
    tpu.enqueue_dma source(%dma_start3A_92 : memref<3x64xi32, #tpu.memory_space<hbm>>) target(%arg8 : memref<3x64xi32, #tpu.memory_space<vmem>>) target_semaphore(%arg19 : memref<!tpu.dma_semaphore, #tpu.memory_space<semaphore_mem>>)
    %scan3A_93 = arith.constant 0 : i32
    %scan3A_94 = arith.constant 80 : i32
    %scan3A_95 = arith.addi %scan3A_93, %scan3A_94 : i32
    %scan3A_96 = arith.constant 1 : i32
    scf.for %scan3A_103 = %scan3A_93 to %scan3A_95 step %scan3A_96  : i32 {
      %mul3A_104 = arith.constant 1 : i32
      %mul3A_105 = arith.muli %scan3A_103, %mul3A_104 : i32
      %add3A_106 = arith.constant 0 : i32
      %add3A_107 = arith.addi %add3A_106, %mul3A_105 : i32
      %mul3A_108 = arith.constant 2 : i32
      %mul3A_109 = arith.muli %mul3A_108, %add3A_107 : i32
      %add3A_110 = arith.constant 0 : i32
      %add3A_111 = arith.addi %mul3A_109, %add3A_110 : i32
      %add3A_112 = arith.constant 1 : i32
      %add3A_113 = arith.addi %add3A_111, %add3A_112 : i32
      %lt3A = arith.constant 160 : i32
      %lt3A_114 = arith.cmpi slt, %add3A_113, %lt3A : i32
      %convert_element_type3A = arith.extui %lt3A_114 : i1 to i32
      %cond3A = arith.constant 0 : i32
      %cond3A_115 = arith.cmpi ne, %convert_element_type3A, %cond3A : i32
      scf.if %cond3A_115 {
        %add3A_194 = arith.addi %mul3A_47, %add3A_111 : i32
        %add3A_195 = arith.constant 1 : i32
        %add3A_196 = arith.addi %add3A_194, %add3A_195 : i32
        %dma_wait3A_197 = arith.constant 0 : i32
        %dma_wait3A_198 = arith.constant 0 : i32
        %dma_wait3A_199 = tpu.memref_slice %arg2[%add3A_196, %dma_wait3A_197, %dma_wait3A_198] : memref<5120x3x64xi32, #tpu.memory_space<hbm>> -> memref<1x3x64xi32, #tpu.memory_space<hbm>>
        %dma_wait3A_200 = tpu.memref_squeeze %dma_wait3A_199 : memref<1x3x64xi32, #tpu.memory_space<hbm>> -> memref<3x64xi32, #tpu.memory_space<hbm>>
        %dma_wait3A_201 = arith.constant 0 : i32
        %dma_wait3A_202 = arith.constant 0 : i32
        %dma_wait3A_203 = tpu.memref_slice %arg2[%add3A_196, %dma_wait3A_201, %dma_wait3A_202] : memref<5120x3x64xi32, #tpu.memory_space<hbm>> -> memref<1x3x64xi32, #tpu.memory_space<hbm>>
        %dma_wait3A_204 = tpu.memref_squeeze %dma_wait3A_203 : memref<1x3x64xi32, #tpu.memory_space<hbm>> -> memref<3x64xi32, #tpu.memory_space<hbm>>
        tpu.wait_dma2 semaphore(%arg19 : memref<!tpu.dma_semaphore, #tpu.memory_space<semaphore_mem>>) src(%dma_wait3A_204 : memref<3x64xi32, #tpu.memory_space<hbm>>) dst(%arg8 : memref<3x64xi32, #tpu.memory_space<vmem>>)
        %dma_start3A_205 = arith.constant 0 : i32
        %dma_start3A_206 = arith.constant 0 : i32
        %dma_start3A_207 = tpu.memref_slice %arg8[%dma_start3A_205, %dma_start3A_206] : memref<3x64xi32, #tpu.memory_space<vmem>> -> memref<1x64xi32, #tpu.memory_space<vmem>>
        %dma_start3A_208 = tpu.memref_squeeze %dma_start3A_207 : memref<1x64xi32, #tpu.memory_space<vmem>> -> memref<64xi32, #tpu.memory_space<vmem>>
        %dma_start3A_209 = arith.constant 0 : i32
        %dma_start3A_210 = arith.constant 0 : i32
        %dma_start3A_211 = tpu.memref_slice %arg3[%dma_start3A_209, %dma_start3A_210] : memref<10240x16xf32, #tpu.memory_space<hbm>> -> memref<10240x16xf32, #tpu.memory_space<hbm>>
        tpu.enqueue_indirect_dma source(%dma_start3A_211 : memref<10240x16xf32, #tpu.memory_space<hbm>>) target(%arg10 : memref<64x16xf32, #tpu.memory_space<vmem>>) offsets(%dma_start3A_208 : memref<64xi32, #tpu.memory_space<vmem>>) semaphore(%arg21 : memref<!tpu.dma_semaphore, #tpu.memory_space<semaphore_mem>>)
        %dma_start3A_212 = arith.constant 1 : i32
        %dma_start3A_213 = arith.constant 0 : i32
        %dma_start3A_214 = tpu.memref_slice %arg8[%dma_start3A_212, %dma_start3A_213] : memref<3x64xi32, #tpu.memory_space<vmem>> -> memref<1x64xi32, #tpu.memory_space<vmem>>
        %dma_start3A_215 = tpu.memref_squeeze %dma_start3A_214 : memref<1x64xi32, #tpu.memory_space<vmem>> -> memref<64xi32, #tpu.memory_space<vmem>>
        %dma_start3A_216 = arith.constant 0 : i32
        %dma_start3A_217 = arith.constant 0 : i32
        %dma_start3A_218 = tpu.memref_slice %arg4[%dma_start3A_216, %dma_start3A_217] : memref<10240x16xf32, #tpu.memory_space<hbm>> -> memref<10240x16xf32, #tpu.memory_space<hbm>>
        tpu.enqueue_indirect_dma source(%dma_start3A_218 : memref<10240x16xf32, #tpu.memory_space<hbm>>) target(%arg12 : memref<64x16xf32, #tpu.memory_space<vmem>>) offsets(%dma_start3A_215 : memref<64xi32, #tpu.memory_space<vmem>>) semaphore(%arg21 : memref<!tpu.dma_semaphore, #tpu.memory_space<semaphore_mem>>)
        %dma_start3A_219 = arith.constant 0 : i32
        %dma_start3A_220 = arith.constant 0 : i32
        %dma_start3A_221 = tpu.memref_slice %arg8[%dma_start3A_219, %dma_start3A_220] : memref<3x64xi32, #tpu.memory_space<vmem>> -> memref<1x64xi32, #tpu.memory_space<vmem>>
        %dma_start3A_222 = tpu.memref_squeeze %dma_start3A_221 : memref<1x64xi32, #tpu.memory_space<vmem>> -> memref<64xi32, #tpu.memory_space<vmem>>
        %dma_start3A_223 = arith.constant 0 : i32
        %dma_start3A_224 = arith.constant 0 : i32
        %dma_start3A_225 = tpu.memref_slice %arg5[%dma_start3A_223, %dma_start3A_224] : memref<10240x64xf32, #tpu.memory_space<hbm>> -> memref<10240x64xf32, #tpu.memory_space<hbm>>
        tpu.enqueue_indirect_dma source(%dma_start3A_225 : memref<10240x64xf32, #tpu.memory_space<hbm>>) target(%arg14 : memref<64x64xf32, #tpu.memory_space<vmem>>) offsets(%dma_start3A_222 : memref<64xi32, #tpu.memory_space<vmem>>) semaphore(%arg21 : memref<!tpu.dma_semaphore, #tpu.memory_space<semaphore_mem>>)
      } else {
      }
      %dma_wait3A_116 = arith.constant 0 : i32
      %dma_wait3A_117 = arith.constant 0 : i32
      %dma_wait3A_118 = tpu.memref_slice %arg7[%dma_wait3A_116, %dma_wait3A_117] : memref<3x64xi32, #tpu.memory_space<vmem>> -> memref<1x64xi32, #tpu.memory_space<vmem>>
      %dma_wait3A_119 = tpu.memref_squeeze %dma_wait3A_118 : memref<1x64xi32, #tpu.memory_space<vmem>> -> memref<64xi32, #tpu.memory_space<vmem>>
      %dma_wait3A_120 = arith.constant 0 : i32
      %dma_wait3A_121 = arith.constant 0 : i32
      %dma_wait3A_122 = tpu.memref_slice %arg3[%dma_wait3A_120, %dma_wait3A_121] : memref<10240x16xf32, #tpu.memory_space<hbm>> -> memref<10240x16xf32, #tpu.memory_space<hbm>>
      tpu.wait_indirect_dma semaphore(%arg20 : memref<!tpu.dma_semaphore, #tpu.memory_space<semaphore_mem>>) src(%dma_wait3A_122 : memref<10240x16xf32, #tpu.memory_space<hbm>>) dst(%arg9 : memref<64x16xf32, #tpu.memory_space<vmem>>)
      %dma_wait3A_123 = arith.constant 1 : i32
      %dma_wait3A_124 = arith.constant 0 : i32
      %dma_wait3A_125 = tpu.memref_slice %arg7[%dma_wait3A_123, %dma_wait3A_124] : memref<3x64xi32, #tpu.memory_space<vmem>> -> memref<1x64xi32, #tpu.memory_space<vmem>>
      %dma_wait3A_126 = tpu.memref_squeeze %dma_wait3A_125 : memref<1x64xi32, #tpu.memory_space<vmem>> -> memref<64xi32, #tpu.memory_space<vmem>>
      %dma_wait3A_127 = arith.constant 0 : i32
      %dma_wait3A_128 = arith.constant 0 : i32
      %dma_wait3A_129 = tpu.memref_slice %arg4[%dma_wait3A_127, %dma_wait3A_128] : memref<10240x16xf32, #tpu.memory_space<hbm>> -> memref<10240x16xf32, #tpu.memory_space<hbm>>
      tpu.wait_indirect_dma semaphore(%arg20 : memref<!tpu.dma_semaphore, #tpu.memory_space<semaphore_mem>>) src(%dma_wait3A_129 : memref<10240x16xf32, #tpu.memory_space<hbm>>) dst(%arg11 : memref<64x16xf32, #tpu.memory_space<vmem>>)
      %dma_wait3A_130 = arith.constant 0 : i32
      %dma_wait3A_131 = arith.constant 0 : i32
      %dma_wait3A_132 = tpu.memref_slice %arg7[%dma_wait3A_130, %dma_wait3A_131] : memref<3x64xi32, #tpu.memory_space<vmem>> -> memref<1x64xi32, #tpu.memory_space<vmem>>
      %dma_wait3A_133 = tpu.memref_squeeze %dma_wait3A_132 : memref<1x64xi32, #tpu.memory_space<vmem>> -> memref<64xi32, #tpu.memory_space<vmem>>
      %dma_wait3A_134 = arith.constant 0 : i32
      %dma_wait3A_135 = arith.constant 0 : i32
      %dma_wait3A_136 = tpu.memref_slice %arg5[%dma_wait3A_134, %dma_wait3A_135] : memref<10240x64xf32, #tpu.memory_space<hbm>> -> memref<10240x64xf32, #tpu.memory_space<hbm>>
      tpu.wait_indirect_dma semaphore(%arg20 : memref<!tpu.dma_semaphore, #tpu.memory_space<semaphore_mem>>) src(%dma_wait3A_136 : memref<10240x64xf32, #tpu.memory_space<hbm>>) dst(%arg13 : memref<64x64xf32, #tpu.memory_space<vmem>>)
      %scan3A_137 = arith.constant 0 : i32
      %scan3A_138 = arith.constant 64 : i32
      %scan3A_139 = arith.addi %scan3A_137, %scan3A_138 : i32
      %scan3A_140 = arith.constant 1 : i32
      scf.for %scan3A_194 = %scan3A_137 to %scan3A_139 step %scan3A_140  : i32 {
        %mul3A_195 = arith.constant 1 : i32
        %mul3A_196 = arith.muli %scan3A_194, %mul3A_195 : i32
        %add3A_197 = arith.constant 0 : i32
        %add3A_198 = arith.addi %add3A_197, %mul3A_196 : i32
        %get3A = arith.index_cast %add3A_198 : i32 to index
        %get3A_199 = arith.constant 0 : index
        %get3A_200 = tpu.vector_load %arg9[%get3A, %get3A_199] {strides = array<i32>} : memref<64x16xf32, #tpu.memory_space<vmem>>, vector<16xf32>,
        %get3A_201 = arith.index_cast %add3A_198 : i32 to index
        %get3A_202 = arith.constant 0 : index
        %get3A_203 = tpu.vector_load %arg11[%get3A_201, %get3A_202] {strides = array<i32>} : memref<64x16xf32, #tpu.memory_space<vmem>>, vector<16xf32>,
        %add3A_204 = arith.addf %get3A_200, %get3A_203 : vector<16xf32>
        %ge3A = arith.constant 0.000000e+00 : f32
        %ge3A_205 = vector.broadcast %ge3A : f32 to vector<16xf32>
        %ge3A_206 = arith.cmpf oge, %add3A_204, %ge3A_205 : vector<16xf32>
        %mul3A_207 = arith.constant 2.000000e-01 : f32
        %mul3A_208 = vector.broadcast %mul3A_207 : f32 to vector<16xf32>
        %mul3A_209 = arith.mulf %mul3A_208, %add3A_204 : vector<16xf32>
        %select_n3A = arith.select %ge3A_206, %add3A_204, %mul3A_209 : vector<16xi1>, vector<16xf32>
        %exp3A = math.exp %select_n3A : vector<16xf32>
        %broadcast_in_dim3A_210 = arith.constant 2 : i32
        %broadcast_in_dim3A_211 = vector.broadcast %broadcast_in_dim3A_210 : i32 to vector<16xi32>
        %broadcast_in_dim3A_212 = vector.broadcast %add3A_198 : i32 to vector<16xi32>
        %gather3A = tpu.vector_load_idx %arg7[%broadcast_in_dim3A_211, %broadcast_in_dim3A_212] : memref<3x64xi32, #tpu.memory_space<vmem>>[vector<16xi32>, vector<16xi32>], vector<16xi32>,
        %bitcast3A = vector.bitcast %gather3A : vector<16xi32> to vector<16xf32>
        %mul3A_213 = arith.mulf %exp3A, %bitcast3A : vector<16xf32>
        %swap3A = arith.index_cast %add3A_198 : i32 to index
        %swap3A_214 = arith.constant 64 : index
        %swap3A_215 = tpu.vector_load %arg15[%swap3A, %swap3A_214] {strides = array<i32>} : memref<64x80xf32, #tpu.memory_space<vmem>>, vector<16xf32>,
        tpu.vector_store %arg15[%swap3A, %swap3A_214], %exp3A {strides = array<i32>} : memref<64x80xf32, #tpu.memory_space<vmem>>, vector<16xf32>,
        %get3A_216 = arith.index_cast %add3A_198 : i32 to index
        %get3A_217 = arith.constant 0 : index
        %get3A_218 = tpu.vector_load %arg13[%get3A_216, %get3A_217] {strides = array<i32>} : memref<64x64xf32, #tpu.memory_space<vmem>>, vector<16xf32>,
        %mul3A_219 = arith.mulf %get3A_218, %mul3A_213 : vector<16xf32>
        %swap3A_220 = arith.index_cast %add3A_198 : i32 to index
        %swap3A_221 = arith.constant 0 : index
        %swap3A_222 = tpu.vector_load %arg15[%swap3A_220, %swap3A_221] {strides = array<i32>} : memref<64x80xf32, #tpu.memory_space<vmem>>, vector<16xf32>,
        tpu.vector_store %arg15[%swap3A_220, %swap3A_221], %mul3A_219 {strides = array<i32>} : memref<64x80xf32, #tpu.memory_space<vmem>>, vector<16xf32>,
        %get3A_223 = arith.index_cast %add3A_198 : i32 to index
        %get3A_224 = arith.constant 16 : index
        %get3A_225 = tpu.vector_load %arg13[%get3A_223, %get3A_224] {strides = array<i32>} : memref<64x64xf32, #tpu.memory_space<vmem>>, vector<16xf32>,
        %mul3A_226 = arith.mulf %get3A_225, %mul3A_213 : vector<16xf32>
        %swap3A_227 = arith.index_cast %add3A_198 : i32 to index
        %swap3A_228 = arith.constant 16 : index
        %swap3A_229 = tpu.vector_load %arg15[%swap3A_227, %swap3A_228] {strides = array<i32>} : memref<64x80xf32, #tpu.memory_space<vmem>>, vector<16xf32>,
        tpu.vector_store %arg15[%swap3A_227, %swap3A_228], %mul3A_226 {strides = array<i32>} : memref<64x80xf32, #tpu.memory_space<vmem>>, vector<16xf32>,
        %get3A_230 = arith.index_cast %add3A_198 : i32 to index
        %get3A_231 = arith.constant 32 : index
        %get3A_232 = tpu.vector_load %arg13[%get3A_230, %get3A_231] {strides = array<i32>} : memref<64x64xf32, #tpu.memory_space<vmem>>, vector<16xf32>,
        %mul3A_233 = arith.mulf %get3A_232, %mul3A_213 : vector<16xf32>
        %swap3A_234 = arith.index_cast %add3A_198 : i32 to index
        %swap3A_235 = arith.constant 32 : index
        %swap3A_236 = tpu.vector_load %arg15[%swap3A_234, %swap3A_235] {strides = array<i32>} : memref<64x80xf32, #tpu.memory_space<vmem>>, vector<16xf32>,
        tpu.vector_store %arg15[%swap3A_234, %swap3A_235], %mul3A_233 {strides = array<i32>} : memref<64x80xf32, #tpu.memory_space<vmem>>, vector<16xf32>,
        %get3A_237 = arith.index_cast %add3A_198 : i32 to index
        %get3A_238 = arith.constant 48 : index
        %get3A_239 = tpu.vector_load %arg13[%get3A_237, %get3A_238] {strides = array<i32>} : memref<64x64xf32, #tpu.memory_space<vmem>>, vector<16xf32>,
        %mul3A_240 = arith.mulf %get3A_239, %mul3A_213 : vector<16xf32>
        %swap3A_241 = arith.index_cast %add3A_198 : i32 to index
        %swap3A_242 = arith.constant 48 : index
        %swap3A_243 = tpu.vector_load %arg15[%swap3A_241, %swap3A_242] {strides = array<i32>} : memref<64x80xf32, #tpu.memory_space<vmem>>, vector<16xf32>,
        tpu.vector_store %arg15[%swap3A_241, %swap3A_242], %mul3A_240 {strides = array<i32>} : memref<64x80xf32, #tpu.memory_space<vmem>>, vector<16xf32>,
      }
      %scan3A_141 = arith.constant 64 : i32
      %run_scoped3A = arith.constant 1 : i32
      "tpu.region"() ({
        %run_scoped3A_194 = tpu.sem_alloc : memref<!tpu.dma_semaphore, #tpu.memory_space<semaphore_mem>>
        %dma_start3A_195 = arith.constant 0 : i32
        %dma_start3A_196 = tpu.memref_slice %arg7[%run_scoped3A, %dma_start3A_195] : memref<3x64xi32, #tpu.memory_space<vmem>> -> memref<1x64xi32, #tpu.memory_space<vmem>>
        %dma_start3A_197 = tpu.memref_squeeze %dma_start3A_196 : memref<1x64xi32, #tpu.memory_space<vmem>> -> memref<64xi32, #tpu.memory_space<vmem>>
        %dma_start3A_198 = arith.constant 0 : i32
        %dma_start3A_199 = arith.constant 0 : i32
        %dma_start3A_200 = tpu.memref_slice %arg17[%dma_start3A_198, %dma_start3A_199] : memref<10240x80xf32, #tpu.memory_space<vmem_shared>> -> memref<10240x80xf32, #tpu.memory_space<vmem_shared>>
        tpu.enqueue_indirect_dma source(%arg15 : memref<64x80xf32, #tpu.memory_space<vmem>>) target(%dma_start3A_200 : memref<10240x80xf32, #tpu.memory_space<vmem_shared>>) offsets(%dma_start3A_197 : memref<64xi32, #tpu.memory_space<vmem>>) semaphore(%run_scoped3A_194 : memref<!tpu.dma_semaphore, #tpu.memory_space<semaphore_mem>>) {add = true}
        %dma_wait3A_201 = arith.constant 0 : i32
        %dma_wait3A_202 = tpu.memref_slice %arg7[%run_scoped3A, %dma_wait3A_201] : memref<3x64xi32, #tpu.memory_space<vmem>> -> memref<1x64xi32, #tpu.memory_space<vmem>>
        %dma_wait3A_203 = tpu.memref_squeeze %dma_wait3A_202 : memref<1x64xi32, #tpu.memory_space<vmem>> -> memref<64xi32, #tpu.memory_space<vmem>>
        %dma_wait3A_204 = arith.constant 0 : i32
        %dma_wait3A_205 = arith.constant 0 : i32
        %dma_wait3A_206 = tpu.memref_slice %arg17[%dma_wait3A_204, %dma_wait3A_205] : memref<10240x80xf32, #tpu.memory_space<vmem_shared>> -> memref<10240x80xf32, #tpu.memory_space<vmem_shared>>
        tpu.wait_indirect_dma semaphore(%run_scoped3A_194 : memref<!tpu.dma_semaphore, #tpu.memory_space<semaphore_mem>>) src(%arg15 : memref<64x80xf32, #tpu.memory_space<vmem>>) dst(%dma_wait3A_206 : memref<10240x80xf32, #tpu.memory_space<vmem_shared>>)
        tpu.yield
      }) : () -> ()
      %add3A_142 = arith.constant 2 : i32
      %add3A_143 = arith.addi %add3A_111, %add3A_142 : i32
      %lt3A_144 = arith.constant 160 : i32
      %lt3A_145 = arith.cmpi slt, %add3A_143, %lt3A_144 : i32
      %convert_element_type3A_146 = arith.extui %lt3A_145 : i1 to i32
      %cond3A_147 = arith.constant 0 : i32
      %cond3A_148 = arith.cmpi ne, %convert_element_type3A_146, %cond3A_147 : i32
      scf.if %cond3A_148 {
        %add3A_194 = arith.addi %mul3A_47, %add3A_111 : i32
        %add3A_195 = arith.constant 2 : i32
        %add3A_196 = arith.addi %add3A_194, %add3A_195 : i32
        %dma_start3A_197 = arith.constant 0 : i32
        %dma_start3A_198 = arith.constant 0 : i32
        %dma_start3A_199 = tpu.memref_slice %arg2[%add3A_196, %dma_start3A_197, %dma_start3A_198] : memref<5120x3x64xi32, #tpu.memory_space<hbm>> -> memref<1x3x64xi32, #tpu.memory_space<hbm>>
        %dma_start3A_200 = tpu.memref_squeeze %dma_start3A_199 : memref<1x3x64xi32, #tpu.memory_space<hbm>> -> memref<3x64xi32, #tpu.memory_space<hbm>>
        %dma_start3A_201 = arith.constant 0 : i32
        %dma_start3A_202 = arith.constant 0 : i32
        %dma_start3A_203 = tpu.memref_slice %arg2[%add3A_196, %dma_start3A_201, %dma_start3A_202] : memref<5120x3x64xi32, #tpu.memory_space<hbm>> -> memref<1x3x64xi32, #tpu.memory_space<hbm>>
        %dma_start3A_204 = tpu.memref_squeeze %dma_start3A_203 : memref<1x3x64xi32, #tpu.memory_space<hbm>> -> memref<3x64xi32, #tpu.memory_space<hbm>>
        tpu.enqueue_dma source(%dma_start3A_204 : memref<3x64xi32, #tpu.memory_space<hbm>>) target(%arg7 : memref<3x64xi32, #tpu.memory_space<vmem>>) target_semaphore(%arg18 : memref<!tpu.dma_semaphore, #tpu.memory_space<semaphore_mem>>)
      } else {
      }
      %mul3A_149 = arith.constant 2 : i32
      %mul3A_150 = arith.muli %mul3A_149, %add3A_107 : i32
      %add3A_151 = arith.constant 1 : i32
      %add3A_152 = arith.addi %mul3A_150, %add3A_151 : i32
      %add3A_153 = arith.constant 1 : i32
      %add3A_154 = arith.addi %add3A_152, %add3A_153 : i32
      %lt3A_155 = arith.constant 160 : i32
      %lt3A_156 = arith.cmpi slt, %add3A_154, %lt3A_155 : i32
      %convert_element_type3A_157 = arith.extui %lt3A_156 : i1 to i32
      %cond3A_158 = arith.constant 0 : i32
      %cond3A_159 = arith.cmpi ne, %convert_element_type3A_157, %cond3A_158 : i32
      scf.if %cond3A_159 {
        %add3A_194 = arith.addi %mul3A_47, %add3A_152 : i32
        %add3A_195 = arith.constant 1 : i32
        %add3A_196 = arith.addi %add3A_194, %add3A_195 : i32
        %dma_wait3A_197 = arith.constant 0 : i32
        %dma_wait3A_198 = arith.constant 0 : i32
        %dma_wait3A_199 = tpu.memref_slice %arg2[%add3A_196, %dma_wait3A_197, %dma_wait3A_198] : memref<5120x3x64xi32, #tpu.memory_space<hbm>> -> memref<1x3x64xi32, #tpu.memory_space<hbm>>
        %dma_wait3A_200 = tpu.memref_squeeze %dma_wait3A_199 : memref<1x3x64xi32, #tpu.memory_space<hbm>> -> memref<3x64xi32, #tpu.memory_space<hbm>>
        %dma_wait3A_201 = arith.constant 0 : i32
        %dma_wait3A_202 = arith.constant 0 : i32
        %dma_wait3A_203 = tpu.memref_slice %arg2[%add3A_196, %dma_wait3A_201, %dma_wait3A_202] : memref<5120x3x64xi32, #tpu.memory_space<hbm>> -> memref<1x3x64xi32, #tpu.memory_space<hbm>>
        %dma_wait3A_204 = tpu.memref_squeeze %dma_wait3A_203 : memref<1x3x64xi32, #tpu.memory_space<hbm>> -> memref<3x64xi32, #tpu.memory_space<hbm>>
        tpu.wait_dma2 semaphore(%arg18 : memref<!tpu.dma_semaphore, #tpu.memory_space<semaphore_mem>>) src(%dma_wait3A_204 : memref<3x64xi32, #tpu.memory_space<hbm>>) dst(%arg7 : memref<3x64xi32, #tpu.memory_space<vmem>>)
        %dma_start3A_205 = arith.constant 0 : i32
        %dma_start3A_206 = arith.constant 0 : i32
        %dma_start3A_207 = tpu.memref_slice %arg7[%dma_start3A_205, %dma_start3A_206] : memref<3x64xi32, #tpu.memory_space<vmem>> -> memref<1x64xi32, #tpu.memory_space<vmem>>
        %dma_start3A_208 = tpu.memref_squeeze %dma_start3A_207 : memref<1x64xi32, #tpu.memory_space<vmem>> -> memref<64xi32, #tpu.memory_space<vmem>>
        %dma_start3A_209 = arith.constant 0 : i32
        %dma_start3A_210 = arith.constant 0 : i32
        %dma_start3A_211 = tpu.memref_slice %arg3[%dma_start3A_209, %dma_start3A_210] : memref<10240x16xf32, #tpu.memory_space<hbm>> -> memref<10240x16xf32, #tpu.memory_space<hbm>>
        tpu.enqueue_indirect_dma source(%dma_start3A_211 : memref<10240x16xf32, #tpu.memory_space<hbm>>) target(%arg9 : memref<64x16xf32, #tpu.memory_space<vmem>>) offsets(%dma_start3A_208 : memref<64xi32, #tpu.memory_space<vmem>>) semaphore(%arg20 : memref<!tpu.dma_semaphore, #tpu.memory_space<semaphore_mem>>)
        %dma_start3A_212 = arith.constant 1 : i32
        %dma_start3A_213 = arith.constant 0 : i32
        %dma_start3A_214 = tpu.memref_slice %arg7[%dma_start3A_212, %dma_start3A_213] : memref<3x64xi32, #tpu.memory_space<vmem>> -> memref<1x64xi32, #tpu.memory_space<vmem>>
        %dma_start3A_215 = tpu.memref_squeeze %dma_start3A_214 : memref<1x64xi32, #tpu.memory_space<vmem>> -> memref<64xi32, #tpu.memory_space<vmem>>
        %dma_start3A_216 = arith.constant 0 : i32
        %dma_start3A_217 = arith.constant 0 : i32
        %dma_start3A_218 = tpu.memref_slice %arg4[%dma_start3A_216, %dma_start3A_217] : memref<10240x16xf32, #tpu.memory_space<hbm>> -> memref<10240x16xf32, #tpu.memory_space<hbm>>
        tpu.enqueue_indirect_dma source(%dma_start3A_218 : memref<10240x16xf32, #tpu.memory_space<hbm>>) target(%arg11 : memref<64x16xf32, #tpu.memory_space<vmem>>) offsets(%dma_start3A_215 : memref<64xi32, #tpu.memory_space<vmem>>) semaphore(%arg20 : memref<!tpu.dma_semaphore, #tpu.memory_space<semaphore_mem>>)
        %dma_start3A_219 = arith.constant 0 : i32
        %dma_start3A_220 = arith.constant 0 : i32
        %dma_start3A_221 = tpu.memref_slice %arg7[%dma_start3A_219, %dma_start3A_220] : memref<3x64xi32, #tpu.memory_space<vmem>> -> memref<1x64xi32, #tpu.memory_space<vmem>>
        %dma_start3A_222 = tpu.memref_squeeze %dma_start3A_221 : memref<1x64xi32, #tpu.memory_space<vmem>> -> memref<64xi32, #tpu.memory_space<vmem>>
        %dma_start3A_223 = arith.constant 0 : i32
        %dma_start3A_224 = arith.constant 0 : i32
        %dma_start3A_225 = tpu.memref_slice %arg5[%dma_start3A_223, %dma_start3A_224] : memref<10240x64xf32, #tpu.memory_space<hbm>> -> memref<10240x64xf32, #tpu.memory_space<hbm>>
        tpu.enqueue_indirect_dma source(%dma_start3A_225 : memref<10240x64xf32, #tpu.memory_space<hbm>>) target(%arg13 : memref<64x64xf32, #tpu.memory_space<vmem>>) offsets(%dma_start3A_222 : memref<64xi32, #tpu.memory_space<vmem>>) semaphore(%arg20 : memref<!tpu.dma_semaphore, #tpu.memory_space<semaphore_mem>>)
      } else {
      }
      %dma_wait3A_160 = arith.constant 0 : i32
      %dma_wait3A_161 = arith.constant 0 : i32
      %dma_wait3A_162 = tpu.memref_slice %arg8[%dma_wait3A_160, %dma_wait3A_161] : memref<3x64xi32, #tpu.memory_space<vmem>> -> memref<1x64xi32, #tpu.memory_space<vmem>>
      %dma_wait3A_163 = tpu.memref_squeeze %dma_wait3A_162 : memref<1x64xi32, #tpu.memory_space<vmem>> -> memref<64xi32, #tpu.memory_space<vmem>>
      %dma_wait3A_164 = arith.constant 0 : i32
      %dma_wait3A_165 = arith.constant 0 : i32
      %dma_wait3A_166 = tpu.memref_slice %arg3[%dma_wait3A_164, %dma_wait3A_165] : memref<10240x16xf32, #tpu.memory_space<hbm>> -> memref<10240x16xf32, #tpu.memory_space<hbm>>
      tpu.wait_indirect_dma semaphore(%arg21 : memref<!tpu.dma_semaphore, #tpu.memory_space<semaphore_mem>>) src(%dma_wait3A_166 : memref<10240x16xf32, #tpu.memory_space<hbm>>) dst(%arg10 : memref<64x16xf32, #tpu.memory_space<vmem>>)
      %dma_wait3A_167 = arith.constant 1 : i32
      %dma_wait3A_168 = arith.constant 0 : i32
      %dma_wait3A_169 = tpu.memref_slice %arg8[%dma_wait3A_167, %dma_wait3A_168] : memref<3x64xi32, #tpu.memory_space<vmem>> -> memref<1x64xi32, #tpu.memory_space<vmem>>
      %dma_wait3A_170 = tpu.memref_squeeze %dma_wait3A_169 : memref<1x64xi32, #tpu.memory_space<vmem>> -> memref<64xi32, #tpu.memory_space<vmem>>
      %dma_wait3A_171 = arith.constant 0 : i32
      %dma_wait3A_172 = arith.constant 0 : i32
      %dma_wait3A_173 = tpu.memref_slice %arg4[%dma_wait3A_171, %dma_wait3A_172] : memref<10240x16xf32, #tpu.memory_space<hbm>> -> memref<10240x16xf32, #tpu.memory_space<hbm>>
      tpu.wait_indirect_dma semaphore(%arg21 : memref<!tpu.dma_semaphore, #tpu.memory_space<semaphore_mem>>) src(%dma_wait3A_173 : memref<10240x16xf32, #tpu.memory_space<hbm>>) dst(%arg12 : memref<64x16xf32, #tpu.memory_space<vmem>>)
      %dma_wait3A_174 = arith.constant 0 : i32
      %dma_wait3A_175 = arith.constant 0 : i32
      %dma_wait3A_176 = tpu.memref_slice %arg8[%dma_wait3A_174, %dma_wait3A_175] : memref<3x64xi32, #tpu.memory_space<vmem>> -> memref<1x64xi32, #tpu.memory_space<vmem>>
      %dma_wait3A_177 = tpu.memref_squeeze %dma_wait3A_176 : memref<1x64xi32, #tpu.memory_space<vmem>> -> memref<64xi32, #tpu.memory_space<vmem>>
      %dma_wait3A_178 = arith.constant 0 : i32
      %dma_wait3A_179 = arith.constant 0 : i32
      %dma_wait3A_180 = tpu.memref_slice %arg5[%dma_wait3A_178, %dma_wait3A_179] : memref<10240x64xf32, #tpu.memory_space<hbm>> -> memref<10240x64xf32, #tpu.memory_space<hbm>>
      tpu.wait_indirect_dma semaphore(%arg21 : memref<!tpu.dma_semaphore, #tpu.memory_space<semaphore_mem>>) src(%dma_wait3A_180 : memref<10240x64xf32, #tpu.memory_space<hbm>>) dst(%arg14 : memref<64x64xf32, #tpu.memory_space<vmem>>)
      %scan3A_181 = arith.constant 0 : i32
      %scan3A_182 = arith.constant 64 : i32
      %scan3A_183 = arith.addi %scan3A_181, %scan3A_182 : i32
      %scan3A_184 = arith.constant 1 : i32
      scf.for %scan3A_194 = %scan3A_181 to %scan3A_183 step %scan3A_184  : i32 {
        %mul3A_195 = arith.constant 1 : i32
        %mul3A_196 = arith.muli %scan3A_194, %mul3A_195 : i32
        %add3A_197 = arith.constant 0 : i32
        %add3A_198 = arith.addi %add3A_197, %mul3A_196 : i32
        %get3A = arith.index_cast %add3A_198 : i32 to index
        %get3A_199 = arith.constant 0 : index
        %get3A_200 = tpu.vector_load %arg10[%get3A, %get3A_199] {strides = array<i32>} : memref<64x16xf32, #tpu.memory_space<vmem>>, vector<16xf32>,
        %get3A_201 = arith.index_cast %add3A_198 : i32 to index
        %get3A_202 = arith.constant 0 : index
        %get3A_203 = tpu.vector_load %arg12[%get3A_201, %get3A_202] {strides = array<i32>} : memref<64x16xf32, #tpu.memory_space<vmem>>, vector<16xf32>,
        %add3A_204 = arith.addf %get3A_200, %get3A_203 : vector<16xf32>
        %ge3A = arith.constant 0.000000e+00 : f32
        %ge3A_205 = vector.broadcast %ge3A : f32 to vector<16xf32>
        %ge3A_206 = arith.cmpf oge, %add3A_204, %ge3A_205 : vector<16xf32>
        %mul3A_207 = arith.constant 2.000000e-01 : f32
        %mul3A_208 = vector.broadcast %mul3A_207 : f32 to vector<16xf32>
        %mul3A_209 = arith.mulf %mul3A_208, %add3A_204 : vector<16xf32>
        %select_n3A = arith.select %ge3A_206, %add3A_204, %mul3A_209 : vector<16xi1>, vector<16xf32>
        %exp3A = math.exp %select_n3A : vector<16xf32>
        %broadcast_in_dim3A_210 = arith.constant 2 : i32
        %broadcast_in_dim3A_211 = vector.broadcast %broadcast_in_dim3A_210 : i32 to vector<16xi32>
        %broadcast_in_dim3A_212 = vector.broadcast %add3A_198 : i32 to vector<16xi32>
        %gather3A = tpu.vector_load_idx %arg8[%broadcast_in_dim3A_211, %broadcast_in_dim3A_212] : memref<3x64xi32, #tpu.memory_space<vmem>>[vector<16xi32>, vector<16xi32>], vector<16xi32>,
        %bitcast3A = vector.bitcast %gather3A : vector<16xi32> to vector<16xf32>
        %mul3A_213 = arith.mulf %exp3A, %bitcast3A : vector<16xf32>
        %swap3A = arith.index_cast %add3A_198 : i32 to index
        %swap3A_214 = arith.constant 64 : index
        %swap3A_215 = tpu.vector_load %arg16[%swap3A, %swap3A_214] {strides = array<i32>} : memref<64x80xf32, #tpu.memory_space<vmem>>, vector<16xf32>,
        tpu.vector_store %arg16[%swap3A, %swap3A_214], %exp3A {strides = array<i32>} : memref<64x80xf32, #tpu.memory_space<vmem>>, vector<16xf32>,
        %get3A_216 = arith.index_cast %add3A_198 : i32 to index
        %get3A_217 = arith.constant 0 : index
        %get3A_218 = tpu.vector_load %arg14[%get3A_216, %get3A_217] {strides = array<i32>} : memref<64x64xf32, #tpu.memory_space<vmem>>, vector<16xf32>,
        %mul3A_219 = arith.mulf %get3A_218, %mul3A_213 : vector<16xf32>
        %swap3A_220 = arith.index_cast %add3A_198 : i32 to index
        %swap3A_221 = arith.constant 0 : index
        %swap3A_222 = tpu.vector_load %arg16[%swap3A_220, %swap3A_221] {strides = array<i32>} : memref<64x80xf32, #tpu.memory_space<vmem>>, vector<16xf32>,
        tpu.vector_store %arg16[%swap3A_220, %swap3A_221], %mul3A_219 {strides = array<i32>} : memref<64x80xf32, #tpu.memory_space<vmem>>, vector<16xf32>,
        %get3A_223 = arith.index_cast %add3A_198 : i32 to index
        %get3A_224 = arith.constant 16 : index
        %get3A_225 = tpu.vector_load %arg14[%get3A_223, %get3A_224] {strides = array<i32>} : memref<64x64xf32, #tpu.memory_space<vmem>>, vector<16xf32>,
        %mul3A_226 = arith.mulf %get3A_225, %mul3A_213 : vector<16xf32>
        %swap3A_227 = arith.index_cast %add3A_198 : i32 to index
        %swap3A_228 = arith.constant 16 : index
        %swap3A_229 = tpu.vector_load %arg16[%swap3A_227, %swap3A_228] {strides = array<i32>} : memref<64x80xf32, #tpu.memory_space<vmem>>, vector<16xf32>,
        tpu.vector_store %arg16[%swap3A_227, %swap3A_228], %mul3A_226 {strides = array<i32>} : memref<64x80xf32, #tpu.memory_space<vmem>>, vector<16xf32>,
        %get3A_230 = arith.index_cast %add3A_198 : i32 to index
        %get3A_231 = arith.constant 32 : index
        %get3A_232 = tpu.vector_load %arg14[%get3A_230, %get3A_231] {strides = array<i32>} : memref<64x64xf32, #tpu.memory_space<vmem>>, vector<16xf32>,
        %mul3A_233 = arith.mulf %get3A_232, %mul3A_213 : vector<16xf32>
        %swap3A_234 = arith.index_cast %add3A_198 : i32 to index
        %swap3A_235 = arith.constant 32 : index
        %swap3A_236 = tpu.vector_load %arg16[%swap3A_234, %swap3A_235] {strides = array<i32>} : memref<64x80xf32, #tpu.memory_space<vmem>>, vector<16xf32>,
        tpu.vector_store %arg16[%swap3A_234, %swap3A_235], %mul3A_233 {strides = array<i32>} : memref<64x80xf32, #tpu.memory_space<vmem>>, vector<16xf32>,
        %get3A_237 = arith.index_cast %add3A_198 : i32 to index
        %get3A_238 = arith.constant 48 : index
        %get3A_239 = tpu.vector_load %arg14[%get3A_237, %get3A_238] {strides = array<i32>} : memref<64x64xf32, #tpu.memory_space<vmem>>, vector<16xf32>,
        %mul3A_240 = arith.mulf %get3A_239, %mul3A_213 : vector<16xf32>
        %swap3A_241 = arith.index_cast %add3A_198 : i32 to index
        %swap3A_242 = arith.constant 48 : index
        %swap3A_243 = tpu.vector_load %arg16[%swap3A_241, %swap3A_242] {strides = array<i32>} : memref<64x80xf32, #tpu.memory_space<vmem>>, vector<16xf32>,
        tpu.vector_store %arg16[%swap3A_241, %swap3A_242], %mul3A_240 {strides = array<i32>} : memref<64x80xf32, #tpu.memory_space<vmem>>, vector<16xf32>,
      }
      %scan3A_185 = arith.constant 64 : i32
      %run_scoped3A_186 = arith.constant 1 : i32
      "tpu.region"() ({
        %run_scoped3A_194 = tpu.sem_alloc : memref<!tpu.dma_semaphore, #tpu.memory_space<semaphore_mem>>
        %dma_start3A_195 = arith.constant 0 : i32
        %dma_start3A_196 = tpu.memref_slice %arg8[%run_scoped3A_186, %dma_start3A_195] : memref<3x64xi32, #tpu.memory_space<vmem>> -> memref<1x64xi32, #tpu.memory_space<vmem>>
        %dma_start3A_197 = tpu.memref_squeeze %dma_start3A_196 : memref<1x64xi32, #tpu.memory_space<vmem>> -> memref<64xi32, #tpu.memory_space<vmem>>
        %dma_start3A_198 = arith.constant 0 : i32
        %dma_start3A_199 = arith.constant 0 : i32
        %dma_start3A_200 = tpu.memref_slice %arg17[%dma_start3A_198, %dma_start3A_199] : memref<10240x80xf32, #tpu.memory_space<vmem_shared>> -> memref<10240x80xf32, #tpu.memory_space<vmem_shared>>
        tpu.enqueue_indirect_dma source(%arg16 : memref<64x80xf32, #tpu.memory_space<vmem>>) target(%dma_start3A_200 : memref<10240x80xf32, #tpu.memory_space<vmem_shared>>) offsets(%dma_start3A_197 : memref<64xi32, #tpu.memory_space<vmem>>) semaphore(%run_scoped3A_194 : memref<!tpu.dma_semaphore, #tpu.memory_space<semaphore_mem>>) {add = true}
        %dma_wait3A_201 = arith.constant 0 : i32
        %dma_wait3A_202 = tpu.memref_slice %arg8[%run_scoped3A_186, %dma_wait3A_201] : memref<3x64xi32, #tpu.memory_space<vmem>> -> memref<1x64xi32, #tpu.memory_space<vmem>>
        %dma_wait3A_203 = tpu.memref_squeeze %dma_wait3A_202 : memref<1x64xi32, #tpu.memory_space<vmem>> -> memref<64xi32, #tpu.memory_space<vmem>>
        %dma_wait3A_204 = arith.constant 0 : i32
        %dma_wait3A_205 = arith.constant 0 : i32
        %dma_wait3A_206 = tpu.memref_slice %arg17[%dma_wait3A_204, %dma_wait3A_205] : memref<10240x80xf32, #tpu.memory_space<vmem_shared>> -> memref<10240x80xf32, #tpu.memory_space<vmem_shared>>
        tpu.wait_indirect_dma semaphore(%run_scoped3A_194 : memref<!tpu.dma_semaphore, #tpu.memory_space<semaphore_mem>>) src(%arg16 : memref<64x80xf32, #tpu.memory_space<vmem>>) dst(%dma_wait3A_206 : memref<10240x80xf32, #tpu.memory_space<vmem_shared>>)
        tpu.yield
      }) : () -> ()
      %add3A_187 = arith.constant 2 : i32
      %add3A_188 = arith.addi %add3A_152, %add3A_187 : i32
      %lt3A_189 = arith.constant 160 : i32
      %lt3A_190 = arith.cmpi slt, %add3A_188, %lt3A_189 : i32
      %convert_element_type3A_191 = arith.extui %lt3A_190 : i1 to i32
      %cond3A_192 = arith.constant 0 : i32
      %cond3A_193 = arith.cmpi ne, %convert_element_type3A_191, %cond3A_192 : i32
      scf.if %cond3A_193 {
        %add3A_194 = arith.addi %mul3A_47, %add3A_152 : i32
        %add3A_195 = arith.constant 2 : i32
        %add3A_196 = arith.addi %add3A_194, %add3A_195 : i32
        %dma_start3A_197 = arith.constant 0 : i32
        %dma_start3A_198 = arith.constant 0 : i32
        %dma_start3A_199 = tpu.memref_slice %arg2[%add3A_196, %dma_start3A_197, %dma_start3A_198] : memref<5120x3x64xi32, #tpu.memory_space<hbm>> -> memref<1x3x64xi32, #tpu.memory_space<hbm>>
        %dma_start3A_200 = tpu.memref_squeeze %dma_start3A_199 : memref<1x3x64xi32, #tpu.memory_space<hbm>> -> memref<3x64xi32, #tpu.memory_space<hbm>>
        %dma_start3A_201 = arith.constant 0 : i32
        %dma_start3A_202 = arith.constant 0 : i32
        %dma_start3A_203 = tpu.memref_slice %arg2[%add3A_196, %dma_start3A_201, %dma_start3A_202] : memref<5120x3x64xi32, #tpu.memory_space<hbm>> -> memref<1x3x64xi32, #tpu.memory_space<hbm>>
        %dma_start3A_204 = tpu.memref_squeeze %dma_start3A_203 : memref<1x3x64xi32, #tpu.memory_space<hbm>> -> memref<3x64xi32, #tpu.memory_space<hbm>>
        tpu.enqueue_dma source(%dma_start3A_204 : memref<3x64xi32, #tpu.memory_space<hbm>>) target(%arg8 : memref<3x64xi32, #tpu.memory_space<vmem>>) target_semaphore(%arg19 : memref<!tpu.dma_semaphore, #tpu.memory_space<semaphore_mem>>)
      } else {
      }
    }
    %scan3A_97 = arith.constant 80 : i32
    %barrier3A_98 = arith.constant 0 : index
    tpu.barrier barrier_id(%barrier3A_98)
    %mul3A_99 = arith.constant 640 : i32
    %mul3A_100 = arith.muli %arg1, %mul3A_99 : i32
    %mul3A_101 = arith.constant 640 : i32
    %mul3A_102 = arith.muli %arg1, %mul3A_101 : i32
    "tpu.region"() ({
      %run_scoped3A = tpu.sem_alloc : memref<!tpu.dma_semaphore, #tpu.memory_space<semaphore_mem>>
      %dma_start3A_103 = arith.constant 0 : i32
      %dma_start3A_104 = tpu.memref_slice %arg6[%arg0, %mul3A_102, %dma_start3A_103] : memref<2x10240x80xf32, #tpu.memory_space<hbm>> -> memref<1x640x80xf32, #tpu.memory_space<hbm>>
      %dma_start3A_105 = tpu.memref_squeeze %dma_start3A_104 : memref<1x640x80xf32, #tpu.memory_space<hbm>> -> memref<640x80xf32, #tpu.memory_space<hbm>>
      %dma_start3A_106 = arith.constant 0 : i32
      %dma_start3A_107 = tpu.memref_slice %arg17[%mul3A_100, %dma_start3A_106] : memref<10240x80xf32, #tpu.memory_space<vmem_shared>> -> memref<640x80xf32, #tpu.memory_space<vmem_shared>>
      tpu.enqueue_dma source(%dma_start3A_107 : memref<640x80xf32, #tpu.memory_space<vmem_shared>>) target(%dma_start3A_105 : memref<640x80xf32, #tpu.memory_space<hbm>>) target_semaphore(%run_scoped3A : memref<!tpu.dma_semaphore, #tpu.memory_space<semaphore_mem>>)
      %dma_wait3A_108 = arith.constant 0 : i32
      %dma_wait3A_109 = tpu.memref_slice %arg6[%arg0, %mul3A_102, %dma_wait3A_108] : memref<2x10240x80xf32, #tpu.memory_space<hbm>> -> memref<1x640x80xf32, #tpu.memory_space<hbm>>
      %dma_wait3A_110 = tpu.memref_squeeze %dma_wait3A_109 : memref<1x640x80xf32, #tpu.memory_space<hbm>> -> memref<640x80xf32, #tpu.memory_space<hbm>>
      %dma_wait3A_111 = arith.constant 0 : i32
      %dma_wait3A_112 = tpu.memref_slice %arg17[%mul3A_100, %dma_wait3A_111] : memref<10240x80xf32, #tpu.memory_space<vmem_shared>> -> memref<640x80xf32, #tpu.memory_space<vmem_shared>>
      tpu.wait_dma2 semaphore(%run_scoped3A : memref<!tpu.dma_semaphore, #tpu.memory_space<semaphore_mem>>) src(%dma_wait3A_112 : memref<640x80xf32, #tpu.memory_space<vmem_shared>>) dst(%dma_wait3A_110 : memref<640x80xf32, #tpu.memory_space<hbm>>)
      tpu.yield
    }) : () -> ()
    return
  }
}

#map = affine_map<(d0, d1) -> (0, 0, 0)>
#map1 = affine_map<(d0, d1) -> (0, 0)>
module attributes {stable_mosaic.version = 14 : i64} {
  func.func @sc_kernel(%arg0: i32, %arg1: i32, %arg2: memref<5120x3x64xi32, #tpu.memory_space<hbm>>, %arg3: memref<10240x16xf32, #tpu.memory_space<hbm>>, %arg4: memref<10240x16xf32, #tpu.memory_space<hbm>>, %arg5: memref<10240x128xf32, #tpu.memory_space<hbm>>, %arg6: memref<2x10240x136xf32, #tpu.memory_space<hbm>>, %arg7: memref<3x64xi32, #tpu.memory_space<vmem>>, %arg8: memref<3x64xi32, #tpu.memory_space<vmem>>, %arg9: memref<64x16xf32, #tpu.memory_space<vmem>>, %arg10: memref<64x16xf32, #tpu.memory_space<vmem>>, %arg11: memref<64x16xf32, #tpu.memory_space<vmem>>, %arg12: memref<64x16xf32, #tpu.memory_space<vmem>>, %arg13: memref<64x128xf32, #tpu.memory_space<vmem>>, %arg14: memref<64x128xf32, #tpu.memory_space<vmem>>, %arg15: memref<64x136xf32, #tpu.memory_space<vmem>>, %arg16: memref<64x136xf32, #tpu.memory_space<vmem>>, %arg17: memref<10240x136xf32, #tpu.memory_space<vmem_shared>>, %arg18: memref<!tpu.dma_semaphore, #tpu.memory_space<semaphore_mem>>, %arg19: memref<!tpu.dma_semaphore, #tpu.memory_space<semaphore_mem>>, %arg20: memref<!tpu.dma_semaphore, #tpu.memory_space<semaphore_mem>>, %arg21: memref<!tpu.dma_semaphore, #tpu.memory_space<semaphore_mem>>) attributes {dimension_semantics = [#tpu.dimension_semantics<core_parallel>, #tpu.dimension_semantics<subcore_parallel>], iteration_bounds = array<i64: 2, 16>, scalar_prefetch = 0 : i64, scratch_operands = 15 : i64, tpu.core_type = #tpu.core_type<sc_vector_subcore>, window_params = [{transform_indices = #map}, {transform_indices = #map1}, {transform_indices = #map1}, {transform_indices = #map1}, {transform_indices = #map}]} {
    %mul3A = arith.constant 16 : i32
    %mul3A_0 = arith.muli %arg0, %mul3A : i32
    %add3A = arith.addi %mul3A_0, %arg1 : i32
    %broadcast_in_dim3A = arith.constant 0.000000e+00 : f32
    %broadcast_in_dim3A_1 = vector.broadcast %broadcast_in_dim3A : f32 to vector<16xf32>
    %scan3A = arith.constant 0 : i32
    %scan3A_2 = arith.constant 64 : i32
    %scan3A_3 = arith.addi %scan3A, %scan3A_2 : i32
    %scan3A_4 = arith.constant 1 : i32
    scf.for %scan3A_103 = %scan3A to %scan3A_3 step %scan3A_4  : i32 {
      %mul3A_104 = arith.constant 1 : i32
      %mul3A_105 = arith.muli %scan3A_103, %mul3A_104 : i32
      %add3A_106 = arith.constant 0 : i32
      %add3A_107 = arith.addi %add3A_106, %mul3A_105 : i32
      %swap3A = arith.index_cast %add3A_107 : i32 to index
      %swap3A_108 = arith.constant 0 : index
      %swap3A_109 = tpu.vector_load %arg15[%swap3A, %swap3A_108] {strides = array<i32>} : memref<64x136xf32, #tpu.memory_space<vmem>>, vector<16xf32>,
      tpu.vector_store %arg15[%swap3A, %swap3A_108], %broadcast_in_dim3A_1 {strides = array<i32>} : memref<64x136xf32, #tpu.memory_space<vmem>>, vector<16xf32>,
      %swap3A_110 = arith.index_cast %add3A_107 : i32 to index
      %swap3A_111 = arith.constant 16 : index
      %swap3A_112 = tpu.vector_load %arg15[%swap3A_110, %swap3A_111] {strides = array<i32>} : memref<64x136xf32, #tpu.memory_space<vmem>>, vector<16xf32>,
      tpu.vector_store %arg15[%swap3A_110, %swap3A_111], %broadcast_in_dim3A_1 {strides = array<i32>} : memref<64x136xf32, #tpu.memory_space<vmem>>, vector<16xf32>,
      %swap3A_113 = arith.index_cast %add3A_107 : i32 to index
      %swap3A_114 = arith.constant 32 : index
      %swap3A_115 = tpu.vector_load %arg15[%swap3A_113, %swap3A_114] {strides = array<i32>} : memref<64x136xf32, #tpu.memory_space<vmem>>, vector<16xf32>,
      tpu.vector_store %arg15[%swap3A_113, %swap3A_114], %broadcast_in_dim3A_1 {strides = array<i32>} : memref<64x136xf32, #tpu.memory_space<vmem>>, vector<16xf32>,
      %swap3A_116 = arith.index_cast %add3A_107 : i32 to index
      %swap3A_117 = arith.constant 48 : index
      %swap3A_118 = tpu.vector_load %arg15[%swap3A_116, %swap3A_117] {strides = array<i32>} : memref<64x136xf32, #tpu.memory_space<vmem>>, vector<16xf32>,
      tpu.vector_store %arg15[%swap3A_116, %swap3A_117], %broadcast_in_dim3A_1 {strides = array<i32>} : memref<64x136xf32, #tpu.memory_space<vmem>>, vector<16xf32>,
      %swap3A_119 = arith.index_cast %add3A_107 : i32 to index
      %swap3A_120 = arith.constant 64 : index
      %swap3A_121 = tpu.vector_load %arg15[%swap3A_119, %swap3A_120] {strides = array<i32>} : memref<64x136xf32, #tpu.memory_space<vmem>>, vector<16xf32>,
      tpu.vector_store %arg15[%swap3A_119, %swap3A_120], %broadcast_in_dim3A_1 {strides = array<i32>} : memref<64x136xf32, #tpu.memory_space<vmem>>, vector<16xf32>,
      %swap3A_122 = arith.index_cast %add3A_107 : i32 to index
      %swap3A_123 = arith.constant 80 : index
      %swap3A_124 = tpu.vector_load %arg15[%swap3A_122, %swap3A_123] {strides = array<i32>} : memref<64x136xf32, #tpu.memory_space<vmem>>, vector<16xf32>,
      tpu.vector_store %arg15[%swap3A_122, %swap3A_123], %broadcast_in_dim3A_1 {strides = array<i32>} : memref<64x136xf32, #tpu.memory_space<vmem>>, vector<16xf32>,
      %swap3A_125 = arith.index_cast %add3A_107 : i32 to index
      %swap3A_126 = arith.constant 96 : index
      %swap3A_127 = tpu.vector_load %arg15[%swap3A_125, %swap3A_126] {strides = array<i32>} : memref<64x136xf32, #tpu.memory_space<vmem>>, vector<16xf32>,
      tpu.vector_store %arg15[%swap3A_125, %swap3A_126], %broadcast_in_dim3A_1 {strides = array<i32>} : memref<64x136xf32, #tpu.memory_space<vmem>>, vector<16xf32>,
      %swap3A_128 = arith.index_cast %add3A_107 : i32 to index
      %swap3A_129 = arith.constant 112 : index
      %swap3A_130 = tpu.vector_load %arg15[%swap3A_128, %swap3A_129] {strides = array<i32>} : memref<64x136xf32, #tpu.memory_space<vmem>>, vector<16xf32>,
      tpu.vector_store %arg15[%swap3A_128, %swap3A_129], %broadcast_in_dim3A_1 {strides = array<i32>} : memref<64x136xf32, #tpu.memory_space<vmem>>, vector<16xf32>,
    }
    %scan3A_5 = arith.constant 64 : i32
    %mul3A_6 = arith.constant 640 : i32
    %mul3A_7 = arith.muli %arg1, %mul3A_6 : i32
    %add3A_8 = arith.constant 0 : i32
    %add3A_9 = arith.addi %mul3A_7, %add3A_8 : i32
    "tpu.region"() ({
      %run_scoped3A = tpu.sem_alloc : memref<!tpu.dma_semaphore, #tpu.memory_space<semaphore_mem>>
      %dma_start3A_103 = arith.constant 0 : i32
      %dma_start3A_104 = tpu.memref_slice %arg17[%add3A_9, %dma_start3A_103] : memref<10240x136xf32, #tpu.memory_space<vmem_shared>> -> memref<64x136xf32, #tpu.memory_space<vmem_shared>>
      %dma_start3A_105 = arith.constant 0 : i32
      %dma_start3A_106 = tpu.memref_slice %arg17[%add3A_9, %dma_start3A_105] : memref<10240x136xf32, #tpu.memory_space<vmem_shared>> -> memref<64x136xf32, #tpu.memory_space<vmem_shared>>
      tpu.enqueue_dma source(%arg15 : memref<64x136xf32, #tpu.memory_space<vmem>>) target(%dma_start3A_106 : memref<64x136xf32, #tpu.memory_space<vmem_shared>>) target_semaphore(%run_scoped3A : memref<!tpu.dma_semaphore, #tpu.memory_space<semaphore_mem>>)
      %dma_wait3A_107 = arith.constant 0 : i32
      %dma_wait3A_108 = tpu.memref_slice %arg17[%add3A_9, %dma_wait3A_107] : memref<10240x136xf32, #tpu.memory_space<vmem_shared>> -> memref<64x136xf32, #tpu.memory_space<vmem_shared>>
      %dma_wait3A_109 = arith.constant 0 : i32
      %dma_wait3A_110 = tpu.memref_slice %arg17[%add3A_9, %dma_wait3A_109] : memref<10240x136xf32, #tpu.memory_space<vmem_shared>> -> memref<64x136xf32, #tpu.memory_space<vmem_shared>>
      tpu.wait_dma2 semaphore(%run_scoped3A : memref<!tpu.dma_semaphore, #tpu.memory_space<semaphore_mem>>) src(%arg15 : memref<64x136xf32, #tpu.memory_space<vmem>>) dst(%dma_wait3A_110 : memref<64x136xf32, #tpu.memory_space<vmem_shared>>)
      tpu.yield
    }) : () -> ()
    %mul3A_10 = arith.constant 640 : i32
    %mul3A_11 = arith.muli %arg1, %mul3A_10 : i32
    %add3A_12 = arith.constant 64 : i32
    %add3A_13 = arith.addi %mul3A_11, %add3A_12 : i32
    "tpu.region"() ({
      %run_scoped3A = tpu.sem_alloc : memref<!tpu.dma_semaphore, #tpu.memory_space<semaphore_mem>>
      %dma_start3A_103 = arith.constant 0 : i32
      %dma_start3A_104 = tpu.memref_slice %arg17[%add3A_13, %dma_start3A_103] : memref<10240x136xf32, #tpu.memory_space<vmem_shared>> -> memref<64x136xf32, #tpu.memory_space<vmem_shared>>
      %dma_start3A_105 = arith.constant 0 : i32
      %dma_start3A_106 = tpu.memref_slice %arg17[%add3A_13, %dma_start3A_105] : memref<10240x136xf32, #tpu.memory_space<vmem_shared>> -> memref<64x136xf32, #tpu.memory_space<vmem_shared>>
      tpu.enqueue_dma source(%arg15 : memref<64x136xf32, #tpu.memory_space<vmem>>) target(%dma_start3A_106 : memref<64x136xf32, #tpu.memory_space<vmem_shared>>) target_semaphore(%run_scoped3A : memref<!tpu.dma_semaphore, #tpu.memory_space<semaphore_mem>>)
      %dma_wait3A_107 = arith.constant 0 : i32
      %dma_wait3A_108 = tpu.memref_slice %arg17[%add3A_13, %dma_wait3A_107] : memref<10240x136xf32, #tpu.memory_space<vmem_shared>> -> memref<64x136xf32, #tpu.memory_space<vmem_shared>>
      %dma_wait3A_109 = arith.constant 0 : i32
      %dma_wait3A_110 = tpu.memref_slice %arg17[%add3A_13, %dma_wait3A_109] : memref<10240x136xf32, #tpu.memory_space<vmem_shared>> -> memref<64x136xf32, #tpu.memory_space<vmem_shared>>
      tpu.wait_dma2 semaphore(%run_scoped3A : memref<!tpu.dma_semaphore, #tpu.memory_space<semaphore_mem>>) src(%arg15 : memref<64x136xf32, #tpu.memory_space<vmem>>) dst(%dma_wait3A_110 : memref<64x136xf32, #tpu.memory_space<vmem_shared>>)
      tpu.yield
    }) : () -> ()
    %mul3A_14 = arith.constant 640 : i32
    %mul3A_15 = arith.muli %arg1, %mul3A_14 : i32
    %add3A_16 = arith.constant 128 : i32
    %add3A_17 = arith.addi %mul3A_15, %add3A_16 : i32
    "tpu.region"() ({
      %run_scoped3A = tpu.sem_alloc : memref<!tpu.dma_semaphore, #tpu.memory_space<semaphore_mem>>
      %dma_start3A_103 = arith.constant 0 : i32
      %dma_start3A_104 = tpu.memref_slice %arg17[%add3A_17, %dma_start3A_103] : memref<10240x136xf32, #tpu.memory_space<vmem_shared>> -> memref<64x136xf32, #tpu.memory_space<vmem_shared>>
      %dma_start3A_105 = arith.constant 0 : i32
      %dma_start3A_106 = tpu.memref_slice %arg17[%add3A_17, %dma_start3A_105] : memref<10240x136xf32, #tpu.memory_space<vmem_shared>> -> memref<64x136xf32, #tpu.memory_space<vmem_shared>>
      tpu.enqueue_dma source(%arg15 : memref<64x136xf32, #tpu.memory_space<vmem>>) target(%dma_start3A_106 : memref<64x136xf32, #tpu.memory_space<vmem_shared>>) target_semaphore(%run_scoped3A : memref<!tpu.dma_semaphore, #tpu.memory_space<semaphore_mem>>)
      %dma_wait3A_107 = arith.constant 0 : i32
      %dma_wait3A_108 = tpu.memref_slice %arg17[%add3A_17, %dma_wait3A_107] : memref<10240x136xf32, #tpu.memory_space<vmem_shared>> -> memref<64x136xf32, #tpu.memory_space<vmem_shared>>
      %dma_wait3A_109 = arith.constant 0 : i32
      %dma_wait3A_110 = tpu.memref_slice %arg17[%add3A_17, %dma_wait3A_109] : memref<10240x136xf32, #tpu.memory_space<vmem_shared>> -> memref<64x136xf32, #tpu.memory_space<vmem_shared>>
      tpu.wait_dma2 semaphore(%run_scoped3A : memref<!tpu.dma_semaphore, #tpu.memory_space<semaphore_mem>>) src(%arg15 : memref<64x136xf32, #tpu.memory_space<vmem>>) dst(%dma_wait3A_110 : memref<64x136xf32, #tpu.memory_space<vmem_shared>>)
      tpu.yield
    }) : () -> ()
    %mul3A_18 = arith.constant 640 : i32
    %mul3A_19 = arith.muli %arg1, %mul3A_18 : i32
    %add3A_20 = arith.constant 192 : i32
    %add3A_21 = arith.addi %mul3A_19, %add3A_20 : i32
    "tpu.region"() ({
      %run_scoped3A = tpu.sem_alloc : memref<!tpu.dma_semaphore, #tpu.memory_space<semaphore_mem>>
      %dma_start3A_103 = arith.constant 0 : i32
      %dma_start3A_104 = tpu.memref_slice %arg17[%add3A_21, %dma_start3A_103] : memref<10240x136xf32, #tpu.memory_space<vmem_shared>> -> memref<64x136xf32, #tpu.memory_space<vmem_shared>>
      %dma_start3A_105 = arith.constant 0 : i32
      %dma_start3A_106 = tpu.memref_slice %arg17[%add3A_21, %dma_start3A_105] : memref<10240x136xf32, #tpu.memory_space<vmem_shared>> -> memref<64x136xf32, #tpu.memory_space<vmem_shared>>
      tpu.enqueue_dma source(%arg15 : memref<64x136xf32, #tpu.memory_space<vmem>>) target(%dma_start3A_106 : memref<64x136xf32, #tpu.memory_space<vmem_shared>>) target_semaphore(%run_scoped3A : memref<!tpu.dma_semaphore, #tpu.memory_space<semaphore_mem>>)
      %dma_wait3A_107 = arith.constant 0 : i32
      %dma_wait3A_108 = tpu.memref_slice %arg17[%add3A_21, %dma_wait3A_107] : memref<10240x136xf32, #tpu.memory_space<vmem_shared>> -> memref<64x136xf32, #tpu.memory_space<vmem_shared>>
      %dma_wait3A_109 = arith.constant 0 : i32
      %dma_wait3A_110 = tpu.memref_slice %arg17[%add3A_21, %dma_wait3A_109] : memref<10240x136xf32, #tpu.memory_space<vmem_shared>> -> memref<64x136xf32, #tpu.memory_space<vmem_shared>>
      tpu.wait_dma2 semaphore(%run_scoped3A : memref<!tpu.dma_semaphore, #tpu.memory_space<semaphore_mem>>) src(%arg15 : memref<64x136xf32, #tpu.memory_space<vmem>>) dst(%dma_wait3A_110 : memref<64x136xf32, #tpu.memory_space<vmem_shared>>)
      tpu.yield
    }) : () -> ()
    %mul3A_22 = arith.constant 640 : i32
    %mul3A_23 = arith.muli %arg1, %mul3A_22 : i32
    %add3A_24 = arith.constant 256 : i32
    %add3A_25 = arith.addi %mul3A_23, %add3A_24 : i32
    "tpu.region"() ({
      %run_scoped3A = tpu.sem_alloc : memref<!tpu.dma_semaphore, #tpu.memory_space<semaphore_mem>>
      %dma_start3A_103 = arith.constant 0 : i32
      %dma_start3A_104 = tpu.memref_slice %arg17[%add3A_25, %dma_start3A_103] : memref<10240x136xf32, #tpu.memory_space<vmem_shared>> -> memref<64x136xf32, #tpu.memory_space<vmem_shared>>
      %dma_start3A_105 = arith.constant 0 : i32
      %dma_start3A_106 = tpu.memref_slice %arg17[%add3A_25, %dma_start3A_105] : memref<10240x136xf32, #tpu.memory_space<vmem_shared>> -> memref<64x136xf32, #tpu.memory_space<vmem_shared>>
      tpu.enqueue_dma source(%arg15 : memref<64x136xf32, #tpu.memory_space<vmem>>) target(%dma_start3A_106 : memref<64x136xf32, #tpu.memory_space<vmem_shared>>) target_semaphore(%run_scoped3A : memref<!tpu.dma_semaphore, #tpu.memory_space<semaphore_mem>>)
      %dma_wait3A_107 = arith.constant 0 : i32
      %dma_wait3A_108 = tpu.memref_slice %arg17[%add3A_25, %dma_wait3A_107] : memref<10240x136xf32, #tpu.memory_space<vmem_shared>> -> memref<64x136xf32, #tpu.memory_space<vmem_shared>>
      %dma_wait3A_109 = arith.constant 0 : i32
      %dma_wait3A_110 = tpu.memref_slice %arg17[%add3A_25, %dma_wait3A_109] : memref<10240x136xf32, #tpu.memory_space<vmem_shared>> -> memref<64x136xf32, #tpu.memory_space<vmem_shared>>
      tpu.wait_dma2 semaphore(%run_scoped3A : memref<!tpu.dma_semaphore, #tpu.memory_space<semaphore_mem>>) src(%arg15 : memref<64x136xf32, #tpu.memory_space<vmem>>) dst(%dma_wait3A_110 : memref<64x136xf32, #tpu.memory_space<vmem_shared>>)
      tpu.yield
    }) : () -> ()
    %mul3A_26 = arith.constant 640 : i32
    %mul3A_27 = arith.muli %arg1, %mul3A_26 : i32
    %add3A_28 = arith.constant 320 : i32
    %add3A_29 = arith.addi %mul3A_27, %add3A_28 : i32
    "tpu.region"() ({
      %run_scoped3A = tpu.sem_alloc : memref<!tpu.dma_semaphore, #tpu.memory_space<semaphore_mem>>
      %dma_start3A_103 = arith.constant 0 : i32
      %dma_start3A_104 = tpu.memref_slice %arg17[%add3A_29, %dma_start3A_103] : memref<10240x136xf32, #tpu.memory_space<vmem_shared>> -> memref<64x136xf32, #tpu.memory_space<vmem_shared>>
      %dma_start3A_105 = arith.constant 0 : i32
      %dma_start3A_106 = tpu.memref_slice %arg17[%add3A_29, %dma_start3A_105] : memref<10240x136xf32, #tpu.memory_space<vmem_shared>> -> memref<64x136xf32, #tpu.memory_space<vmem_shared>>
      tpu.enqueue_dma source(%arg15 : memref<64x136xf32, #tpu.memory_space<vmem>>) target(%dma_start3A_106 : memref<64x136xf32, #tpu.memory_space<vmem_shared>>) target_semaphore(%run_scoped3A : memref<!tpu.dma_semaphore, #tpu.memory_space<semaphore_mem>>)
      %dma_wait3A_107 = arith.constant 0 : i32
      %dma_wait3A_108 = tpu.memref_slice %arg17[%add3A_29, %dma_wait3A_107] : memref<10240x136xf32, #tpu.memory_space<vmem_shared>> -> memref<64x136xf32, #tpu.memory_space<vmem_shared>>
      %dma_wait3A_109 = arith.constant 0 : i32
      %dma_wait3A_110 = tpu.memref_slice %arg17[%add3A_29, %dma_wait3A_109] : memref<10240x136xf32, #tpu.memory_space<vmem_shared>> -> memref<64x136xf32, #tpu.memory_space<vmem_shared>>
      tpu.wait_dma2 semaphore(%run_scoped3A : memref<!tpu.dma_semaphore, #tpu.memory_space<semaphore_mem>>) src(%arg15 : memref<64x136xf32, #tpu.memory_space<vmem>>) dst(%dma_wait3A_110 : memref<64x136xf32, #tpu.memory_space<vmem_shared>>)
      tpu.yield
    }) : () -> ()
    %mul3A_30 = arith.constant 640 : i32
    %mul3A_31 = arith.muli %arg1, %mul3A_30 : i32
    %add3A_32 = arith.constant 384 : i32
    %add3A_33 = arith.addi %mul3A_31, %add3A_32 : i32
    "tpu.region"() ({
      %run_scoped3A = tpu.sem_alloc : memref<!tpu.dma_semaphore, #tpu.memory_space<semaphore_mem>>
      %dma_start3A_103 = arith.constant 0 : i32
      %dma_start3A_104 = tpu.memref_slice %arg17[%add3A_33, %dma_start3A_103] : memref<10240x136xf32, #tpu.memory_space<vmem_shared>> -> memref<64x136xf32, #tpu.memory_space<vmem_shared>>
      %dma_start3A_105 = arith.constant 0 : i32
      %dma_start3A_106 = tpu.memref_slice %arg17[%add3A_33, %dma_start3A_105] : memref<10240x136xf32, #tpu.memory_space<vmem_shared>> -> memref<64x136xf32, #tpu.memory_space<vmem_shared>>
      tpu.enqueue_dma source(%arg15 : memref<64x136xf32, #tpu.memory_space<vmem>>) target(%dma_start3A_106 : memref<64x136xf32, #tpu.memory_space<vmem_shared>>) target_semaphore(%run_scoped3A : memref<!tpu.dma_semaphore, #tpu.memory_space<semaphore_mem>>)
      %dma_wait3A_107 = arith.constant 0 : i32
      %dma_wait3A_108 = tpu.memref_slice %arg17[%add3A_33, %dma_wait3A_107] : memref<10240x136xf32, #tpu.memory_space<vmem_shared>> -> memref<64x136xf32, #tpu.memory_space<vmem_shared>>
      %dma_wait3A_109 = arith.constant 0 : i32
      %dma_wait3A_110 = tpu.memref_slice %arg17[%add3A_33, %dma_wait3A_109] : memref<10240x136xf32, #tpu.memory_space<vmem_shared>> -> memref<64x136xf32, #tpu.memory_space<vmem_shared>>
      tpu.wait_dma2 semaphore(%run_scoped3A : memref<!tpu.dma_semaphore, #tpu.memory_space<semaphore_mem>>) src(%arg15 : memref<64x136xf32, #tpu.memory_space<vmem>>) dst(%dma_wait3A_110 : memref<64x136xf32, #tpu.memory_space<vmem_shared>>)
      tpu.yield
    }) : () -> ()
    %mul3A_34 = arith.constant 640 : i32
    %mul3A_35 = arith.muli %arg1, %mul3A_34 : i32
    %add3A_36 = arith.constant 448 : i32
    %add3A_37 = arith.addi %mul3A_35, %add3A_36 : i32
    "tpu.region"() ({
      %run_scoped3A = tpu.sem_alloc : memref<!tpu.dma_semaphore, #tpu.memory_space<semaphore_mem>>
      %dma_start3A_103 = arith.constant 0 : i32
      %dma_start3A_104 = tpu.memref_slice %arg17[%add3A_37, %dma_start3A_103] : memref<10240x136xf32, #tpu.memory_space<vmem_shared>> -> memref<64x136xf32, #tpu.memory_space<vmem_shared>>
      %dma_start3A_105 = arith.constant 0 : i32
      %dma_start3A_106 = tpu.memref_slice %arg17[%add3A_37, %dma_start3A_105] : memref<10240x136xf32, #tpu.memory_space<vmem_shared>> -> memref<64x136xf32, #tpu.memory_space<vmem_shared>>
      tpu.enqueue_dma source(%arg15 : memref<64x136xf32, #tpu.memory_space<vmem>>) target(%dma_start3A_106 : memref<64x136xf32, #tpu.memory_space<vmem_shared>>) target_semaphore(%run_scoped3A : memref<!tpu.dma_semaphore, #tpu.memory_space<semaphore_mem>>)
      %dma_wait3A_107 = arith.constant 0 : i32
      %dma_wait3A_108 = tpu.memref_slice %arg17[%add3A_37, %dma_wait3A_107] : memref<10240x136xf32, #tpu.memory_space<vmem_shared>> -> memref<64x136xf32, #tpu.memory_space<vmem_shared>>
      %dma_wait3A_109 = arith.constant 0 : i32
      %dma_wait3A_110 = tpu.memref_slice %arg17[%add3A_37, %dma_wait3A_109] : memref<10240x136xf32, #tpu.memory_space<vmem_shared>> -> memref<64x136xf32, #tpu.memory_space<vmem_shared>>
      tpu.wait_dma2 semaphore(%run_scoped3A : memref<!tpu.dma_semaphore, #tpu.memory_space<semaphore_mem>>) src(%arg15 : memref<64x136xf32, #tpu.memory_space<vmem>>) dst(%dma_wait3A_110 : memref<64x136xf32, #tpu.memory_space<vmem_shared>>)
      tpu.yield
    }) : () -> ()
    %mul3A_38 = arith.constant 640 : i32
    %mul3A_39 = arith.muli %arg1, %mul3A_38 : i32
    %add3A_40 = arith.constant 512 : i32
    %add3A_41 = arith.addi %mul3A_39, %add3A_40 : i32
    "tpu.region"() ({
      %run_scoped3A = tpu.sem_alloc : memref<!tpu.dma_semaphore, #tpu.memory_space<semaphore_mem>>
      %dma_start3A_103 = arith.constant 0 : i32
      %dma_start3A_104 = tpu.memref_slice %arg17[%add3A_41, %dma_start3A_103] : memref<10240x136xf32, #tpu.memory_space<vmem_shared>> -> memref<64x136xf32, #tpu.memory_space<vmem_shared>>
      %dma_start3A_105 = arith.constant 0 : i32
      %dma_start3A_106 = tpu.memref_slice %arg17[%add3A_41, %dma_start3A_105] : memref<10240x136xf32, #tpu.memory_space<vmem_shared>> -> memref<64x136xf32, #tpu.memory_space<vmem_shared>>
      tpu.enqueue_dma source(%arg15 : memref<64x136xf32, #tpu.memory_space<vmem>>) target(%dma_start3A_106 : memref<64x136xf32, #tpu.memory_space<vmem_shared>>) target_semaphore(%run_scoped3A : memref<!tpu.dma_semaphore, #tpu.memory_space<semaphore_mem>>)
      %dma_wait3A_107 = arith.constant 0 : i32
      %dma_wait3A_108 = tpu.memref_slice %arg17[%add3A_41, %dma_wait3A_107] : memref<10240x136xf32, #tpu.memory_space<vmem_shared>> -> memref<64x136xf32, #tpu.memory_space<vmem_shared>>
      %dma_wait3A_109 = arith.constant 0 : i32
      %dma_wait3A_110 = tpu.memref_slice %arg17[%add3A_41, %dma_wait3A_109] : memref<10240x136xf32, #tpu.memory_space<vmem_shared>> -> memref<64x136xf32, #tpu.memory_space<vmem_shared>>
      tpu.wait_dma2 semaphore(%run_scoped3A : memref<!tpu.dma_semaphore, #tpu.memory_space<semaphore_mem>>) src(%arg15 : memref<64x136xf32, #tpu.memory_space<vmem>>) dst(%dma_wait3A_110 : memref<64x136xf32, #tpu.memory_space<vmem_shared>>)
      tpu.yield
    }) : () -> ()
    %mul3A_42 = arith.constant 640 : i32
    %mul3A_43 = arith.muli %arg1, %mul3A_42 : i32
    %add3A_44 = arith.constant 576 : i32
    %add3A_45 = arith.addi %mul3A_43, %add3A_44 : i32
    "tpu.region"() ({
      %run_scoped3A = tpu.sem_alloc : memref<!tpu.dma_semaphore, #tpu.memory_space<semaphore_mem>>
      %dma_start3A_103 = arith.constant 0 : i32
      %dma_start3A_104 = tpu.memref_slice %arg17[%add3A_45, %dma_start3A_103] : memref<10240x136xf32, #tpu.memory_space<vmem_shared>> -> memref<64x136xf32, #tpu.memory_space<vmem_shared>>
      %dma_start3A_105 = arith.constant 0 : i32
      %dma_start3A_106 = tpu.memref_slice %arg17[%add3A_45, %dma_start3A_105] : memref<10240x136xf32, #tpu.memory_space<vmem_shared>> -> memref<64x136xf32, #tpu.memory_space<vmem_shared>>
      tpu.enqueue_dma source(%arg15 : memref<64x136xf32, #tpu.memory_space<vmem>>) target(%dma_start3A_106 : memref<64x136xf32, #tpu.memory_space<vmem_shared>>) target_semaphore(%run_scoped3A : memref<!tpu.dma_semaphore, #tpu.memory_space<semaphore_mem>>)
      %dma_wait3A_107 = arith.constant 0 : i32
      %dma_wait3A_108 = tpu.memref_slice %arg17[%add3A_45, %dma_wait3A_107] : memref<10240x136xf32, #tpu.memory_space<vmem_shared>> -> memref<64x136xf32, #tpu.memory_space<vmem_shared>>
      %dma_wait3A_109 = arith.constant 0 : i32
      %dma_wait3A_110 = tpu.memref_slice %arg17[%add3A_45, %dma_wait3A_109] : memref<10240x136xf32, #tpu.memory_space<vmem_shared>> -> memref<64x136xf32, #tpu.memory_space<vmem_shared>>
      tpu.wait_dma2 semaphore(%run_scoped3A : memref<!tpu.dma_semaphore, #tpu.memory_space<semaphore_mem>>) src(%arg15 : memref<64x136xf32, #tpu.memory_space<vmem>>) dst(%dma_wait3A_110 : memref<64x136xf32, #tpu.memory_space<vmem_shared>>)
      tpu.yield
    }) : () -> ()
    %barrier3A = arith.constant 0 : index
    tpu.barrier barrier_id(%barrier3A)
    %mul3A_46 = arith.constant 160 : i32
    %mul3A_47 = arith.muli %add3A, %mul3A_46 : i32
    %dma_start3A = arith.constant 0 : i32
    %dma_start3A_48 = arith.constant 0 : i32
    %dma_start3A_49 = tpu.memref_slice %arg2[%mul3A_47, %dma_start3A, %dma_start3A_48] : memref<5120x3x64xi32, #tpu.memory_space<hbm>> -> memref<1x3x64xi32, #tpu.memory_space<hbm>>
    %dma_start3A_50 = tpu.memref_squeeze %dma_start3A_49 : memref<1x3x64xi32, #tpu.memory_space<hbm>> -> memref<3x64xi32, #tpu.memory_space<hbm>>
    %dma_start3A_51 = arith.constant 0 : i32
    %dma_start3A_52 = arith.constant 0 : i32
    %dma_start3A_53 = tpu.memref_slice %arg2[%mul3A_47, %dma_start3A_51, %dma_start3A_52] : memref<5120x3x64xi32, #tpu.memory_space<hbm>> -> memref<1x3x64xi32, #tpu.memory_space<hbm>>
    %dma_start3A_54 = tpu.memref_squeeze %dma_start3A_53 : memref<1x3x64xi32, #tpu.memory_space<hbm>> -> memref<3x64xi32, #tpu.memory_space<hbm>>
    tpu.enqueue_dma source(%dma_start3A_54 : memref<3x64xi32, #tpu.memory_space<hbm>>) target(%arg7 : memref<3x64xi32, #tpu.memory_space<vmem>>) target_semaphore(%arg18 : memref<!tpu.dma_semaphore, #tpu.memory_space<semaphore_mem>>)
    %dma_wait3A = arith.constant 0 : i32
    %dma_wait3A_55 = arith.constant 0 : i32
    %dma_wait3A_56 = tpu.memref_slice %arg2[%mul3A_47, %dma_wait3A, %dma_wait3A_55] : memref<5120x3x64xi32, #tpu.memory_space<hbm>> -> memref<1x3x64xi32, #tpu.memory_space<hbm>>
    %dma_wait3A_57 = tpu.memref_squeeze %dma_wait3A_56 : memref<1x3x64xi32, #tpu.memory_space<hbm>> -> memref<3x64xi32, #tpu.memory_space<hbm>>
    %dma_wait3A_58 = arith.constant 0 : i32
    %dma_wait3A_59 = arith.constant 0 : i32
    %dma_wait3A_60 = tpu.memref_slice %arg2[%mul3A_47, %dma_wait3A_58, %dma_wait3A_59] : memref<5120x3x64xi32, #tpu.memory_space<hbm>> -> memref<1x3x64xi32, #tpu.memory_space<hbm>>
    %dma_wait3A_61 = tpu.memref_squeeze %dma_wait3A_60 : memref<1x3x64xi32, #tpu.memory_space<hbm>> -> memref<3x64xi32, #tpu.memory_space<hbm>>
    tpu.wait_dma2 semaphore(%arg18 : memref<!tpu.dma_semaphore, #tpu.memory_space<semaphore_mem>>) src(%dma_wait3A_61 : memref<3x64xi32, #tpu.memory_space<hbm>>) dst(%arg7 : memref<3x64xi32, #tpu.memory_space<vmem>>)
    %dma_start3A_62 = arith.constant 0 : i32
    %dma_start3A_63 = arith.constant 0 : i32
    %dma_start3A_64 = tpu.memref_slice %arg7[%dma_start3A_62, %dma_start3A_63] : memref<3x64xi32, #tpu.memory_space<vmem>> -> memref<1x64xi32, #tpu.memory_space<vmem>>
    %dma_start3A_65 = tpu.memref_squeeze %dma_start3A_64 : memref<1x64xi32, #tpu.memory_space<vmem>> -> memref<64xi32, #tpu.memory_space<vmem>>
    %dma_start3A_66 = arith.constant 0 : i32
    %dma_start3A_67 = arith.constant 0 : i32
    %dma_start3A_68 = tpu.memref_slice %arg3[%dma_start3A_66, %dma_start3A_67] : memref<10240x16xf32, #tpu.memory_space<hbm>> -> memref<10240x16xf32, #tpu.memory_space<hbm>>
    tpu.enqueue_indirect_dma source(%dma_start3A_68 : memref<10240x16xf32, #tpu.memory_space<hbm>>) target(%arg9 : memref<64x16xf32, #tpu.memory_space<vmem>>) offsets(%dma_start3A_65 : memref<64xi32, #tpu.memory_space<vmem>>) semaphore(%arg20 : memref<!tpu.dma_semaphore, #tpu.memory_space<semaphore_mem>>)
    %dma_start3A_69 = arith.constant 1 : i32
    %dma_start3A_70 = arith.constant 0 : i32
    %dma_start3A_71 = tpu.memref_slice %arg7[%dma_start3A_69, %dma_start3A_70] : memref<3x64xi32, #tpu.memory_space<vmem>> -> memref<1x64xi32, #tpu.memory_space<vmem>>
    %dma_start3A_72 = tpu.memref_squeeze %dma_start3A_71 : memref<1x64xi32, #tpu.memory_space<vmem>> -> memref<64xi32, #tpu.memory_space<vmem>>
    %dma_start3A_73 = arith.constant 0 : i32
    %dma_start3A_74 = arith.constant 0 : i32
    %dma_start3A_75 = tpu.memref_slice %arg4[%dma_start3A_73, %dma_start3A_74] : memref<10240x16xf32, #tpu.memory_space<hbm>> -> memref<10240x16xf32, #tpu.memory_space<hbm>>
    tpu.enqueue_indirect_dma source(%dma_start3A_75 : memref<10240x16xf32, #tpu.memory_space<hbm>>) target(%arg11 : memref<64x16xf32, #tpu.memory_space<vmem>>) offsets(%dma_start3A_72 : memref<64xi32, #tpu.memory_space<vmem>>) semaphore(%arg20 : memref<!tpu.dma_semaphore, #tpu.memory_space<semaphore_mem>>)
    %dma_start3A_76 = arith.constant 0 : i32
    %dma_start3A_77 = arith.constant 0 : i32
    %dma_start3A_78 = tpu.memref_slice %arg7[%dma_start3A_76, %dma_start3A_77] : memref<3x64xi32, #tpu.memory_space<vmem>> -> memref<1x64xi32, #tpu.memory_space<vmem>>
    %dma_start3A_79 = tpu.memref_squeeze %dma_start3A_78 : memref<1x64xi32, #tpu.memory_space<vmem>> -> memref<64xi32, #tpu.memory_space<vmem>>
    %dma_start3A_80 = arith.constant 0 : i32
    %dma_start3A_81 = arith.constant 0 : i32
    %dma_start3A_82 = tpu.memref_slice %arg5[%dma_start3A_80, %dma_start3A_81] : memref<10240x128xf32, #tpu.memory_space<hbm>> -> memref<10240x128xf32, #tpu.memory_space<hbm>>
    tpu.enqueue_indirect_dma source(%dma_start3A_82 : memref<10240x128xf32, #tpu.memory_space<hbm>>) target(%arg13 : memref<64x128xf32, #tpu.memory_space<vmem>>) offsets(%dma_start3A_79 : memref<64xi32, #tpu.memory_space<vmem>>) semaphore(%arg20 : memref<!tpu.dma_semaphore, #tpu.memory_space<semaphore_mem>>)
    %add3A_83 = arith.constant 1 : i32
    %add3A_84 = arith.addi %mul3A_47, %add3A_83 : i32
    %dma_start3A_85 = arith.constant 0 : i32
    %dma_start3A_86 = arith.constant 0 : i32
    %dma_start3A_87 = tpu.memref_slice %arg2[%add3A_84, %dma_start3A_85, %dma_start3A_86] : memref<5120x3x64xi32, #tpu.memory_space<hbm>> -> memref<1x3x64xi32, #tpu.memory_space<hbm>>
    %dma_start3A_88 = tpu.memref_squeeze %dma_start3A_87 : memref<1x3x64xi32, #tpu.memory_space<hbm>> -> memref<3x64xi32, #tpu.memory_space<hbm>>
    %dma_start3A_89 = arith.constant 0 : i32
    %dma_start3A_90 = arith.constant 0 : i32
    %dma_start3A_91 = tpu.memref_slice %arg2[%add3A_84, %dma_start3A_89, %dma_start3A_90] : memref<5120x3x64xi32, #tpu.memory_space<hbm>> -> memref<1x3x64xi32, #tpu.memory_space<hbm>>
    %dma_start3A_92 = tpu.memref_squeeze %dma_start3A_91 : memref<1x3x64xi32, #tpu.memory_space<hbm>> -> memref<3x64xi32, #tpu.memory_space<hbm>>
    tpu.enqueue_dma source(%dma_start3A_92 : memref<3x64xi32, #tpu.memory_space<hbm>>) target(%arg8 : memref<3x64xi32, #tpu.memory_space<vmem>>) target_semaphore(%arg19 : memref<!tpu.dma_semaphore, #tpu.memory_space<semaphore_mem>>)
    %scan3A_93 = arith.constant 0 : i32
    %scan3A_94 = arith.constant 80 : i32
    %scan3A_95 = arith.addi %scan3A_93, %scan3A_94 : i32
    %scan3A_96 = arith.constant 1 : i32
    scf.for %scan3A_103 = %scan3A_93 to %scan3A_95 step %scan3A_96  : i32 {
      %mul3A_104 = arith.constant 1 : i32
      %mul3A_105 = arith.muli %scan3A_103, %mul3A_104 : i32
      %add3A_106 = arith.constant 0 : i32
      %add3A_107 = arith.addi %add3A_106, %mul3A_105 : i32
      %mul3A_108 = arith.constant 2 : i32
      %mul3A_109 = arith.muli %mul3A_108, %add3A_107 : i32
      %add3A_110 = arith.constant 0 : i32
      %add3A_111 = arith.addi %mul3A_109, %add3A_110 : i32
      %add3A_112 = arith.constant 1 : i32
      %add3A_113 = arith.addi %add3A_111, %add3A_112 : i32
      %lt3A = arith.constant 160 : i32
      %lt3A_114 = arith.cmpi slt, %add3A_113, %lt3A : i32
      %convert_element_type3A = arith.extui %lt3A_114 : i1 to i32
      %cond3A = arith.constant 0 : i32
      %cond3A_115 = arith.cmpi ne, %convert_element_type3A, %cond3A : i32
      scf.if %cond3A_115 {
        %add3A_194 = arith.addi %mul3A_47, %add3A_111 : i32
        %add3A_195 = arith.constant 1 : i32
        %add3A_196 = arith.addi %add3A_194, %add3A_195 : i32
        %dma_wait3A_197 = arith.constant 0 : i32
        %dma_wait3A_198 = arith.constant 0 : i32
        %dma_wait3A_199 = tpu.memref_slice %arg2[%add3A_196, %dma_wait3A_197, %dma_wait3A_198] : memref<5120x3x64xi32, #tpu.memory_space<hbm>> -> memref<1x3x64xi32, #tpu.memory_space<hbm>>
        %dma_wait3A_200 = tpu.memref_squeeze %dma_wait3A_199 : memref<1x3x64xi32, #tpu.memory_space<hbm>> -> memref<3x64xi32, #tpu.memory_space<hbm>>
        %dma_wait3A_201 = arith.constant 0 : i32
        %dma_wait3A_202 = arith.constant 0 : i32
        %dma_wait3A_203 = tpu.memref_slice %arg2[%add3A_196, %dma_wait3A_201, %dma_wait3A_202] : memref<5120x3x64xi32, #tpu.memory_space<hbm>> -> memref<1x3x64xi32, #tpu.memory_space<hbm>>
        %dma_wait3A_204 = tpu.memref_squeeze %dma_wait3A_203 : memref<1x3x64xi32, #tpu.memory_space<hbm>> -> memref<3x64xi32, #tpu.memory_space<hbm>>
        tpu.wait_dma2 semaphore(%arg19 : memref<!tpu.dma_semaphore, #tpu.memory_space<semaphore_mem>>) src(%dma_wait3A_204 : memref<3x64xi32, #tpu.memory_space<hbm>>) dst(%arg8 : memref<3x64xi32, #tpu.memory_space<vmem>>)
        %dma_start3A_205 = arith.constant 0 : i32
        %dma_start3A_206 = arith.constant 0 : i32
        %dma_start3A_207 = tpu.memref_slice %arg8[%dma_start3A_205, %dma_start3A_206] : memref<3x64xi32, #tpu.memory_space<vmem>> -> memref<1x64xi32, #tpu.memory_space<vmem>>
        %dma_start3A_208 = tpu.memref_squeeze %dma_start3A_207 : memref<1x64xi32, #tpu.memory_space<vmem>> -> memref<64xi32, #tpu.memory_space<vmem>>
        %dma_start3A_209 = arith.constant 0 : i32
        %dma_start3A_210 = arith.constant 0 : i32
        %dma_start3A_211 = tpu.memref_slice %arg3[%dma_start3A_209, %dma_start3A_210] : memref<10240x16xf32, #tpu.memory_space<hbm>> -> memref<10240x16xf32, #tpu.memory_space<hbm>>
        tpu.enqueue_indirect_dma source(%dma_start3A_211 : memref<10240x16xf32, #tpu.memory_space<hbm>>) target(%arg10 : memref<64x16xf32, #tpu.memory_space<vmem>>) offsets(%dma_start3A_208 : memref<64xi32, #tpu.memory_space<vmem>>) semaphore(%arg21 : memref<!tpu.dma_semaphore, #tpu.memory_space<semaphore_mem>>)
        %dma_start3A_212 = arith.constant 1 : i32
        %dma_start3A_213 = arith.constant 0 : i32
        %dma_start3A_214 = tpu.memref_slice %arg8[%dma_start3A_212, %dma_start3A_213] : memref<3x64xi32, #tpu.memory_space<vmem>> -> memref<1x64xi32, #tpu.memory_space<vmem>>
        %dma_start3A_215 = tpu.memref_squeeze %dma_start3A_214 : memref<1x64xi32, #tpu.memory_space<vmem>> -> memref<64xi32, #tpu.memory_space<vmem>>
        %dma_start3A_216 = arith.constant 0 : i32
        %dma_start3A_217 = arith.constant 0 : i32
        %dma_start3A_218 = tpu.memref_slice %arg4[%dma_start3A_216, %dma_start3A_217] : memref<10240x16xf32, #tpu.memory_space<hbm>> -> memref<10240x16xf32, #tpu.memory_space<hbm>>
        tpu.enqueue_indirect_dma source(%dma_start3A_218 : memref<10240x16xf32, #tpu.memory_space<hbm>>) target(%arg12 : memref<64x16xf32, #tpu.memory_space<vmem>>) offsets(%dma_start3A_215 : memref<64xi32, #tpu.memory_space<vmem>>) semaphore(%arg21 : memref<!tpu.dma_semaphore, #tpu.memory_space<semaphore_mem>>)
        %dma_start3A_219 = arith.constant 0 : i32
        %dma_start3A_220 = arith.constant 0 : i32
        %dma_start3A_221 = tpu.memref_slice %arg8[%dma_start3A_219, %dma_start3A_220] : memref<3x64xi32, #tpu.memory_space<vmem>> -> memref<1x64xi32, #tpu.memory_space<vmem>>
        %dma_start3A_222 = tpu.memref_squeeze %dma_start3A_221 : memref<1x64xi32, #tpu.memory_space<vmem>> -> memref<64xi32, #tpu.memory_space<vmem>>
        %dma_start3A_223 = arith.constant 0 : i32
        %dma_start3A_224 = arith.constant 0 : i32
        %dma_start3A_225 = tpu.memref_slice %arg5[%dma_start3A_223, %dma_start3A_224] : memref<10240x128xf32, #tpu.memory_space<hbm>> -> memref<10240x128xf32, #tpu.memory_space<hbm>>
        tpu.enqueue_indirect_dma source(%dma_start3A_225 : memref<10240x128xf32, #tpu.memory_space<hbm>>) target(%arg14 : memref<64x128xf32, #tpu.memory_space<vmem>>) offsets(%dma_start3A_222 : memref<64xi32, #tpu.memory_space<vmem>>) semaphore(%arg21 : memref<!tpu.dma_semaphore, #tpu.memory_space<semaphore_mem>>)
      } else {
      }
      %dma_wait3A_116 = arith.constant 0 : i32
      %dma_wait3A_117 = arith.constant 0 : i32
      %dma_wait3A_118 = tpu.memref_slice %arg7[%dma_wait3A_116, %dma_wait3A_117] : memref<3x64xi32, #tpu.memory_space<vmem>> -> memref<1x64xi32, #tpu.memory_space<vmem>>
      %dma_wait3A_119 = tpu.memref_squeeze %dma_wait3A_118 : memref<1x64xi32, #tpu.memory_space<vmem>> -> memref<64xi32, #tpu.memory_space<vmem>>
      %dma_wait3A_120 = arith.constant 0 : i32
      %dma_wait3A_121 = arith.constant 0 : i32
      %dma_wait3A_122 = tpu.memref_slice %arg3[%dma_wait3A_120, %dma_wait3A_121] : memref<10240x16xf32, #tpu.memory_space<hbm>> -> memref<10240x16xf32, #tpu.memory_space<hbm>>
      tpu.wait_indirect_dma semaphore(%arg20 : memref<!tpu.dma_semaphore, #tpu.memory_space<semaphore_mem>>) src(%dma_wait3A_122 : memref<10240x16xf32, #tpu.memory_space<hbm>>) dst(%arg9 : memref<64x16xf32, #tpu.memory_space<vmem>>)
      %dma_wait3A_123 = arith.constant 1 : i32
      %dma_wait3A_124 = arith.constant 0 : i32
      %dma_wait3A_125 = tpu.memref_slice %arg7[%dma_wait3A_123, %dma_wait3A_124] : memref<3x64xi32, #tpu.memory_space<vmem>> -> memref<1x64xi32, #tpu.memory_space<vmem>>
      %dma_wait3A_126 = tpu.memref_squeeze %dma_wait3A_125 : memref<1x64xi32, #tpu.memory_space<vmem>> -> memref<64xi32, #tpu.memory_space<vmem>>
      %dma_wait3A_127 = arith.constant 0 : i32
      %dma_wait3A_128 = arith.constant 0 : i32
      %dma_wait3A_129 = tpu.memref_slice %arg4[%dma_wait3A_127, %dma_wait3A_128] : memref<10240x16xf32, #tpu.memory_space<hbm>> -> memref<10240x16xf32, #tpu.memory_space<hbm>>
      tpu.wait_indirect_dma semaphore(%arg20 : memref<!tpu.dma_semaphore, #tpu.memory_space<semaphore_mem>>) src(%dma_wait3A_129 : memref<10240x16xf32, #tpu.memory_space<hbm>>) dst(%arg11 : memref<64x16xf32, #tpu.memory_space<vmem>>)
      %dma_wait3A_130 = arith.constant 0 : i32
      %dma_wait3A_131 = arith.constant 0 : i32
      %dma_wait3A_132 = tpu.memref_slice %arg7[%dma_wait3A_130, %dma_wait3A_131] : memref<3x64xi32, #tpu.memory_space<vmem>> -> memref<1x64xi32, #tpu.memory_space<vmem>>
      %dma_wait3A_133 = tpu.memref_squeeze %dma_wait3A_132 : memref<1x64xi32, #tpu.memory_space<vmem>> -> memref<64xi32, #tpu.memory_space<vmem>>
      %dma_wait3A_134 = arith.constant 0 : i32
      %dma_wait3A_135 = arith.constant 0 : i32
      %dma_wait3A_136 = tpu.memref_slice %arg5[%dma_wait3A_134, %dma_wait3A_135] : memref<10240x128xf32, #tpu.memory_space<hbm>> -> memref<10240x128xf32, #tpu.memory_space<hbm>>
      tpu.wait_indirect_dma semaphore(%arg20 : memref<!tpu.dma_semaphore, #tpu.memory_space<semaphore_mem>>) src(%dma_wait3A_136 : memref<10240x128xf32, #tpu.memory_space<hbm>>) dst(%arg13 : memref<64x128xf32, #tpu.memory_space<vmem>>)
      %scan3A_137 = arith.constant 0 : i32
      %scan3A_138 = arith.constant 64 : i32
      %scan3A_139 = arith.addi %scan3A_137, %scan3A_138 : i32
      %scan3A_140 = arith.constant 1 : i32
      scf.for %scan3A_194 = %scan3A_137 to %scan3A_139 step %scan3A_140  : i32 {
        %mul3A_195 = arith.constant 1 : i32
        %mul3A_196 = arith.muli %scan3A_194, %mul3A_195 : i32
        %add3A_197 = arith.constant 0 : i32
        %add3A_198 = arith.addi %add3A_197, %mul3A_196 : i32
        %get3A = arith.index_cast %add3A_198 : i32 to index
        %get3A_199 = arith.constant 0 : index
        %get3A_200 = tpu.vector_load %arg9[%get3A, %get3A_199] {strides = array<i32>} : memref<64x16xf32, #tpu.memory_space<vmem>>, vector<16xf32>,
        %get3A_201 = arith.index_cast %add3A_198 : i32 to index
        %get3A_202 = arith.constant 0 : index
        %get3A_203 = tpu.vector_load %arg11[%get3A_201, %get3A_202] {strides = array<i32>} : memref<64x16xf32, #tpu.memory_space<vmem>>, vector<16xf32>,
        %add3A_204 = arith.addf %get3A_200, %get3A_203 : vector<16xf32>
        %ge3A = arith.constant 0.000000e+00 : f32
        %ge3A_205 = vector.broadcast %ge3A : f32 to vector<16xf32>
        %ge3A_206 = arith.cmpf oge, %add3A_204, %ge3A_205 : vector<16xf32>
        %mul3A_207 = arith.constant 2.000000e-01 : f32
        %mul3A_208 = vector.broadcast %mul3A_207 : f32 to vector<16xf32>
        %mul3A_209 = arith.mulf %mul3A_208, %add3A_204 : vector<16xf32>
        %select_n3A = arith.select %ge3A_206, %add3A_204, %mul3A_209 : vector<16xi1>, vector<16xf32>
        %exp3A = math.exp %select_n3A : vector<16xf32>
        %broadcast_in_dim3A_210 = arith.constant 2 : i32
        %broadcast_in_dim3A_211 = vector.broadcast %broadcast_in_dim3A_210 : i32 to vector<16xi32>
        %broadcast_in_dim3A_212 = vector.broadcast %add3A_198 : i32 to vector<16xi32>
        %gather3A = tpu.vector_load_idx %arg7[%broadcast_in_dim3A_211, %broadcast_in_dim3A_212] : memref<3x64xi32, #tpu.memory_space<vmem>>[vector<16xi32>, vector<16xi32>], vector<16xi32>,
        %bitcast3A = vector.bitcast %gather3A : vector<16xi32> to vector<16xf32>
        %mul3A_213 = arith.mulf %exp3A, %bitcast3A : vector<16xf32>
        %swap3A = arith.index_cast %add3A_198 : i32 to index
        %swap3A_214 = arith.constant 120 : index
        %swap3A_215 = tpu.vector_load %arg15[%swap3A, %swap3A_214] {strides = array<i32>} : memref<64x136xf32, #tpu.memory_space<vmem>>, vector<16xf32>,
        tpu.vector_store %arg15[%swap3A, %swap3A_214], %exp3A {strides = array<i32>} : memref<64x136xf32, #tpu.memory_space<vmem>>, vector<16xf32>,
        %get3A_216 = arith.index_cast %add3A_198 : i32 to index
        %get3A_217 = arith.constant 0 : index
        %get3A_218 = tpu.vector_load %arg13[%get3A_216, %get3A_217] {strides = array<i32>} : memref<64x128xf32, #tpu.memory_space<vmem>>, vector<16xf32>,
        %broadcast_in_dim3A_219 = arith.constant 0 : i32
        %broadcast_in_dim3A_220 = vector.broadcast %broadcast_in_dim3A_219 : i32 to vector<16xi32>
        %broadcast_in_dim3A_221 = vector.shape_cast %broadcast_in_dim3A_220 : vector<16xi32> to vector<16x1xi32>
        %gather3A_222 = vector.shape_cast %broadcast_in_dim3A_221 : vector<16x1xi32> to vector<16xi32>
        %gather3A_223 = tpu.dynamic_gather %mul3A_213[%gather3A_222] in [0] : vector<16xf32>, vector<16xi32> -> vector<16xf32>
        %mul3A_224 = arith.mulf %get3A_218, %gather3A_223 : vector<16xf32>
        %swap3A_225 = arith.index_cast %add3A_198 : i32 to index
        %swap3A_226 = arith.constant 0 : index
        %swap3A_227 = tpu.vector_load %arg15[%swap3A_225, %swap3A_226] {strides = array<i32>} : memref<64x136xf32, #tpu.memory_space<vmem>>, vector<16xf32>,
        tpu.vector_store %arg15[%swap3A_225, %swap3A_226], %mul3A_224 {strides = array<i32>} : memref<64x136xf32, #tpu.memory_space<vmem>>, vector<16xf32>,
        %get3A_228 = arith.index_cast %add3A_198 : i32 to index
        %get3A_229 = arith.constant 16 : index
        %get3A_230 = tpu.vector_load %arg13[%get3A_228, %get3A_229] {strides = array<i32>} : memref<64x128xf32, #tpu.memory_space<vmem>>, vector<16xf32>,
        %broadcast_in_dim3A_231 = arith.constant 1 : i32
        %broadcast_in_dim3A_232 = vector.broadcast %broadcast_in_dim3A_231 : i32 to vector<16xi32>
        %broadcast_in_dim3A_233 = vector.shape_cast %broadcast_in_dim3A_232 : vector<16xi32> to vector<16x1xi32>
        %gather3A_234 = vector.shape_cast %broadcast_in_dim3A_233 : vector<16x1xi32> to vector<16xi32>
        %gather3A_235 = tpu.dynamic_gather %mul3A_213[%gather3A_234] in [0] : vector<16xf32>, vector<16xi32> -> vector<16xf32>
        %mul3A_236 = arith.mulf %get3A_230, %gather3A_235 : vector<16xf32>
        %swap3A_237 = arith.index_cast %add3A_198 : i32 to index
        %swap3A_238 = arith.constant 16 : index
        %swap3A_239 = tpu.vector_load %arg15[%swap3A_237, %swap3A_238] {strides = array<i32>} : memref<64x136xf32, #tpu.memory_space<vmem>>, vector<16xf32>,
        tpu.vector_store %arg15[%swap3A_237, %swap3A_238], %mul3A_236 {strides = array<i32>} : memref<64x136xf32, #tpu.memory_space<vmem>>, vector<16xf32>,
        %get3A_240 = arith.index_cast %add3A_198 : i32 to index
        %get3A_241 = arith.constant 32 : index
        %get3A_242 = tpu.vector_load %arg13[%get3A_240, %get3A_241] {strides = array<i32>} : memref<64x128xf32, #tpu.memory_space<vmem>>, vector<16xf32>,
        %broadcast_in_dim3A_243 = arith.constant 2 : i32
        %broadcast_in_dim3A_244 = vector.broadcast %broadcast_in_dim3A_243 : i32 to vector<16xi32>
        %broadcast_in_dim3A_245 = vector.shape_cast %broadcast_in_dim3A_244 : vector<16xi32> to vector<16x1xi32>
        %gather3A_246 = vector.shape_cast %broadcast_in_dim3A_245 : vector<16x1xi32> to vector<16xi32>
        %gather3A_247 = tpu.dynamic_gather %mul3A_213[%gather3A_246] in [0] : vector<16xf32>, vector<16xi32> -> vector<16xf32>
        %mul3A_248 = arith.mulf %get3A_242, %gather3A_247 : vector<16xf32>
        %swap3A_249 = arith.index_cast %add3A_198 : i32 to index
        %swap3A_250 = arith.constant 32 : index
        %swap3A_251 = tpu.vector_load %arg15[%swap3A_249, %swap3A_250] {strides = array<i32>} : memref<64x136xf32, #tpu.memory_space<vmem>>, vector<16xf32>,
        tpu.vector_store %arg15[%swap3A_249, %swap3A_250], %mul3A_248 {strides = array<i32>} : memref<64x136xf32, #tpu.memory_space<vmem>>, vector<16xf32>,
        %get3A_252 = arith.index_cast %add3A_198 : i32 to index
        %get3A_253 = arith.constant 48 : index
        %get3A_254 = tpu.vector_load %arg13[%get3A_252, %get3A_253] {strides = array<i32>} : memref<64x128xf32, #tpu.memory_space<vmem>>, vector<16xf32>,
        %broadcast_in_dim3A_255 = arith.constant 3 : i32
        %broadcast_in_dim3A_256 = vector.broadcast %broadcast_in_dim3A_255 : i32 to vector<16xi32>
        %broadcast_in_dim3A_257 = vector.shape_cast %broadcast_in_dim3A_256 : vector<16xi32> to vector<16x1xi32>
        %gather3A_258 = vector.shape_cast %broadcast_in_dim3A_257 : vector<16x1xi32> to vector<16xi32>
        %gather3A_259 = tpu.dynamic_gather %mul3A_213[%gather3A_258] in [0] : vector<16xf32>, vector<16xi32> -> vector<16xf32>
        %mul3A_260 = arith.mulf %get3A_254, %gather3A_259 : vector<16xf32>
        %swap3A_261 = arith.index_cast %add3A_198 : i32 to index
        %swap3A_262 = arith.constant 48 : index
        %swap3A_263 = tpu.vector_load %arg15[%swap3A_261, %swap3A_262] {strides = array<i32>} : memref<64x136xf32, #tpu.memory_space<vmem>>, vector<16xf32>,
        tpu.vector_store %arg15[%swap3A_261, %swap3A_262], %mul3A_260 {strides = array<i32>} : memref<64x136xf32, #tpu.memory_space<vmem>>, vector<16xf32>,
        %get3A_264 = arith.index_cast %add3A_198 : i32 to index
        %get3A_265 = arith.constant 64 : index
        %get3A_266 = tpu.vector_load %arg13[%get3A_264, %get3A_265] {strides = array<i32>} : memref<64x128xf32, #tpu.memory_space<vmem>>, vector<16xf32>,
        %broadcast_in_dim3A_267 = arith.constant 4 : i32
        %broadcast_in_dim3A_268 = vector.broadcast %broadcast_in_dim3A_267 : i32 to vector<16xi32>
        %broadcast_in_dim3A_269 = vector.shape_cast %broadcast_in_dim3A_268 : vector<16xi32> to vector<16x1xi32>
        %gather3A_270 = vector.shape_cast %broadcast_in_dim3A_269 : vector<16x1xi32> to vector<16xi32>
        %gather3A_271 = tpu.dynamic_gather %mul3A_213[%gather3A_270] in [0] : vector<16xf32>, vector<16xi32> -> vector<16xf32>
        %mul3A_272 = arith.mulf %get3A_266, %gather3A_271 : vector<16xf32>
        %swap3A_273 = arith.index_cast %add3A_198 : i32 to index
        %swap3A_274 = arith.constant 64 : index
        %swap3A_275 = tpu.vector_load %arg15[%swap3A_273, %swap3A_274] {strides = array<i32>} : memref<64x136xf32, #tpu.memory_space<vmem>>, vector<16xf32>,
        tpu.vector_store %arg15[%swap3A_273, %swap3A_274], %mul3A_272 {strides = array<i32>} : memref<64x136xf32, #tpu.memory_space<vmem>>, vector<16xf32>,
        %get3A_276 = arith.index_cast %add3A_198 : i32 to index
        %get3A_277 = arith.constant 80 : index
        %get3A_278 = tpu.vector_load %arg13[%get3A_276, %get3A_277] {strides = array<i32>} : memref<64x128xf32, #tpu.memory_space<vmem>>, vector<16xf32>,
        %broadcast_in_dim3A_279 = arith.constant 5 : i32
        %broadcast_in_dim3A_280 = vector.broadcast %broadcast_in_dim3A_279 : i32 to vector<16xi32>
        %broadcast_in_dim3A_281 = vector.shape_cast %broadcast_in_dim3A_280 : vector<16xi32> to vector<16x1xi32>
        %gather3A_282 = vector.shape_cast %broadcast_in_dim3A_281 : vector<16x1xi32> to vector<16xi32>
        %gather3A_283 = tpu.dynamic_gather %mul3A_213[%gather3A_282] in [0] : vector<16xf32>, vector<16xi32> -> vector<16xf32>
        %mul3A_284 = arith.mulf %get3A_278, %gather3A_283 : vector<16xf32>
        %swap3A_285 = arith.index_cast %add3A_198 : i32 to index
        %swap3A_286 = arith.constant 80 : index
        %swap3A_287 = tpu.vector_load %arg15[%swap3A_285, %swap3A_286] {strides = array<i32>} : memref<64x136xf32, #tpu.memory_space<vmem>>, vector<16xf32>,
        tpu.vector_store %arg15[%swap3A_285, %swap3A_286], %mul3A_284 {strides = array<i32>} : memref<64x136xf32, #tpu.memory_space<vmem>>, vector<16xf32>,
        %get3A_288 = arith.index_cast %add3A_198 : i32 to index
        %get3A_289 = arith.constant 96 : index
        %get3A_290 = tpu.vector_load %arg13[%get3A_288, %get3A_289] {strides = array<i32>} : memref<64x128xf32, #tpu.memory_space<vmem>>, vector<16xf32>,
        %broadcast_in_dim3A_291 = arith.constant 6 : i32
        %broadcast_in_dim3A_292 = vector.broadcast %broadcast_in_dim3A_291 : i32 to vector<16xi32>
        %broadcast_in_dim3A_293 = vector.shape_cast %broadcast_in_dim3A_292 : vector<16xi32> to vector<16x1xi32>
        %gather3A_294 = vector.shape_cast %broadcast_in_dim3A_293 : vector<16x1xi32> to vector<16xi32>
        %gather3A_295 = tpu.dynamic_gather %mul3A_213[%gather3A_294] in [0] : vector<16xf32>, vector<16xi32> -> vector<16xf32>
        %mul3A_296 = arith.mulf %get3A_290, %gather3A_295 : vector<16xf32>
        %swap3A_297 = arith.index_cast %add3A_198 : i32 to index
        %swap3A_298 = arith.constant 96 : index
        %swap3A_299 = tpu.vector_load %arg15[%swap3A_297, %swap3A_298] {strides = array<i32>} : memref<64x136xf32, #tpu.memory_space<vmem>>, vector<16xf32>,
        tpu.vector_store %arg15[%swap3A_297, %swap3A_298], %mul3A_296 {strides = array<i32>} : memref<64x136xf32, #tpu.memory_space<vmem>>, vector<16xf32>,
        %get3A_300 = arith.index_cast %add3A_198 : i32 to index
        %get3A_301 = arith.constant 112 : index
        %get3A_302 = tpu.vector_load %arg13[%get3A_300, %get3A_301] {strides = array<i32>} : memref<64x128xf32, #tpu.memory_space<vmem>>, vector<16xf32>,
        %broadcast_in_dim3A_303 = arith.constant 7 : i32
        %broadcast_in_dim3A_304 = vector.broadcast %broadcast_in_dim3A_303 : i32 to vector<16xi32>
        %broadcast_in_dim3A_305 = vector.shape_cast %broadcast_in_dim3A_304 : vector<16xi32> to vector<16x1xi32>
        %gather3A_306 = vector.shape_cast %broadcast_in_dim3A_305 : vector<16x1xi32> to vector<16xi32>
        %gather3A_307 = tpu.dynamic_gather %mul3A_213[%gather3A_306] in [0] : vector<16xf32>, vector<16xi32> -> vector<16xf32>
        %mul3A_308 = arith.mulf %get3A_302, %gather3A_307 : vector<16xf32>
        %swap3A_309 = arith.index_cast %add3A_198 : i32 to index
        %swap3A_310 = arith.constant 112 : index
        %swap3A_311 = tpu.vector_load %arg15[%swap3A_309, %swap3A_310] {strides = array<i32>} : memref<64x136xf32, #tpu.memory_space<vmem>>, vector<16xf32>,
        tpu.vector_store %arg15[%swap3A_309, %swap3A_310], %mul3A_308 {strides = array<i32>} : memref<64x136xf32, #tpu.memory_space<vmem>>, vector<16xf32>,
      }
      %scan3A_141 = arith.constant 64 : i32
      %run_scoped3A = arith.constant 1 : i32
      "tpu.region"() ({
        %run_scoped3A_194 = tpu.sem_alloc : memref<!tpu.dma_semaphore, #tpu.memory_space<semaphore_mem>>
        %dma_start3A_195 = arith.constant 0 : i32
        %dma_start3A_196 = tpu.memref_slice %arg7[%run_scoped3A, %dma_start3A_195] : memref<3x64xi32, #tpu.memory_space<vmem>> -> memref<1x64xi32, #tpu.memory_space<vmem>>
        %dma_start3A_197 = tpu.memref_squeeze %dma_start3A_196 : memref<1x64xi32, #tpu.memory_space<vmem>> -> memref<64xi32, #tpu.memory_space<vmem>>
        %dma_start3A_198 = arith.constant 0 : i32
        %dma_start3A_199 = arith.constant 0 : i32
        %dma_start3A_200 = tpu.memref_slice %arg17[%dma_start3A_198, %dma_start3A_199] : memref<10240x136xf32, #tpu.memory_space<vmem_shared>> -> memref<10240x136xf32, #tpu.memory_space<vmem_shared>>
        tpu.enqueue_indirect_dma source(%arg15 : memref<64x136xf32, #tpu.memory_space<vmem>>) target(%dma_start3A_200 : memref<10240x136xf32, #tpu.memory_space<vmem_shared>>) offsets(%dma_start3A_197 : memref<64xi32, #tpu.memory_space<vmem>>) semaphore(%run_scoped3A_194 : memref<!tpu.dma_semaphore, #tpu.memory_space<semaphore_mem>>) {add = true}
        %dma_wait3A_201 = arith.constant 0 : i32
        %dma_wait3A_202 = tpu.memref_slice %arg7[%run_scoped3A, %dma_wait3A_201] : memref<3x64xi32, #tpu.memory_space<vmem>> -> memref<1x64xi32, #tpu.memory_space<vmem>>
        %dma_wait3A_203 = tpu.memref_squeeze %dma_wait3A_202 : memref<1x64xi32, #tpu.memory_space<vmem>> -> memref<64xi32, #tpu.memory_space<vmem>>
        %dma_wait3A_204 = arith.constant 0 : i32
        %dma_wait3A_205 = arith.constant 0 : i32
        %dma_wait3A_206 = tpu.memref_slice %arg17[%dma_wait3A_204, %dma_wait3A_205] : memref<10240x136xf32, #tpu.memory_space<vmem_shared>> -> memref<10240x136xf32, #tpu.memory_space<vmem_shared>>
        tpu.wait_indirect_dma semaphore(%run_scoped3A_194 : memref<!tpu.dma_semaphore, #tpu.memory_space<semaphore_mem>>) src(%arg15 : memref<64x136xf32, #tpu.memory_space<vmem>>) dst(%dma_wait3A_206 : memref<10240x136xf32, #tpu.memory_space<vmem_shared>>)
        tpu.yield
      }) : () -> ()
      %add3A_142 = arith.constant 2 : i32
      %add3A_143 = arith.addi %add3A_111, %add3A_142 : i32
      %lt3A_144 = arith.constant 160 : i32
      %lt3A_145 = arith.cmpi slt, %add3A_143, %lt3A_144 : i32
      %convert_element_type3A_146 = arith.extui %lt3A_145 : i1 to i32
      %cond3A_147 = arith.constant 0 : i32
      %cond3A_148 = arith.cmpi ne, %convert_element_type3A_146, %cond3A_147 : i32
      scf.if %cond3A_148 {
        %add3A_194 = arith.addi %mul3A_47, %add3A_111 : i32
        %add3A_195 = arith.constant 2 : i32
        %add3A_196 = arith.addi %add3A_194, %add3A_195 : i32
        %dma_start3A_197 = arith.constant 0 : i32
        %dma_start3A_198 = arith.constant 0 : i32
        %dma_start3A_199 = tpu.memref_slice %arg2[%add3A_196, %dma_start3A_197, %dma_start3A_198] : memref<5120x3x64xi32, #tpu.memory_space<hbm>> -> memref<1x3x64xi32, #tpu.memory_space<hbm>>
        %dma_start3A_200 = tpu.memref_squeeze %dma_start3A_199 : memref<1x3x64xi32, #tpu.memory_space<hbm>> -> memref<3x64xi32, #tpu.memory_space<hbm>>
        %dma_start3A_201 = arith.constant 0 : i32
        %dma_start3A_202 = arith.constant 0 : i32
        %dma_start3A_203 = tpu.memref_slice %arg2[%add3A_196, %dma_start3A_201, %dma_start3A_202] : memref<5120x3x64xi32, #tpu.memory_space<hbm>> -> memref<1x3x64xi32, #tpu.memory_space<hbm>>
        %dma_start3A_204 = tpu.memref_squeeze %dma_start3A_203 : memref<1x3x64xi32, #tpu.memory_space<hbm>> -> memref<3x64xi32, #tpu.memory_space<hbm>>
        tpu.enqueue_dma source(%dma_start3A_204 : memref<3x64xi32, #tpu.memory_space<hbm>>) target(%arg7 : memref<3x64xi32, #tpu.memory_space<vmem>>) target_semaphore(%arg18 : memref<!tpu.dma_semaphore, #tpu.memory_space<semaphore_mem>>)
      } else {
      }
      %mul3A_149 = arith.constant 2 : i32
      %mul3A_150 = arith.muli %mul3A_149, %add3A_107 : i32
      %add3A_151 = arith.constant 1 : i32
      %add3A_152 = arith.addi %mul3A_150, %add3A_151 : i32
      %add3A_153 = arith.constant 1 : i32
      %add3A_154 = arith.addi %add3A_152, %add3A_153 : i32
      %lt3A_155 = arith.constant 160 : i32
      %lt3A_156 = arith.cmpi slt, %add3A_154, %lt3A_155 : i32
      %convert_element_type3A_157 = arith.extui %lt3A_156 : i1 to i32
      %cond3A_158 = arith.constant 0 : i32
      %cond3A_159 = arith.cmpi ne, %convert_element_type3A_157, %cond3A_158 : i32
      scf.if %cond3A_159 {
        %add3A_194 = arith.addi %mul3A_47, %add3A_152 : i32
        %add3A_195 = arith.constant 1 : i32
        %add3A_196 = arith.addi %add3A_194, %add3A_195 : i32
        %dma_wait3A_197 = arith.constant 0 : i32
        %dma_wait3A_198 = arith.constant 0 : i32
        %dma_wait3A_199 = tpu.memref_slice %arg2[%add3A_196, %dma_wait3A_197, %dma_wait3A_198] : memref<5120x3x64xi32, #tpu.memory_space<hbm>> -> memref<1x3x64xi32, #tpu.memory_space<hbm>>
        %dma_wait3A_200 = tpu.memref_squeeze %dma_wait3A_199 : memref<1x3x64xi32, #tpu.memory_space<hbm>> -> memref<3x64xi32, #tpu.memory_space<hbm>>
        %dma_wait3A_201 = arith.constant 0 : i32
        %dma_wait3A_202 = arith.constant 0 : i32
        %dma_wait3A_203 = tpu.memref_slice %arg2[%add3A_196, %dma_wait3A_201, %dma_wait3A_202] : memref<5120x3x64xi32, #tpu.memory_space<hbm>> -> memref<1x3x64xi32, #tpu.memory_space<hbm>>
        %dma_wait3A_204 = tpu.memref_squeeze %dma_wait3A_203 : memref<1x3x64xi32, #tpu.memory_space<hbm>> -> memref<3x64xi32, #tpu.memory_space<hbm>>
        tpu.wait_dma2 semaphore(%arg18 : memref<!tpu.dma_semaphore, #tpu.memory_space<semaphore_mem>>) src(%dma_wait3A_204 : memref<3x64xi32, #tpu.memory_space<hbm>>) dst(%arg7 : memref<3x64xi32, #tpu.memory_space<vmem>>)
        %dma_start3A_205 = arith.constant 0 : i32
        %dma_start3A_206 = arith.constant 0 : i32
        %dma_start3A_207 = tpu.memref_slice %arg7[%dma_start3A_205, %dma_start3A_206] : memref<3x64xi32, #tpu.memory_space<vmem>> -> memref<1x64xi32, #tpu.memory_space<vmem>>
        %dma_start3A_208 = tpu.memref_squeeze %dma_start3A_207 : memref<1x64xi32, #tpu.memory_space<vmem>> -> memref<64xi32, #tpu.memory_space<vmem>>
        %dma_start3A_209 = arith.constant 0 : i32
        %dma_start3A_210 = arith.constant 0 : i32
        %dma_start3A_211 = tpu.memref_slice %arg3[%dma_start3A_209, %dma_start3A_210] : memref<10240x16xf32, #tpu.memory_space<hbm>> -> memref<10240x16xf32, #tpu.memory_space<hbm>>
        tpu.enqueue_indirect_dma source(%dma_start3A_211 : memref<10240x16xf32, #tpu.memory_space<hbm>>) target(%arg9 : memref<64x16xf32, #tpu.memory_space<vmem>>) offsets(%dma_start3A_208 : memref<64xi32, #tpu.memory_space<vmem>>) semaphore(%arg20 : memref<!tpu.dma_semaphore, #tpu.memory_space<semaphore_mem>>)
        %dma_start3A_212 = arith.constant 1 : i32
        %dma_start3A_213 = arith.constant 0 : i32
        %dma_start3A_214 = tpu.memref_slice %arg7[%dma_start3A_212, %dma_start3A_213] : memref<3x64xi32, #tpu.memory_space<vmem>> -> memref<1x64xi32, #tpu.memory_space<vmem>>
        %dma_start3A_215 = tpu.memref_squeeze %dma_start3A_214 : memref<1x64xi32, #tpu.memory_space<vmem>> -> memref<64xi32, #tpu.memory_space<vmem>>
        %dma_start3A_216 = arith.constant 0 : i32
        %dma_start3A_217 = arith.constant 0 : i32
        %dma_start3A_218 = tpu.memref_slice %arg4[%dma_start3A_216, %dma_start3A_217] : memref<10240x16xf32, #tpu.memory_space<hbm>> -> memref<10240x16xf32, #tpu.memory_space<hbm>>
        tpu.enqueue_indirect_dma source(%dma_start3A_218 : memref<10240x16xf32, #tpu.memory_space<hbm>>) target(%arg11 : memref<64x16xf32, #tpu.memory_space<vmem>>) offsets(%dma_start3A_215 : memref<64xi32, #tpu.memory_space<vmem>>) semaphore(%arg20 : memref<!tpu.dma_semaphore, #tpu.memory_space<semaphore_mem>>)
        %dma_start3A_219 = arith.constant 0 : i32
        %dma_start3A_220 = arith.constant 0 : i32
        %dma_start3A_221 = tpu.memref_slice %arg7[%dma_start3A_219, %dma_start3A_220] : memref<3x64xi32, #tpu.memory_space<vmem>> -> memref<1x64xi32, #tpu.memory_space<vmem>>
        %dma_start3A_222 = tpu.memref_squeeze %dma_start3A_221 : memref<1x64xi32, #tpu.memory_space<vmem>> -> memref<64xi32, #tpu.memory_space<vmem>>
        %dma_start3A_223 = arith.constant 0 : i32
        %dma_start3A_224 = arith.constant 0 : i32
        %dma_start3A_225 = tpu.memref_slice %arg5[%dma_start3A_223, %dma_start3A_224] : memref<10240x128xf32, #tpu.memory_space<hbm>> -> memref<10240x128xf32, #tpu.memory_space<hbm>>
        tpu.enqueue_indirect_dma source(%dma_start3A_225 : memref<10240x128xf32, #tpu.memory_space<hbm>>) target(%arg13 : memref<64x128xf32, #tpu.memory_space<vmem>>) offsets(%dma_start3A_222 : memref<64xi32, #tpu.memory_space<vmem>>) semaphore(%arg20 : memref<!tpu.dma_semaphore, #tpu.memory_space<semaphore_mem>>)
      } else {
      }
      %dma_wait3A_160 = arith.constant 0 : i32
      %dma_wait3A_161 = arith.constant 0 : i32
      %dma_wait3A_162 = tpu.memref_slice %arg8[%dma_wait3A_160, %dma_wait3A_161] : memref<3x64xi32, #tpu.memory_space<vmem>> -> memref<1x64xi32, #tpu.memory_space<vmem>>
      %dma_wait3A_163 = tpu.memref_squeeze %dma_wait3A_162 : memref<1x64xi32, #tpu.memory_space<vmem>> -> memref<64xi32, #tpu.memory_space<vmem>>
      %dma_wait3A_164 = arith.constant 0 : i32
      %dma_wait3A_165 = arith.constant 0 : i32
      %dma_wait3A_166 = tpu.memref_slice %arg3[%dma_wait3A_164, %dma_wait3A_165] : memref<10240x16xf32, #tpu.memory_space<hbm>> -> memref<10240x16xf32, #tpu.memory_space<hbm>>
      tpu.wait_indirect_dma semaphore(%arg21 : memref<!tpu.dma_semaphore, #tpu.memory_space<semaphore_mem>>) src(%dma_wait3A_166 : memref<10240x16xf32, #tpu.memory_space<hbm>>) dst(%arg10 : memref<64x16xf32, #tpu.memory_space<vmem>>)
      %dma_wait3A_167 = arith.constant 1 : i32
      %dma_wait3A_168 = arith.constant 0 : i32
      %dma_wait3A_169 = tpu.memref_slice %arg8[%dma_wait3A_167, %dma_wait3A_168] : memref<3x64xi32, #tpu.memory_space<vmem>> -> memref<1x64xi32, #tpu.memory_space<vmem>>
      %dma_wait3A_170 = tpu.memref_squeeze %dma_wait3A_169 : memref<1x64xi32, #tpu.memory_space<vmem>> -> memref<64xi32, #tpu.memory_space<vmem>>
      %dma_wait3A_171 = arith.constant 0 : i32
      %dma_wait3A_172 = arith.constant 0 : i32
      %dma_wait3A_173 = tpu.memref_slice %arg4[%dma_wait3A_171, %dma_wait3A_172] : memref<10240x16xf32, #tpu.memory_space<hbm>> -> memref<10240x16xf32, #tpu.memory_space<hbm>>
      tpu.wait_indirect_dma semaphore(%arg21 : memref<!tpu.dma_semaphore, #tpu.memory_space<semaphore_mem>>) src(%dma_wait3A_173 : memref<10240x16xf32, #tpu.memory_space<hbm>>) dst(%arg12 : memref<64x16xf32, #tpu.memory_space<vmem>>)
      %dma_wait3A_174 = arith.constant 0 : i32
      %dma_wait3A_175 = arith.constant 0 : i32
      %dma_wait3A_176 = tpu.memref_slice %arg8[%dma_wait3A_174, %dma_wait3A_175] : memref<3x64xi32, #tpu.memory_space<vmem>> -> memref<1x64xi32, #tpu.memory_space<vmem>>
      %dma_wait3A_177 = tpu.memref_squeeze %dma_wait3A_176 : memref<1x64xi32, #tpu.memory_space<vmem>> -> memref<64xi32, #tpu.memory_space<vmem>>
      %dma_wait3A_178 = arith.constant 0 : i32
      %dma_wait3A_179 = arith.constant 0 : i32
      %dma_wait3A_180 = tpu.memref_slice %arg5[%dma_wait3A_178, %dma_wait3A_179] : memref<10240x128xf32, #tpu.memory_space<hbm>> -> memref<10240x128xf32, #tpu.memory_space<hbm>>
      tpu.wait_indirect_dma semaphore(%arg21 : memref<!tpu.dma_semaphore, #tpu.memory_space<semaphore_mem>>) src(%dma_wait3A_180 : memref<10240x128xf32, #tpu.memory_space<hbm>>) dst(%arg14 : memref<64x128xf32, #tpu.memory_space<vmem>>)
      %scan3A_181 = arith.constant 0 : i32
      %scan3A_182 = arith.constant 64 : i32
      %scan3A_183 = arith.addi %scan3A_181, %scan3A_182 : i32
      %scan3A_184 = arith.constant 1 : i32
      scf.for %scan3A_194 = %scan3A_181 to %scan3A_183 step %scan3A_184  : i32 {
        %mul3A_195 = arith.constant 1 : i32
        %mul3A_196 = arith.muli %scan3A_194, %mul3A_195 : i32
        %add3A_197 = arith.constant 0 : i32
        %add3A_198 = arith.addi %add3A_197, %mul3A_196 : i32
        %get3A = arith.index_cast %add3A_198 : i32 to index
        %get3A_199 = arith.constant 0 : index
        %get3A_200 = tpu.vector_load %arg10[%get3A, %get3A_199] {strides = array<i32>} : memref<64x16xf32, #tpu.memory_space<vmem>>, vector<16xf32>,
        %get3A_201 = arith.index_cast %add3A_198 : i32 to index
        %get3A_202 = arith.constant 0 : index
        %get3A_203 = tpu.vector_load %arg12[%get3A_201, %get3A_202] {strides = array<i32>} : memref<64x16xf32, #tpu.memory_space<vmem>>, vector<16xf32>,
        %add3A_204 = arith.addf %get3A_200, %get3A_203 : vector<16xf32>
        %ge3A = arith.constant 0.000000e+00 : f32
        %ge3A_205 = vector.broadcast %ge3A : f32 to vector<16xf32>
        %ge3A_206 = arith.cmpf oge, %add3A_204, %ge3A_205 : vector<16xf32>
        %mul3A_207 = arith.constant 2.000000e-01 : f32
        %mul3A_208 = vector.broadcast %mul3A_207 : f32 to vector<16xf32>
        %mul3A_209 = arith.mulf %mul3A_208, %add3A_204 : vector<16xf32>
        %select_n3A = arith.select %ge3A_206, %add3A_204, %mul3A_209 : vector<16xi1>, vector<16xf32>
        %exp3A = math.exp %select_n3A : vector<16xf32>
        %broadcast_in_dim3A_210 = arith.constant 2 : i32
        %broadcast_in_dim3A_211 = vector.broadcast %broadcast_in_dim3A_210 : i32 to vector<16xi32>
        %broadcast_in_dim3A_212 = vector.broadcast %add3A_198 : i32 to vector<16xi32>
        %gather3A = tpu.vector_load_idx %arg8[%broadcast_in_dim3A_211, %broadcast_in_dim3A_212] : memref<3x64xi32, #tpu.memory_space<vmem>>[vector<16xi32>, vector<16xi32>], vector<16xi32>,
        %bitcast3A = vector.bitcast %gather3A : vector<16xi32> to vector<16xf32>
        %mul3A_213 = arith.mulf %exp3A, %bitcast3A : vector<16xf32>
        %swap3A = arith.index_cast %add3A_198 : i32 to index
        %swap3A_214 = arith.constant 120 : index
        %swap3A_215 = tpu.vector_load %arg16[%swap3A, %swap3A_214] {strides = array<i32>} : memref<64x136xf32, #tpu.memory_space<vmem>>, vector<16xf32>,
        tpu.vector_store %arg16[%swap3A, %swap3A_214], %exp3A {strides = array<i32>} : memref<64x136xf32, #tpu.memory_space<vmem>>, vector<16xf32>,
        %get3A_216 = arith.index_cast %add3A_198 : i32 to index
        %get3A_217 = arith.constant 0 : index
        %get3A_218 = tpu.vector_load %arg14[%get3A_216, %get3A_217] {strides = array<i32>} : memref<64x128xf32, #tpu.memory_space<vmem>>, vector<16xf32>,
        %broadcast_in_dim3A_219 = arith.constant 0 : i32
        %broadcast_in_dim3A_220 = vector.broadcast %broadcast_in_dim3A_219 : i32 to vector<16xi32>
        %broadcast_in_dim3A_221 = vector.shape_cast %broadcast_in_dim3A_220 : vector<16xi32> to vector<16x1xi32>
        %gather3A_222 = vector.shape_cast %broadcast_in_dim3A_221 : vector<16x1xi32> to vector<16xi32>
        %gather3A_223 = tpu.dynamic_gather %mul3A_213[%gather3A_222] in [0] : vector<16xf32>, vector<16xi32> -> vector<16xf32>
        %mul3A_224 = arith.mulf %get3A_218, %gather3A_223 : vector<16xf32>
        %swap3A_225 = arith.index_cast %add3A_198 : i32 to index
        %swap3A_226 = arith.constant 0 : index
        %swap3A_227 = tpu.vector_load %arg16[%swap3A_225, %swap3A_226] {strides = array<i32>} : memref<64x136xf32, #tpu.memory_space<vmem>>, vector<16xf32>,
        tpu.vector_store %arg16[%swap3A_225, %swap3A_226], %mul3A_224 {strides = array<i32>} : memref<64x136xf32, #tpu.memory_space<vmem>>, vector<16xf32>,
        %get3A_228 = arith.index_cast %add3A_198 : i32 to index
        %get3A_229 = arith.constant 16 : index
        %get3A_230 = tpu.vector_load %arg14[%get3A_228, %get3A_229] {strides = array<i32>} : memref<64x128xf32, #tpu.memory_space<vmem>>, vector<16xf32>,
        %broadcast_in_dim3A_231 = arith.constant 1 : i32
        %broadcast_in_dim3A_232 = vector.broadcast %broadcast_in_dim3A_231 : i32 to vector<16xi32>
        %broadcast_in_dim3A_233 = vector.shape_cast %broadcast_in_dim3A_232 : vector<16xi32> to vector<16x1xi32>
        %gather3A_234 = vector.shape_cast %broadcast_in_dim3A_233 : vector<16x1xi32> to vector<16xi32>
        %gather3A_235 = tpu.dynamic_gather %mul3A_213[%gather3A_234] in [0] : vector<16xf32>, vector<16xi32> -> vector<16xf32>
        %mul3A_236 = arith.mulf %get3A_230, %gather3A_235 : vector<16xf32>
        %swap3A_237 = arith.index_cast %add3A_198 : i32 to index
        %swap3A_238 = arith.constant 16 : index
        %swap3A_239 = tpu.vector_load %arg16[%swap3A_237, %swap3A_238] {strides = array<i32>} : memref<64x136xf32, #tpu.memory_space<vmem>>, vector<16xf32>,
        tpu.vector_store %arg16[%swap3A_237, %swap3A_238], %mul3A_236 {strides = array<i32>} : memref<64x136xf32, #tpu.memory_space<vmem>>, vector<16xf32>,
        %get3A_240 = arith.index_cast %add3A_198 : i32 to index
        %get3A_241 = arith.constant 32 : index
        %get3A_242 = tpu.vector_load %arg14[%get3A_240, %get3A_241] {strides = array<i32>} : memref<64x128xf32, #tpu.memory_space<vmem>>, vector<16xf32>,
        %broadcast_in_dim3A_243 = arith.constant 2 : i32
        %broadcast_in_dim3A_244 = vector.broadcast %broadcast_in_dim3A_243 : i32 to vector<16xi32>
        %broadcast_in_dim3A_245 = vector.shape_cast %broadcast_in_dim3A_244 : vector<16xi32> to vector<16x1xi32>
        %gather3A_246 = vector.shape_cast %broadcast_in_dim3A_245 : vector<16x1xi32> to vector<16xi32>
        %gather3A_247 = tpu.dynamic_gather %mul3A_213[%gather3A_246] in [0] : vector<16xf32>, vector<16xi32> -> vector<16xf32>
        %mul3A_248 = arith.mulf %get3A_242, %gather3A_247 : vector<16xf32>
        %swap3A_249 = arith.index_cast %add3A_198 : i32 to index
        %swap3A_250 = arith.constant 32 : index
        %swap3A_251 = tpu.vector_load %arg16[%swap3A_249, %swap3A_250] {strides = array<i32>} : memref<64x136xf32, #tpu.memory_space<vmem>>, vector<16xf32>,
        tpu.vector_store %arg16[%swap3A_249, %swap3A_250], %mul3A_248 {strides = array<i32>} : memref<64x136xf32, #tpu.memory_space<vmem>>, vector<16xf32>,
        %get3A_252 = arith.index_cast %add3A_198 : i32 to index
        %get3A_253 = arith.constant 48 : index
        %get3A_254 = tpu.vector_load %arg14[%get3A_252, %get3A_253] {strides = array<i32>} : memref<64x128xf32, #tpu.memory_space<vmem>>, vector<16xf32>,
        %broadcast_in_dim3A_255 = arith.constant 3 : i32
        %broadcast_in_dim3A_256 = vector.broadcast %broadcast_in_dim3A_255 : i32 to vector<16xi32>
        %broadcast_in_dim3A_257 = vector.shape_cast %broadcast_in_dim3A_256 : vector<16xi32> to vector<16x1xi32>
        %gather3A_258 = vector.shape_cast %broadcast_in_dim3A_257 : vector<16x1xi32> to vector<16xi32>
        %gather3A_259 = tpu.dynamic_gather %mul3A_213[%gather3A_258] in [0] : vector<16xf32>, vector<16xi32> -> vector<16xf32>
        %mul3A_260 = arith.mulf %get3A_254, %gather3A_259 : vector<16xf32>
        %swap3A_261 = arith.index_cast %add3A_198 : i32 to index
        %swap3A_262 = arith.constant 48 : index
        %swap3A_263 = tpu.vector_load %arg16[%swap3A_261, %swap3A_262] {strides = array<i32>} : memref<64x136xf32, #tpu.memory_space<vmem>>, vector<16xf32>,
        tpu.vector_store %arg16[%swap3A_261, %swap3A_262], %mul3A_260 {strides = array<i32>} : memref<64x136xf32, #tpu.memory_space<vmem>>, vector<16xf32>,
        %get3A_264 = arith.index_cast %add3A_198 : i32 to index
        %get3A_265 = arith.constant 64 : index
        %get3A_266 = tpu.vector_load %arg14[%get3A_264, %get3A_265] {strides = array<i32>} : memref<64x128xf32, #tpu.memory_space<vmem>>, vector<16xf32>,
        %broadcast_in_dim3A_267 = arith.constant 4 : i32
        %broadcast_in_dim3A_268 = vector.broadcast %broadcast_in_dim3A_267 : i32 to vector<16xi32>
        %broadcast_in_dim3A_269 = vector.shape_cast %broadcast_in_dim3A_268 : vector<16xi32> to vector<16x1xi32>
        %gather3A_270 = vector.shape_cast %broadcast_in_dim3A_269 : vector<16x1xi32> to vector<16xi32>
        %gather3A_271 = tpu.dynamic_gather %mul3A_213[%gather3A_270] in [0] : vector<16xf32>, vector<16xi32> -> vector<16xf32>
        %mul3A_272 = arith.mulf %get3A_266, %gather3A_271 : vector<16xf32>
        %swap3A_273 = arith.index_cast %add3A_198 : i32 to index
        %swap3A_274 = arith.constant 64 : index
        %swap3A_275 = tpu.vector_load %arg16[%swap3A_273, %swap3A_274] {strides = array<i32>} : memref<64x136xf32, #tpu.memory_space<vmem>>, vector<16xf32>,
        tpu.vector_store %arg16[%swap3A_273, %swap3A_274], %mul3A_272 {strides = array<i32>} : memref<64x136xf32, #tpu.memory_space<vmem>>, vector<16xf32>,
        %get3A_276 = arith.index_cast %add3A_198 : i32 to index
        %get3A_277 = arith.constant 80 : index
        %get3A_278 = tpu.vector_load %arg14[%get3A_276, %get3A_277] {strides = array<i32>} : memref<64x128xf32, #tpu.memory_space<vmem>>, vector<16xf32>,
        %broadcast_in_dim3A_279 = arith.constant 5 : i32
        %broadcast_in_dim3A_280 = vector.broadcast %broadcast_in_dim3A_279 : i32 to vector<16xi32>
        %broadcast_in_dim3A_281 = vector.shape_cast %broadcast_in_dim3A_280 : vector<16xi32> to vector<16x1xi32>
        %gather3A_282 = vector.shape_cast %broadcast_in_dim3A_281 : vector<16x1xi32> to vector<16xi32>
        %gather3A_283 = tpu.dynamic_gather %mul3A_213[%gather3A_282] in [0] : vector<16xf32>, vector<16xi32> -> vector<16xf32>
        %mul3A_284 = arith.mulf %get3A_278, %gather3A_283 : vector<16xf32>
        %swap3A_285 = arith.index_cast %add3A_198 : i32 to index
        %swap3A_286 = arith.constant 80 : index
        %swap3A_287 = tpu.vector_load %arg16[%swap3A_285, %swap3A_286] {strides = array<i32>} : memref<64x136xf32, #tpu.memory_space<vmem>>, vector<16xf32>,
        tpu.vector_store %arg16[%swap3A_285, %swap3A_286], %mul3A_284 {strides = array<i32>} : memref<64x136xf32, #tpu.memory_space<vmem>>, vector<16xf32>,
        %get3A_288 = arith.index_cast %add3A_198 : i32 to index
        %get3A_289 = arith.constant 96 : index
        %get3A_290 = tpu.vector_load %arg14[%get3A_288, %get3A_289] {strides = array<i32>} : memref<64x128xf32, #tpu.memory_space<vmem>>, vector<16xf32>,
        %broadcast_in_dim3A_291 = arith.constant 6 : i32
        %broadcast_in_dim3A_292 = vector.broadcast %broadcast_in_dim3A_291 : i32 to vector<16xi32>
        %broadcast_in_dim3A_293 = vector.shape_cast %broadcast_in_dim3A_292 : vector<16xi32> to vector<16x1xi32>
        %gather3A_294 = vector.shape_cast %broadcast_in_dim3A_293 : vector<16x1xi32> to vector<16xi32>
        %gather3A_295 = tpu.dynamic_gather %mul3A_213[%gather3A_294] in [0] : vector<16xf32>, vector<16xi32> -> vector<16xf32>
        %mul3A_296 = arith.mulf %get3A_290, %gather3A_295 : vector<16xf32>
        %swap3A_297 = arith.index_cast %add3A_198 : i32 to index
        %swap3A_298 = arith.constant 96 : index
        %swap3A_299 = tpu.vector_load %arg16[%swap3A_297, %swap3A_298] {strides = array<i32>} : memref<64x136xf32, #tpu.memory_space<vmem>>, vector<16xf32>,
        tpu.vector_store %arg16[%swap3A_297, %swap3A_298], %mul3A_296 {strides = array<i32>} : memref<64x136xf32, #tpu.memory_space<vmem>>, vector<16xf32>,
        %get3A_300 = arith.index_cast %add3A_198 : i32 to index
        %get3A_301 = arith.constant 112 : index
        %get3A_302 = tpu.vector_load %arg14[%get3A_300, %get3A_301] {strides = array<i32>} : memref<64x128xf32, #tpu.memory_space<vmem>>, vector<16xf32>,
        %broadcast_in_dim3A_303 = arith.constant 7 : i32
        %broadcast_in_dim3A_304 = vector.broadcast %broadcast_in_dim3A_303 : i32 to vector<16xi32>
        %broadcast_in_dim3A_305 = vector.shape_cast %broadcast_in_dim3A_304 : vector<16xi32> to vector<16x1xi32>
        %gather3A_306 = vector.shape_cast %broadcast_in_dim3A_305 : vector<16x1xi32> to vector<16xi32>
        %gather3A_307 = tpu.dynamic_gather %mul3A_213[%gather3A_306] in [0] : vector<16xf32>, vector<16xi32> -> vector<16xf32>
        %mul3A_308 = arith.mulf %get3A_302, %gather3A_307 : vector<16xf32>
        %swap3A_309 = arith.index_cast %add3A_198 : i32 to index
        %swap3A_310 = arith.constant 112 : index
        %swap3A_311 = tpu.vector_load %arg16[%swap3A_309, %swap3A_310] {strides = array<i32>} : memref<64x136xf32, #tpu.memory_space<vmem>>, vector<16xf32>,
        tpu.vector_store %arg16[%swap3A_309, %swap3A_310], %mul3A_308 {strides = array<i32>} : memref<64x136xf32, #tpu.memory_space<vmem>>, vector<16xf32>,
      }
      %scan3A_185 = arith.constant 64 : i32
      %run_scoped3A_186 = arith.constant 1 : i32
      "tpu.region"() ({
        %run_scoped3A_194 = tpu.sem_alloc : memref<!tpu.dma_semaphore, #tpu.memory_space<semaphore_mem>>
        %dma_start3A_195 = arith.constant 0 : i32
        %dma_start3A_196 = tpu.memref_slice %arg8[%run_scoped3A_186, %dma_start3A_195] : memref<3x64xi32, #tpu.memory_space<vmem>> -> memref<1x64xi32, #tpu.memory_space<vmem>>
        %dma_start3A_197 = tpu.memref_squeeze %dma_start3A_196 : memref<1x64xi32, #tpu.memory_space<vmem>> -> memref<64xi32, #tpu.memory_space<vmem>>
        %dma_start3A_198 = arith.constant 0 : i32
        %dma_start3A_199 = arith.constant 0 : i32
        %dma_start3A_200 = tpu.memref_slice %arg17[%dma_start3A_198, %dma_start3A_199] : memref<10240x136xf32, #tpu.memory_space<vmem_shared>> -> memref<10240x136xf32, #tpu.memory_space<vmem_shared>>
        tpu.enqueue_indirect_dma source(%arg16 : memref<64x136xf32, #tpu.memory_space<vmem>>) target(%dma_start3A_200 : memref<10240x136xf32, #tpu.memory_space<vmem_shared>>) offsets(%dma_start3A_197 : memref<64xi32, #tpu.memory_space<vmem>>) semaphore(%run_scoped3A_194 : memref<!tpu.dma_semaphore, #tpu.memory_space<semaphore_mem>>) {add = true}
        %dma_wait3A_201 = arith.constant 0 : i32
        %dma_wait3A_202 = tpu.memref_slice %arg8[%run_scoped3A_186, %dma_wait3A_201] : memref<3x64xi32, #tpu.memory_space<vmem>> -> memref<1x64xi32, #tpu.memory_space<vmem>>
        %dma_wait3A_203 = tpu.memref_squeeze %dma_wait3A_202 : memref<1x64xi32, #tpu.memory_space<vmem>> -> memref<64xi32, #tpu.memory_space<vmem>>
        %dma_wait3A_204 = arith.constant 0 : i32
        %dma_wait3A_205 = arith.constant 0 : i32
        %dma_wait3A_206 = tpu.memref_slice %arg17[%dma_wait3A_204, %dma_wait3A_205] : memref<10240x136xf32, #tpu.memory_space<vmem_shared>> -> memref<10240x136xf32, #tpu.memory_space<vmem_shared>>
        tpu.wait_indirect_dma semaphore(%run_scoped3A_194 : memref<!tpu.dma_semaphore, #tpu.memory_space<semaphore_mem>>) src(%arg16 : memref<64x136xf32, #tpu.memory_space<vmem>>) dst(%dma_wait3A_206 : memref<10240x136xf32, #tpu.memory_space<vmem_shared>>)
        tpu.yield
      }) : () -> ()
      %add3A_187 = arith.constant 2 : i32
      %add3A_188 = arith.addi %add3A_152, %add3A_187 : i32
      %lt3A_189 = arith.constant 160 : i32
      %lt3A_190 = arith.cmpi slt, %add3A_188, %lt3A_189 : i32
      %convert_element_type3A_191 = arith.extui %lt3A_190 : i1 to i32
      %cond3A_192 = arith.constant 0 : i32
      %cond3A_193 = arith.cmpi ne, %convert_element_type3A_191, %cond3A_192 : i32
      scf.if %cond3A_193 {
        %add3A_194 = arith.addi %mul3A_47, %add3A_152 : i32
        %add3A_195 = arith.constant 2 : i32
        %add3A_196 = arith.addi %add3A_194, %add3A_195 : i32
        %dma_start3A_197 = arith.constant 0 : i32
        %dma_start3A_198 = arith.constant 0 : i32
        %dma_start3A_199 = tpu.memref_slice %arg2[%add3A_196, %dma_start3A_197, %dma_start3A_198] : memref<5120x3x64xi32, #tpu.memory_space<hbm>> -> memref<1x3x64xi32, #tpu.memory_space<hbm>>
        %dma_start3A_200 = tpu.memref_squeeze %dma_start3A_199 : memref<1x3x64xi32, #tpu.memory_space<hbm>> -> memref<3x64xi32, #tpu.memory_space<hbm>>
        %dma_start3A_201 = arith.constant 0 : i32
        %dma_start3A_202 = arith.constant 0 : i32
        %dma_start3A_203 = tpu.memref_slice %arg2[%add3A_196, %dma_start3A_201, %dma_start3A_202] : memref<5120x3x64xi32, #tpu.memory_space<hbm>> -> memref<1x3x64xi32, #tpu.memory_space<hbm>>
        %dma_start3A_204 = tpu.memref_squeeze %dma_start3A_203 : memref<1x3x64xi32, #tpu.memory_space<hbm>> -> memref<3x64xi32, #tpu.memory_space<hbm>>
        tpu.enqueue_dma source(%dma_start3A_204 : memref<3x64xi32, #tpu.memory_space<hbm>>) target(%arg8 : memref<3x64xi32, #tpu.memory_space<vmem>>) target_semaphore(%arg19 : memref<!tpu.dma_semaphore, #tpu.memory_space<semaphore_mem>>)
      } else {
      }
    }
    %scan3A_97 = arith.constant 80 : i32
    %barrier3A_98 = arith.constant 0 : index
    tpu.barrier barrier_id(%barrier3A_98)
    %mul3A_99 = arith.constant 640 : i32
    %mul3A_100 = arith.muli %arg1, %mul3A_99 : i32
    %mul3A_101 = arith.constant 640 : i32
    %mul3A_102 = arith.muli %arg1, %mul3A_101 : i32
    "tpu.region"() ({
      %run_scoped3A = tpu.sem_alloc : memref<!tpu.dma_semaphore, #tpu.memory_space<semaphore_mem>>
      %dma_start3A_103 = arith.constant 0 : i32
      %dma_start3A_104 = tpu.memref_slice %arg6[%arg0, %mul3A_102, %dma_start3A_103] : memref<2x10240x136xf32, #tpu.memory_space<hbm>> -> memref<1x640x136xf32, #tpu.memory_space<hbm>>
      %dma_start3A_105 = tpu.memref_squeeze %dma_start3A_104 : memref<1x640x136xf32, #tpu.memory_space<hbm>> -> memref<640x136xf32, #tpu.memory_space<hbm>>
      %dma_start3A_106 = arith.constant 0 : i32
      %dma_start3A_107 = tpu.memref_slice %arg17[%mul3A_100, %dma_start3A_106] : memref<10240x136xf32, #tpu.memory_space<vmem_shared>> -> memref<640x136xf32, #tpu.memory_space<vmem_shared>>
      tpu.enqueue_dma source(%dma_start3A_107 : memref<640x136xf32, #tpu.memory_space<vmem_shared>>) target(%dma_start3A_105 : memref<640x136xf32, #tpu.memory_space<hbm>>) target_semaphore(%run_scoped3A : memref<!tpu.dma_semaphore, #tpu.memory_space<semaphore_mem>>)
      %dma_wait3A_108 = arith.constant 0 : i32
      %dma_wait3A_109 = tpu.memref_slice %arg6[%arg0, %mul3A_102, %dma_wait3A_108] : memref<2x10240x136xf32, #tpu.memory_space<hbm>> -> memref<1x640x136xf32, #tpu.memory_space<hbm>>
      %dma_wait3A_110 = tpu.memref_squeeze %dma_wait3A_109 : memref<1x640x136xf32, #tpu.memory_space<hbm>> -> memref<640x136xf32, #tpu.memory_space<hbm>>
      %dma_wait3A_111 = arith.constant 0 : i32
      %dma_wait3A_112 = tpu.memref_slice %arg17[%mul3A_100, %dma_wait3A_111] : memref<10240x136xf32, #tpu.memory_space<vmem_shared>> -> memref<640x136xf32, #tpu.memory_space<vmem_shared>>
      tpu.wait_dma2 semaphore(%run_scoped3A : memref<!tpu.dma_semaphore, #tpu.memory_space<semaphore_mem>>) src(%dma_wait3A_112 : memref<640x136xf32, #tpu.memory_space<vmem_shared>>) dst(%dma_wait3A_110 : memref<640x136xf32, #tpu.memory_space<hbm>>)
      tpu.yield
    }) : () -> ()
    return
  }
}

module attributes {stable_mosaic.version = 14 : i64} {
  func.func @_tc_a_body(%arg0: i32, %arg1: memref<1024x128xf32, #tpu.memory_space<vmem>>, %arg2: memref<128x128xf32, #tpu.memory_space<vmem>>, %arg3: memref<1x128xf32, #tpu.memory_space<vmem>>, %arg4: memref<1x128xf32, #tpu.memory_space<vmem>>, %arg5: memref<128x16xf32, #tpu.memory_space<vmem>>, %arg6: memref<1024x128xf32, #tpu.memory_space<vmem>>, %arg7: memref<1024x16xf32, #tpu.memory_space<vmem>>, %arg8: memref<1024x16xf32, #tpu.memory_space<vmem>>) attributes {dimension_semantics = [#tpu.dimension_semantics<arbitrary>], iteration_bounds = array<i64: 10>, scalar_prefetch = 0 : i64, scratch_operands = 0 : i64, tpu.core_type = #tpu.core_type<tc>, window_params = [{transform_indices = @transform_0, window_bounds = array<i64: 1024, 128>}, {pipeline_mode = #tpu.pipeline_mode<synchronous>, transform_indices = @transform_1, window_bounds = array<i64: 128, 128>}, {pipeline_mode = #tpu.pipeline_mode<synchronous>, transform_indices = @transform_2, window_bounds = array<i64: 1, 128>}, {pipeline_mode = #tpu.pipeline_mode<synchronous>, transform_indices = @transform_3, window_bounds = array<i64: 1, 128>}, {pipeline_mode = #tpu.pipeline_mode<synchronous>, transform_indices = @transform_4, window_bounds = array<i64: 128, 16>}, {transform_indices = @transform_5, window_bounds = array<i64: 1024, 128>}, {transform_indices = @transform_6, window_bounds = array<i64: 1024, 16>}, {transform_indices = @transform_7, window_bounds = array<i64: 1024, 16>}]} {
    %get3A = arith.constant 0 : index
    %get3A_0 = arith.constant 0 : index
    %get3A_1 = vector.load %arg1[%get3A, %get3A_0] : memref<1024x128xf32, #tpu.memory_space<vmem>>, vector<1024x128xf32>
    %get3A_2 = arith.constant 0 : index
    %get3A_3 = arith.constant 0 : index
    %get3A_4 = vector.load %arg2[%get3A_2, %get3A_3] : memref<128x128xf32, #tpu.memory_space<vmem>>, vector<128x128xf32>
    %dot_general3A = arith.constant dense<0.000000e+00> : vector<1024x128xf32>
    %dot_general3A_5 = tpu.matmul %get3A_1, %get3A_4, %dot_general3A {dimension_numbers = #tpu.dot_dimension_numbers<[1], [0], [0], [1], [0, 0, 1, 1], [], []>, transpose_lhs_hint = false} : vector<1024x128xf32>, vector<128x128xf32>, vector<1024x128xf32> -> vector<1024x128xf32>
    %swap3A = arith.constant 0 : index
    %swap3A_6 = arith.constant 0 : index
    %swap3A_7 = vector.load %arg6[%swap3A, %swap3A_6] : memref<1024x128xf32, #tpu.memory_space<vmem>>, vector<1024x128xf32>
    tpu.vector_store %arg6[%swap3A, %swap3A_6], %dot_general3A_5 {strides = array<i32>} : memref<1024x128xf32, #tpu.memory_space<vmem>>, vector<1024x128xf32>,
    %get3A_8 = arith.constant 0 : index
    %get3A_9 = arith.constant 0 : index
    %get3A_10 = vector.load %arg5[%get3A_8, %get3A_9] : memref<128x16xf32, #tpu.memory_space<vmem>>, vector<128x16xf32>
    %get3A_11 = arith.constant 0 : index
    %get3A_12 = arith.constant 0 : index
    %get3A_13 = vector.load %arg3[%get3A_11, %get3A_12] : memref<1x128xf32, #tpu.memory_space<vmem>>, vector<1x128xf32>
    %mul3A = vector.broadcast %get3A_13 : vector<1x128xf32> to vector<1024x128xf32>
    %mul3A_14 = arith.mulf %dot_general3A_5, %mul3A : vector<1024x128xf32>
    %dot_general3A_15 = arith.constant dense<0.000000e+00> : vector<1024x16xf32>
    %dot_general3A_16 = tpu.matmul %mul3A_14, %get3A_10, %dot_general3A_15 {dimension_numbers = #tpu.dot_dimension_numbers<[1], [0], [0], [1], [0, 0, 1, 1], [], []>, transpose_lhs_hint = false} : vector<1024x128xf32>, vector<128x16xf32>, vector<1024x16xf32> -> vector<1024x16xf32>
    %swap3A_17 = arith.constant 0 : index
    %swap3A_18 = arith.constant 0 : index
    %swap3A_19 = vector.load %arg7[%swap3A_17, %swap3A_18] : memref<1024x16xf32, #tpu.memory_space<vmem>>, vector<1024x16xf32>
    tpu.vector_store %arg7[%swap3A_17, %swap3A_18], %dot_general3A_16 {strides = array<i32>} : memref<1024x16xf32, #tpu.memory_space<vmem>>, vector<1024x16xf32>,
    %get3A_20 = arith.constant 0 : index
    %get3A_21 = arith.constant 0 : index
    %get3A_22 = vector.load %arg4[%get3A_20, %get3A_21] : memref<1x128xf32, #tpu.memory_space<vmem>>, vector<1x128xf32>
    %mul3A_23 = vector.broadcast %get3A_22 : vector<1x128xf32> to vector<1024x128xf32>
    %mul3A_24 = arith.mulf %dot_general3A_5, %mul3A_23 : vector<1024x128xf32>
    %dot_general3A_25 = arith.constant dense<0.000000e+00> : vector<1024x16xf32>
    %dot_general3A_26 = tpu.matmul %mul3A_24, %get3A_10, %dot_general3A_25 {dimension_numbers = #tpu.dot_dimension_numbers<[1], [0], [0], [1], [0, 0, 1, 1], [], []>, transpose_lhs_hint = false} : vector<1024x128xf32>, vector<128x16xf32>, vector<1024x16xf32> -> vector<1024x16xf32>
    %swap3A_27 = arith.constant 0 : index
    %swap3A_28 = arith.constant 0 : index
    %swap3A_29 = vector.load %arg8[%swap3A_27, %swap3A_28] : memref<1024x16xf32, #tpu.memory_space<vmem>>, vector<1024x16xf32>
    tpu.vector_store %arg8[%swap3A_27, %swap3A_28], %dot_general3A_26 {strides = array<i32>} : memref<1024x16xf32, #tpu.memory_space<vmem>>, vector<1024x16xf32>,
    return
  }
  func.func @transform_0(%arg0: i32) -> (i32, i32) {
    %c0_i32 = arith.constant 0 : i32
    %c0_i32_0 = arith.constant 0 : i32
    return %arg0, %c0_i32 : i32, i32
  }
  func.func @transform_1(%arg0: i32) -> (i32, i32) {
    %c0_i32 = arith.constant 0 : i32
    %c0_i32_0 = arith.constant 0 : i32
    %c0_i32_1 = arith.constant 0 : i32
    return %c0_i32, %c0_i32_0 : i32, i32
  }
  func.func @transform_2(%arg0: i32) -> (i32, i32) {
    %c0_i32 = arith.constant 0 : i32
    %c0_i32_0 = arith.constant 0 : i32
    %c0_i32_1 = arith.constant 0 : i32
    return %c0_i32, %c0_i32_0 : i32, i32
  }
  func.func @transform_3(%arg0: i32) -> (i32, i32) {
    %c0_i32 = arith.constant 0 : i32
    %c0_i32_0 = arith.constant 0 : i32
    %c0_i32_1 = arith.constant 0 : i32
    return %c0_i32, %c0_i32_0 : i32, i32
  }
  func.func @transform_4(%arg0: i32) -> (i32, i32) {
    %c0_i32 = arith.constant 0 : i32
    %c0_i32_0 = arith.constant 0 : i32
    %c0_i32_1 = arith.constant 0 : i32
    return %c0_i32, %c0_i32_0 : i32, i32
  }
  func.func @transform_5(%arg0: i32) -> (i32, i32) {
    %c0_i32 = arith.constant 0 : i32
    %c0_i32_0 = arith.constant 0 : i32
    return %arg0, %c0_i32 : i32, i32
  }
  func.func @transform_6(%arg0: i32) -> (i32, i32) {
    %c0_i32 = arith.constant 0 : i32
    %c0_i32_0 = arith.constant 0 : i32
    return %arg0, %c0_i32 : i32, i32
  }
  func.func @transform_7(%arg0: i32) -> (i32, i32) {
    %c0_i32 = arith.constant 0 : i32
    %c0_i32_0 = arith.constant 0 : i32
    return %arg0, %c0_i32 : i32, i32
  }
}

module attributes {stable_mosaic.version = 14 : i64} {
  func.func @_tc_b_body(%arg0: i32, %arg1: memref<2x1024x136xf32, #tpu.memory_space<vmem>>, %arg2: memref<1x128xf32, #tpu.memory_space<vmem>>, %arg3: memref<128x64xf32, #tpu.memory_space<vmem>>, %arg4: memref<8x128xf32, #tpu.memory_space<vmem>>, %arg5: memref<64x16xf32, #tpu.memory_space<vmem>>, %arg6: memref<64x16xf32, #tpu.memory_space<vmem>>, %arg7: memref<1024x64xf32, #tpu.memory_space<vmem>>, %arg8: memref<1024x16xf32, #tpu.memory_space<vmem>>, %arg9: memref<1024x16xf32, #tpu.memory_space<vmem>>) attributes {dimension_semantics = [#tpu.dimension_semantics<arbitrary>], iteration_bounds = array<i64: 10>, scalar_prefetch = 0 : i64, scratch_operands = 0 : i64, tpu.core_type = #tpu.core_type<tc>, window_params = [{transform_indices = @transform_0, window_bounds = array<i64: 2, 1024, 136>}, {pipeline_mode = #tpu.pipeline_mode<synchronous>, transform_indices = @transform_1, window_bounds = array<i64: 1, 128>}, {pipeline_mode = #tpu.pipeline_mode<synchronous>, transform_indices = @transform_2, window_bounds = array<i64: 128, 64>}, {pipeline_mode = #tpu.pipeline_mode<synchronous>, transform_indices = @transform_3, window_bounds = array<i64: 8, 128>}, {pipeline_mode = #tpu.pipeline_mode<synchronous>, transform_indices = @transform_4, window_bounds = array<i64: 64, 16>}, {pipeline_mode = #tpu.pipeline_mode<synchronous>, transform_indices = @transform_5, window_bounds = array<i64: 64, 16>}, {transform_indices = @transform_6, window_bounds = array<i64: 1024, 64>}, {transform_indices = @transform_7, window_bounds = array<i64: 1024, 16>}, {transform_indices = @transform_8, window_bounds = array<i64: 1024, 16>}]} {
    %get3A = arith.constant 0 : index
    %get3A_0 = arith.constant 0 : index
    %get3A_1 = arith.constant 0 : index
    %get3A_2 = vector.load %arg1[%get3A, %get3A_0, %get3A_1] : memref<2x1024x136xf32, #tpu.memory_space<vmem>>, vector<1x1024x136xf32>
    %get3A_3 = vector.shape_cast %get3A_2 : vector<1x1024x136xf32> to vector<1024x136xf32>
    %get3A_4 = arith.constant 1 : index
    %get3A_5 = arith.constant 0 : index
    %get3A_6 = arith.constant 0 : index
    %get3A_7 = vector.load %arg1[%get3A_4, %get3A_5, %get3A_6] : memref<2x1024x136xf32, #tpu.memory_space<vmem>>, vector<1x1024x136xf32>
    %get3A_8 = vector.shape_cast %get3A_7 : vector<1x1024x136xf32> to vector<1024x136xf32>
    %add3A = arith.addf %get3A_3, %get3A_8 : vector<1024x136xf32>
    %slice3A = vector.extract_strided_slice %add3A {offsets = [0, 0], sizes = [1024, 128], strides = [1, 1]} : vector<1024x136xf32> to vector<1024x128xf32>
    %slice3A_9 = vector.extract_strided_slice %add3A {offsets = [0, 128], sizes = [1024, 8], strides = [1, 1]} : vector<1024x136xf32> to vector<1024x8xf32>
    %get3A_10 = arith.constant 0 : index
    %get3A_11 = arith.constant 0 : index
    %get3A_12 = vector.load %arg4[%get3A_10, %get3A_11] : memref<8x128xf32, #tpu.memory_space<vmem>>, vector<8x128xf32>
    %dot_general3A = arith.constant dense<0.000000e+00> : vector<1024x128xf32>
    %dot_general3A_13 = tpu.matmul %slice3A_9, %get3A_12, %dot_general3A {dimension_numbers = #tpu.dot_dimension_numbers<[1], [0], [0], [1], [0, 0, 1, 1], [], []>, transpose_lhs_hint = false} : vector<1024x8xf32>, vector<8x128xf32>, vector<1024x128xf32> -> vector<1024x128xf32>
    %add3A_14 = arith.constant 1.000000e-16 : f32
    %add3A_15 = vector.broadcast %add3A_14 : f32 to vector<1024x128xf32>
    %add3A_16 = arith.addf %dot_general3A_13, %add3A_15 : vector<1024x128xf32>
    %div3A = arith.divf %slice3A, %add3A_16 : vector<1024x128xf32>
    %get3A_17 = arith.constant 0 : index
    %get3A_18 = arith.constant 0 : index
    %get3A_19 = vector.load %arg2[%get3A_17, %get3A_18] : memref<1x128xf32, #tpu.memory_space<vmem>>, vector<1x128xf32>
    %add3A_20 = vector.broadcast %get3A_19 : vector<1x128xf32> to vector<1024x128xf32>
    %add3A_21 = arith.addf %div3A, %add3A_20 : vector<1024x128xf32>
    %max3A = arith.constant 0.000000e+00 : f32
    %max3A_22 = vector.broadcast %max3A : f32 to vector<1024x128xf32>
    %max3A_23 = arith.maximumf %add3A_21, %max3A_22 : vector<1024x128xf32>
    %get3A_24 = arith.constant 0 : index
    %get3A_25 = arith.constant 0 : index
    %get3A_26 = vector.load %arg3[%get3A_24, %get3A_25] : memref<128x64xf32, #tpu.memory_space<vmem>>, vector<128x64xf32>
    %dot_general3A_27 = arith.constant dense<0.000000e+00> : vector<1024x64xf32>
    %dot_general3A_28 = tpu.matmul %max3A_23, %get3A_26, %dot_general3A_27 {dimension_numbers = #tpu.dot_dimension_numbers<[1], [0], [0], [1], [0, 0, 1, 1], [], []>, transpose_lhs_hint = false} : vector<1024x128xf32>, vector<128x64xf32>, vector<1024x64xf32> -> vector<1024x64xf32>
    %swap3A = arith.constant 0 : index
    %swap3A_29 = arith.constant 0 : index
    %swap3A_30 = vector.load %arg7[%swap3A, %swap3A_29] : memref<1024x64xf32, #tpu.memory_space<vmem>>, vector<1024x64xf32>
    tpu.vector_store %arg7[%swap3A, %swap3A_29], %dot_general3A_28 {strides = array<i32>} : memref<1024x64xf32, #tpu.memory_space<vmem>>, vector<1024x64xf32>,
    %get3A_31 = arith.constant 0 : index
    %get3A_32 = arith.constant 0 : index
    %get3A_33 = vector.load %arg5[%get3A_31, %get3A_32] : memref<64x16xf32, #tpu.memory_space<vmem>>, vector<64x16xf32>
    %dot_general3A_34 = arith.constant dense<0.000000e+00> : vector<1024x16xf32>
    %dot_general3A_35 = tpu.matmul %dot_general3A_28, %get3A_33, %dot_general3A_34 {dimension_numbers = #tpu.dot_dimension_numbers<[1], [0], [0], [1], [0, 0, 1, 1], [], []>, transpose_lhs_hint = false} : vector<1024x64xf32>, vector<64x16xf32>, vector<1024x16xf32> -> vector<1024x16xf32>
    %swap3A_36 = arith.constant 0 : index
    %swap3A_37 = arith.constant 0 : index
    %swap3A_38 = vector.load %arg8[%swap3A_36, %swap3A_37] : memref<1024x16xf32, #tpu.memory_space<vmem>>, vector<1024x16xf32>
    tpu.vector_store %arg8[%swap3A_36, %swap3A_37], %dot_general3A_35 {strides = array<i32>} : memref<1024x16xf32, #tpu.memory_space<vmem>>, vector<1024x16xf32>,
    %get3A_39 = arith.constant 0 : index
    %get3A_40 = arith.constant 0 : index
    %get3A_41 = vector.load %arg6[%get3A_39, %get3A_40] : memref<64x16xf32, #tpu.memory_space<vmem>>, vector<64x16xf32>
    %dot_general3A_42 = arith.constant dense<0.000000e+00> : vector<1024x16xf32>
    %dot_general3A_43 = tpu.matmul %dot_general3A_28, %get3A_41, %dot_general3A_42 {dimension_numbers = #tpu.dot_dimension_numbers<[1], [0], [0], [1], [0, 0, 1, 1], [], []>, transpose_lhs_hint = false} : vector<1024x64xf32>, vector<64x16xf32>, vector<1024x16xf32> -> vector<1024x16xf32>
    %swap3A_44 = arith.constant 0 : index
    %swap3A_45 = arith.constant 0 : index
    %swap3A_46 = vector.load %arg9[%swap3A_44, %swap3A_45] : memref<1024x16xf32, #tpu.memory_space<vmem>>, vector<1024x16xf32>
    tpu.vector_store %arg9[%swap3A_44, %swap3A_45], %dot_general3A_43 {strides = array<i32>} : memref<1024x16xf32, #tpu.memory_space<vmem>>, vector<1024x16xf32>,
    return
  }
  func.func @transform_0(%arg0: i32) -> (i32, i32, i32) {
    %c0_i32 = arith.constant 0 : i32
    %c0_i32_0 = arith.constant 0 : i32
    %c0_i32_1 = arith.constant 0 : i32
    return %c0_i32, %arg0, %c0_i32_0 : i32, i32, i32
  }
  func.func @transform_1(%arg0: i32) -> (i32, i32) {
    %c0_i32 = arith.constant 0 : i32
    %c0_i32_0 = arith.constant 0 : i32
    %c0_i32_1 = arith.constant 0 : i32
    return %c0_i32, %c0_i32_0 : i32, i32
  }
  func.func @transform_2(%arg0: i32) -> (i32, i32) {
    %c0_i32 = arith.constant 0 : i32
    %c0_i32_0 = arith.constant 0 : i32
    %c0_i32_1 = arith.constant 0 : i32
    return %c0_i32, %c0_i32_0 : i32, i32
  }
  func.func @transform_3(%arg0: i32) -> (i32, i32) {
    %c0_i32 = arith.constant 0 : i32
    %c0_i32_0 = arith.constant 0 : i32
    %c0_i32_1 = arith.constant 0 : i32
    return %c0_i32, %c0_i32_0 : i32, i32
  }
  func.func @transform_4(%arg0: i32) -> (i32, i32) {
    %c0_i32 = arith.constant 0 : i32
    %c0_i32_0 = arith.constant 0 : i32
    %c0_i32_1 = arith.constant 0 : i32
    return %c0_i32, %c0_i32_0 : i32, i32
  }
  func.func @transform_5(%arg0: i32) -> (i32, i32) {
    %c0_i32 = arith.constant 0 : i32
    %c0_i32_0 = arith.constant 0 : i32
    %c0_i32_1 = arith.constant 0 : i32
    return %c0_i32, %c0_i32_0 : i32, i32
  }
  func.func @transform_6(%arg0: i32) -> (i32, i32) {
    %c0_i32 = arith.constant 0 : i32
    %c0_i32_0 = arith.constant 0 : i32
    return %arg0, %c0_i32 : i32, i32
  }
  func.func @transform_7(%arg0: i32) -> (i32, i32) {
    %c0_i32 = arith.constant 0 : i32
    %c0_i32_0 = arith.constant 0 : i32
    return %arg0, %c0_i32 : i32, i32
  }
  func.func @transform_8(%arg0: i32) -> (i32, i32) {
    %c0_i32 = arith.constant 0 : i32
    %c0_i32_0 = arith.constant 0 : i32
    return %arg0, %c0_i32 : i32, i32
  }
}

module attributes {stable_mosaic.version = 14 : i64} {
  func.func @_tc_c_body(%arg0: i32, %arg1: memref<2x1024x80xf32, #tpu.memory_space<vmem>>, %arg2: memref<1x64xf32, #tpu.memory_space<vmem>>, %arg3: memref<1024x64xf32, #tpu.memory_space<vmem>>) attributes {dimension_semantics = [#tpu.dimension_semantics<arbitrary>], iteration_bounds = array<i64: 10>, scalar_prefetch = 0 : i64, scratch_operands = 0 : i64, tpu.core_type = #tpu.core_type<tc>, window_params = [{transform_indices = @transform_0, window_bounds = array<i64: 2, 1024, 80>}, {pipeline_mode = #tpu.pipeline_mode<synchronous>, transform_indices = @transform_1, window_bounds = array<i64: 1, 64>}, {transform_indices = @transform_2, window_bounds = array<i64: 1024, 64>}]} {
    %get3A = arith.constant 0 : index
    %get3A_0 = arith.constant 0 : index
    %get3A_1 = arith.constant 0 : index
    %get3A_2 = vector.load %arg1[%get3A, %get3A_0, %get3A_1] : memref<2x1024x80xf32, #tpu.memory_space<vmem>>, vector<1x1024x80xf32>
    %get3A_3 = vector.shape_cast %get3A_2 : vector<1x1024x80xf32> to vector<1024x80xf32>
    %get3A_4 = arith.constant 1 : index
    %get3A_5 = arith.constant 0 : index
    %get3A_6 = arith.constant 0 : index
    %get3A_7 = vector.load %arg1[%get3A_4, %get3A_5, %get3A_6] : memref<2x1024x80xf32, #tpu.memory_space<vmem>>, vector<1x1024x80xf32>
    %get3A_8 = vector.shape_cast %get3A_7 : vector<1x1024x80xf32> to vector<1024x80xf32>
    %add3A = arith.addf %get3A_3, %get3A_8 : vector<1024x80xf32>
    %slice3A = vector.extract_strided_slice %add3A {offsets = [0, 0], sizes = [1024, 64], strides = [1, 1]} : vector<1024x80xf32> to vector<1024x64xf32>
    %slice3A_9 = vector.extract_strided_slice %add3A {offsets = [0, 64], sizes = [1024, 1], strides = [1, 1]} : vector<1024x80xf32> to vector<1024x1xf32>
    %add3A_10 = arith.constant 1.000000e-16 : f32
    %add3A_11 = vector.broadcast %add3A_10 : f32 to vector<1024x1xf32>
    %add3A_12 = arith.addf %slice3A_9, %add3A_11 : vector<1024x1xf32>
    %div3A = vector.broadcast %add3A_12 : vector<1024x1xf32> to vector<1024x64xf32>
    %div3A_13 = arith.divf %slice3A, %div3A : vector<1024x64xf32>
    %get3A_14 = arith.constant 0 : index
    %get3A_15 = arith.constant 0 : index
    %get3A_16 = vector.load %arg2[%get3A_14, %get3A_15] : memref<1x64xf32, #tpu.memory_space<vmem>>, vector<1x64xf32>
    %add3A_17 = vector.broadcast %get3A_16 : vector<1x64xf32> to vector<1024x64xf32>
    %add3A_18 = arith.addf %div3A_13, %add3A_17 : vector<1024x64xf32>
    %reduce_max3A = arith.constant dense<0xFF800000> : vector<1024xf32>
    %reduce_max3A_19 = vector.multi_reduction <maximumf>, %add3A_18, %reduce_max3A [1] : vector<1024x64xf32> to vector<1024xf32>
    %broadcast_in_dim3A = vector.shape_cast %reduce_max3A_19 : vector<1024xf32> to vector<1024x1xf32>
    %sub3A = vector.broadcast %broadcast_in_dim3A : vector<1024x1xf32> to vector<1024x64xf32>
    %sub3A_20 = arith.subf %add3A_18, %sub3A : vector<1024x64xf32>
    %exp3A = math.exp %sub3A_20 : vector<1024x64xf32>
    %reduce_sum3A = arith.constant dense<0.000000e+00> : vector<1024xf32>
    %reduce_sum3A_21 = vector.multi_reduction <add>, %exp3A, %reduce_sum3A [1] : vector<1024x64xf32> to vector<1024xf32>
    %broadcast_in_dim3A_22 = vector.shape_cast %reduce_sum3A_21 : vector<1024xf32> to vector<1024x1xf32>
    %log3A = math.log %broadcast_in_dim3A_22 : vector<1024x1xf32>
    %add3A_23 = arith.addf %log3A, %broadcast_in_dim3A : vector<1024x1xf32>
    %sub3A_24 = vector.broadcast %add3A_23 : vector<1024x1xf32> to vector<1024x64xf32>
    %sub3A_25 = arith.subf %add3A_18, %sub3A_24 : vector<1024x64xf32>
    %swap3A = arith.constant 0 : index
    %swap3A_26 = arith.constant 0 : index
    %swap3A_27 = vector.load %arg3[%swap3A, %swap3A_26] : memref<1024x64xf32, #tpu.memory_space<vmem>>, vector<1024x64xf32>
    tpu.vector_store %arg3[%swap3A, %swap3A_26], %sub3A_25 {strides = array<i32>} : memref<1024x64xf32, #tpu.memory_space<vmem>>, vector<1024x64xf32>,
    return
  }
  func.func @transform_0(%arg0: i32) -> (i32, i32, i32) {
    %c0_i32 = arith.constant 0 : i32
    %c0_i32_0 = arith.constant 0 : i32
    %c0_i32_1 = arith.constant 0 : i32
    return %c0_i32, %arg0, %c0_i32_0 : i32, i32, i32
  }
  func.func @transform_1(%arg0: i32) -> (i32, i32) {
    %c0_i32 = arith.constant 0 : i32
    %c0_i32_0 = arith.constant 0 : i32
    %c0_i32_1 = arith.constant 0 : i32
    return %c0_i32, %c0_i32_0 : i32, i32
  }
  func.func @transform_2(%arg0: i32) -> (i32, i32) {
    %c0_i32 = arith.constant 0 : i32
    %c0_i32_0 = arith.constant 0 : i32
    return %arg0, %c0_i32 : i32, i32
  }
}

</mosaic_0001>

<sc_bundles>
// kernel: kernel.10.cloned.1.call-start
scs
__scs_entry_jumppad:
0x0: {  	(pc) =	sbr.rel $0x88, $3  }
0x1: {  	(tag) =	ssettag $0x0;
	lr =	simm.s32 $0x1  }
0x2: {  	[smem:$0x3F96] =	sst lr;
	_ =	strace $0xD0000000  }
0x3: {  	_ = 	snop  }
0x4: {  	_ = 	snop  }
0x5: {  	_ = 	snop  }
0x6: {  	_ = 	snop  }
0x7: {  	_ = 	snop  }
__scs_overlays_trampoline_lowered:
0x8: {  	[smem:$0x3FA5] =	sst s0  }
0x9: {  	[smem:$0x3FA6] =	sst s1  }
0xa: {  	[smem:$0x3FA7] =	sst s2  }
0xb: {  	[smem:$0x3FA8] =	sst s3  }
0xc: {  	[smem:$0x3FA9] =	sst s4  }
0xd: {  	[smem:$0x3FAA] =	sst s5  }
0xe: {  	[smem:$0x3FAB] =	sst s6  }
0xf: {  	[smem:$0x3FAC] =	sst s7  }
0x10: {  	[smem:$0x3FAD] =	sst s8  }
0x11: {  	[smem:$0x3FAE] =	sst s9;
	s0 =	simm.s32 @!p0 $0x0  }
0x12: {  	s1 =	sld [smem:$0x3F94];
	s0 =	simm.s32 @p0 $0x1  }
0x13: {  	[smem:$0x3FAF] =	sst s0;
	s0 =	simm.s32 @!p1 $0x0  }
0x14: {  	s2 =	sld [smem:$0x3F93];
	s0 =	simm.s32 @p1 $0x1  }
0x15: {  	[smem:$0x3FB0] =	sst s0;
	s0 =	simm.s32 @!p2 $0x0  }
0x16: {  	s3 =	sld [smem:$0x3FDB];
	s0 =	simm.s32 @p2 $0x1  }
0x17: {  	s4 =	simm.s32 $0x1BF5;
	[smem:$0x3FB2] =	sst s0  }
0x18: {  	s0 =	sld [smem:$0x3F95];
	_ =	swait.ge [sflag:s4], $0x0  }
0x19: {  	s7 =	sld [smem:$0x3F96]  }
0x1a: {  	s8 =	sadd.s32 $0xFFFFE003, lr  }
0x1b: {  	s9 =	sadd.s32 $0xFFFFFEF7, lr;
	s5 =	simm.s32 $0xFFFFFFFF;
	p2 =	slt.u32 s8, $0xFFFFF086  }
0x1c: {  	p1 =	slt.u32 s9, $0xF7A;
	s5 =	simm.s32 @!p2 $0x0  }
0x1d: {  	s5 =	simm.s32 @p1 $0x1;
	p0 =	seq.s32 s7, s2  }
0x1e: {  	s7 =	smul.u32 @!p0 $0xF7A, s2;
	p2 =	seq.s32 @!p0 s5, $0x0  }
0x1f: {  	s9 =	smul.u32 $0xF7A, s1;
	s8 =	simm.s32 @!p0 $0x1BF5;
	p2 =	por !p2, p0  }
0x20: {  	[sflag:s8] =	ssyncset.s32 @!p0 $0xFFFFF086;
	s6 =	sadd.s32 @!p0 s3, s7;
	s7 =	simm.s32 @!p0 $0x108  }
0x21: {  	s3 =	sadd.s32 s3, s9;
	s6 =	sadd.s32 @!p0 $0x88, s6;
	s7 =	simm.s32 @p2 $0x1082  }
0x22: {  	[simem:s7], [sflag:s8] =	dma.local @!p0 [hbm:s6], $0xF7A  }
0x23: {  	s9 =	sor.u32 $0xD0000000, s2;
	s6 =	simm.s32 $0x108;
	_ =	swait.ge @!p0 [sflag:s8], $0x0  }
0x24: {  	s3 =	sadd.s32 $0x88, s3;
	s6 =	simm.s32 @!p1 $0x1082;
	[sflag:s4] =	ssyncset.s32 $0xFFFFF086  }
0x25: {  	[simem:s6], [sflag:s4] =	dma.local [hbm:s3], $0xF7A  }
0x26: {  	[smem:$0x3F96] =	sst s1;
	(tag) =	ssettag s2;
	_ =	strace s9  }
0x27: {  	s1 =	sld [smem:$0x3FA6]  }
0x28: {  	s2 =	sld [smem:$0x3FA7]  }
0x29: {  	s4 =	sld [smem:$0x3FA9]  }
0x2a: {  	p0 =	seq.s32 s5, $0x0;
	s5 =	sld [smem:$0x3FAA]  }
0x2b: {  	s6 =	sld [smem:$0x3FAB]  }
0x2c: {  	s7 =	sld [smem:$0x3FAC]  }
0x2d: {  	s3 =	simm.s32 $0x108;
	s8 =	sld [smem:$0x3FAD]  }
0x2e: {  	s3 =	simm.s32 @!p0 $0x1082;
	s9 =	sld [smem:$0x3FAE]  }
0x2f: {  	lr =	sadd.s32 s0, s3;
	s0 =	sld [smem:$0x3FA5]  }
0x30: {  	s3 =	sld [smem:$0x3FA8]  }
0x31: {  	[smem:$0x3FB1] =	sst s10  }
0x32: {  	s10 =	sld [smem:$0x3FAF];
	_ =	sdelay $0x3  }
0x33: {  	p0 =	seq.s32 s10, $0x1;
	s10 =	sld [smem:$0x3FB1];
	_ =	sdelay $0x3  }
0x34: {  	[smem:$0x3FB1] =	sst s10  }
0x35: {  	s10 =	sld [smem:$0x3FB0];
	_ =	sdelay $0x3  }
0x36: {  	p1 =	seq.s32 s10, $0x1;
	s10 =	sld [smem:$0x3FB1];
	_ =	sdelay $0x3  }
0x37: {  	[smem:$0x3FB1] =	sst s10  }
0x38: {  	s10 =	sld [smem:$0x3FB2]  }
0x39: {  	_ = 	snop;
	(pc) =	sbr.ind lr, $3  }
0x3a: {  	_ = 	snop  }
0x3b: {  	_ = 	snop  }
0x3c: {  	p2 =	seq.s32 s10, $0x1;
	s10 =	sld [smem:$0x3FB1]  }
0x3d: {  	_ =	shalt  }
0x3e: {  	_ =	shalt  }
0x3f: {  	_ =	shalt  }
0x40: {  	_ =	shalt  }
0x41: {  	_ =	shalt  }
0x42: {  	_ =	shalt  }
0x43: {  	_ =	shalt  }
0x44: {  	_ =	shalt  }
0x45: {  	_ =	shalt  }
0x46: {  	_ =	shalt  }
0x47: {  	_ =	shalt  }
0x48: {  	_ =	shalt  }
0x49: {  	_ =	shalt  }
0x4a: {  	_ =	shalt  }
0x4b: {  	_ =	shalt  }
0x4c: {  	_ =	shalt  }
0x4d: {  	_ =	shalt  }
0x4e: {  	_ =	shalt  }
0x4f: {  	_ =	shalt  }
0x50: {  	_ =	shalt  }
0x51: {  	_ =	shalt  }
0x52: {  	_ =	shalt  }
0x53: {  	_ =	shalt  }
0x54: {  	_ =	shalt  }
0x55: {  	_ =	shalt  }
0x56: {  	_ =	shalt  }
0x57: {  	_ =	shalt  }
0x58: {  	_ =	shalt  }
0x59: {  	_ =	shalt  }
0x5a: {  	_ =	shalt  }
0x5b: {  	_ =	shalt  }
0x5c: {  	_ =	shalt  }
0x5d: {  	_ =	shalt  }
0x5e: {  	_ =	shalt  }
0x5f: {  	_ =	shalt  }
0x60: {  	_ =	shalt  }
0x61: {  	_ =	shalt  }
0x62: {  	_ =	shalt  }
0x63: {  	_ =	shalt  }
0x64: {  	_ =	shalt  }
0x65: {  	_ =	shalt  }
0x66: {  	_ =	shalt  }
0x67: {  	_ =	shalt  }
0x68: {  	_ =	shalt  }
0x69: {  	_ =	shalt  }
0x6a: {  	_ =	shalt  }
0x6b: {  	_ =	shalt  }
0x6c: {  	_ =	shalt  }
0x6d: {  	_ =	shalt  }
0x6e: {  	_ =	shalt  }
0x6f: {  	_ =	shalt  }
0x70: {  	_ =	shalt  }
0x71: {  	_ =	shalt  }
0x72: {  	_ =	shalt  }
0x73: {  	_ =	shalt  }
0x74: {  	_ =	shalt  }
0x75: {  	_ =	shalt  }
0x76: {  	_ =	shalt  }
0x77: {  	_ =	shalt  }
0x78: {  	_ =	shalt  }
0x79: {  	_ =	shalt  }
0x7a: {  	_ =	shalt  }
0x7b: {  	_ =	shalt  }
0x7c: {  	_ =	shalt  }
0x7d: {  	_ =	shalt  }
0x7e: {  	_ =	shalt  }
0x7f: {  	_ =	shalt  }
0x80: {  	_ =	shalt  }
0x81: {  	_ =	shalt  }
0x82: {  	_ =	shalt  }
0x83: {  	_ =	shalt  }
0x84: {  	_ =	shalt  }
0x85: {  	_ =	shalt  }
0x86: {  	_ =	shalt  }
0x87: {  	_ =	shalt  }
.Lfunc_end0:
.L_simem_size_0:
called_computation.1_lowered:
.L_overlay_start_0:
0x88: {  	s2 =	sld [smem:$0x3FD9]  }
0x89: {  	s3 =	sld [smem:$0x3FFE];
	_ =	sdelay $0x1  }
0x8a: {  	s1 =	srdreg.scid  }
0x8b: {  	s0 =	sand.u32 $0x1, s1  }
0x8c: {  	s17 =	sshll.u32 s0, $0xA;
	s2 =	sadd.s32 s3, s2  }
0x8d: {  	s2 =	sadd.s32 s2, s17  }
0x8e: {  	[smem:$0x3FBD] =	sst s2  }
0x8f: {  	_ = 	snop  }
0x90: {  	s2 =	sld [smem:$0x3FD0];
	(tm) =	ssettm $0x1  }
0x91: {  	s18 =	sld [smem:$0x3FFB];
	_ =	sdelay $0x3  }
0x92: {  	_ =	strace s18  }
0x93: {  	s3 =	sld [smem:$0x3FFC];
	_ =	sdelay $0x3  }
0x94: {  	_ =	strace s3  }
0x95: {  	s3 =	sld [smem:$0x3FFD];
	_ =	sdelay $0x3  }
0x96: {  	_ =	strace s3  }
0x97: {  	_ =	strace $0x8FFFFFFF  }
0x98: {  	s19 =	sld [smem:$0x3FDB];
	_ =	sdelay $0x1  }
0x99: {  	s4 =	simm.s32 $_scs_section_size  }
0x9a: {  	s5 =	simm.s32 $_size__tile_overlayer_lowered;
	s6 =	simm.s32 $_tile_overlayer_lowered  }
0x9b: {  	s22 =	simm.s32 $0x1BFF;
	s21 =	sshll.u32 s6, $0x1;
	s3 =	sadd.s32 s4, s19  }
0x9c: {  	s7 =	simm.s32 $0x0;
	s20 =	sshll.u32 s5, $0x1;
	s5 =	sadd.s32 s21, s3  }
0x9d: {  	[timem:s7], [sflag:s22] =	dma.local [hbm:s5], s20  }
0x9e: {  	_ =	swait.ge [sflag:s22], s20  }
0x9f: {  	s4 =	ssub.s32 $0x0, s20;
	[sflag:s22] =	ssyncset.done $0x0  }
0xa0: {  	[sflag:s22] =	ssyncadd.s32 s4;
	_ =	sdelay $0x1  }
0xa1: {  	s23 =	simm.s32 $0x1B8B  }
0xa2: {  	_ =	swait.ge [sflag:s23], $0x1  }
0xa3: {  	[sflag:s23] =	ssyncset.done $0x0  }
0xa4: {  	s25 =	simm.s32 $0x1B8E;
	s24 =	sld [smem:$0x3FFE];
	[sflag:s23] =	ssyncadd.s32 $0xFFFFFFFF  }
0xa5: {  	s26 =	simm.s32 $execute0_lowered;
	[smem:$0x3FD2] =	sst s25  }
0xa6: {  	s5 =	sshll.u32 s26, $0x1;
	_ =	strace $0x80000049;
	[dreg:$0x1] =	wrdreg $0xFFFFFFFF  }
0xa7: {  	s28 =	simm.s32 $_size_execute0_lowered;
	s3 =	sadd.s32 s3, s5;
	[dreg:$0x0] =	wrdreg $0x0  }
0xa8: {  	s5 =	sshll.u32 s28, $0x1;
	[dreg:$0x2] =	wrdreg s3  }
0xa9: {  	[dreg:$0x3] =	wrdreg s5  }
0xaa: {  	[dreg:$0x4] =	wrdreg $0xC0  }
0xab: {  	_ =	task [dreg:s7], $0x5FFFF  }
0xac: {  	[dreg:$0x1] =	wrdreg $0xFFFFFFFF  }
0xad: {  	[dreg:$0x0] =	wrdreg $0x60  }
0xae: {  	[dreg:$0x2] =	wrdreg s24  }
0xaf: {  	[dreg:$0x3] =	wrdreg s2  }
0xb0: {  	[dreg:$0x4] =	wrdreg $0x59800  }
0xb1: {  	[dreg:$0x5] =	wrdreg $0x9  }
0xb2: {  	_ =	task.clear_ibuf [dreg:s7], $0x6FFFF;
	_ =	strace $0x90000049  }
0xb3: {  	s29 =	simm.s32 $0x9;
	_ =	strace $0x8000004B  }
0xb4: {  	_ =	swait.ge [sflag:s29], $0x1  }
0xb5: {  	[sflag:s29] =	ssyncadd.s32 $0xFFFFFFFF  }
0xb6: {  	_ =	strace $0x9000004B  }
0xb7: {  	_ =	sfence  }
0xb8: {  	s30 =	sld [smem:$0x0];
	_ =	sdelay $0x2  }
0xb9: {  	s31 =	sshll.u32 s1, $0xD;
	s1 =	sshrl.u32 s1, $0x2  }
0xba: {  	s3 =	sand.u32 $0x4000, s31;
	s1 =	sadd.s32 s1, s30  }
0xbb: {  	s0 =	sor.u32 s3, s0;
	s1 =	sshll.u32 s1, $0x11  }
0xbc: {  	s0 =	sor.u32 s1, s0  }
0xbd: {  	s0 =	sadd.s32 $0x8F2B, s0  }
0xbe: {  	[sflag:s0] =	ssyncadd.remote.s32 $0x1  }
0xbf: {  	_ =	sfence.sel $0xFFFF  }
0xc0: {  	[dreg:$0x0] =	wrdreg $0xFFFFFFFF;
	(pc) =	sbr.abs _section_cstart, $3  }
0xc1: {  	[dreg:$0x1] =	wrdreg $0xFFFFFFFF  }
0xc2: {  	_ =	task.clear_ibuf [dreg:s7], $0x2FFFF;
	_ =	strace $0x9FFFFFFF  }
0xc3: {  	(tm) =	ssettm $0x7FFFFFFF  }
tec
execute0_lowered:
.L_overlay_start_1:
0x0: {  	(tag) =	ssettag $0x1  }
0x1: {  	s0 =	rddreg [dreg:$0x0]  }
0x2: {  	s2 =	rddreg [dreg:$0x1]  }
0x3: {  	s3 =	rddreg [dreg:$0x2];
	s1 =	srdreg.scid  }
0x4: {  	s12 =	stileid.u32;
	s4 =	simm.s32 $0x0;
	s28 =	simm.s32 $0x40  }
0x5: {  	s29 =	simm.s32 $0x2;
	s1 =	sand.u32 $0x1, s1;
	s8 =	smul.u32 $0xC800, s12  }
0x6: {  	[smem:$0x7FF] =	sst s4;
	s5 =	sadd.s32 $0x1C00, s0;
	s7 =	smul.u32 $0xC8000, s1  }
0x7: {  	s6 =	sadd.s32 $0x1FC00, s0;
	s10 =	ssub.s32 $0x2, s1;
	s1 =	sshll.u32 s1, $0x4  }
0x8: {  	s11 =	smul.u32 $0x32000, s12;
	s1 =	sor.u32 s12, s1;
	s7 =	sadd.s32 s8, s7  }
0x9: {  	s13 =	sshrl.u32 s10, $0x1;
	s20 =	smul.u32 $0xF00, s1;
	s9 =	sshrl.u32 s7, $0x3  }
0xa: {  	s14 =	sshrl.u32 s11, $0x2;
	s7 =	sadd.s32 $0x24C00, s0;
	s0 =	sadd.s32 s9, s0  }
0xb: {  	s9 =	ssub.s32 s10, s13;
	s10 =	sadd.s32 s14, s3;
	s25 =	sadd.s32 s5, s20  }
0xc: {  	_ =	strace $0x8000004A;
	s15 =	sadd.s32 $0x1400, s10;
	[dreg:$0xd] =	wrdreg s25  }
0xd: {  	s30 =	simm.s32 $0x580;
	s16 =	sadd.s32 $0x2800, s10;
	[dreg:$0x4] =	wrdreg s15  }
0xe: {  	s31 =	simm.s32 $0x100;
	s17 =	sadd.s32 $0x3C00, s10;
	[dreg:$0x5] =	wrdreg s16  }
0xf: {  	s11 =	simm.s32 $0x4;
	s18 =	sadd.s32 $0x5000, s10;
	[dreg:$0x6] =	wrdreg s17  }
0x10: {  	s12 =	simm.s32 $0x4580;
	s19 =	sadd.s32 $0x6400, s10;
	[dreg:$0x7] =	wrdreg s18  }
0x11: {  	s8 =	sadd.s32 s8, s3;
	s21 =	sadd.s32 $0x7800, s10;
	[dreg:$0x8] =	wrdreg s19  }
0x12: {  	s13 =	simm.s32 $0x0;
	s22 =	sadd.s32 $0x8C00, s10;
	[dreg:$0x9] =	wrdreg s21  }
0x13: {  	s23 =	sadd.s32 $0xA000, s10;
	s24 =	sadd.s32 $0xB400, s10;
	[dreg:$0xa] =	wrdreg s22  }
0x14: {  	s0 =	sadd.s32 $0x38C00, s0;
	s26 =	smax.u32 s9, $0x1;
	[dreg:$0xb] =	wrdreg s23  }
.Ltmp0:
0x15: {  	s9 =	simm.s32 $0x2180;
	[dreg:$0xc] =	wrdreg s24;
	(pc) =	sbr.rel .LBB2_1-.Ltmp0, $4  }
0x16: {  	s10 =	simm.s32 $0x3;
	s16 =	smul.u32 $0xA0, s1;
	[dreg:$0xf] =	wrdreg s0  }
0x17: {  	s1 =	sadd.s32 $0x18, s25;
	[dreg:$0x10] =	wrdreg s26;
	s24 =	simm.s32 $0x3180  }
0x18: {  	s25 =	simm.s32 $0x5;
	s26 =	simm.s32 $0x1;
	s0 =	simm.s32 $0xC0  }
0x19: {  	v0 =	vimm.f32 $0.0e+00;
	[dreg:$0xe] =	wrdreg s1;
	s1 =	simm.s32 $0xD80;
	s21 =	sor.u32 $0x1, s16  }
.LBB2_10:
0x1a: {  	s14 =	stileid.u32  }
0x1b: {  	[bflag:$0x0] =	sbarrier.arrive $0xFFFF;
	s14 =	sshll.u32 s14, $0x6  }
0x1c: {  	s15 =	sshrl.u32 s8, $0x3;
	s17 =	rddreg [dreg:$0xf];
	s14 =	sor.u32 $0x1C05, s14  }
0x1d: {  	[hbm:s17], [sflag:s14] =	dma.local [spmem:s15], $0x1900  }
0x1e: {  	_ =	swait.ge [sflag:s25], $0x1900  }
0x1f: {  	s13 =	sadd.s32 $0x1, s13;
	s23 =	rddreg [dreg:$0x10]  }
0x20: {  	p0 =	sne.s32 s13, s23  }
.Ltmp1:
0x21: {  	_ = 	snop;
	(pc) =	sbr.rel @!p0 .LBB2_11-.Ltmp1, $3  }
0x22: {  	_ =	sdelay $0x1  }
0x23: {  	[sflag:s25] =	ssyncset.done $0x0  }
0x24: {  	[sflag:s25] =	ssyncadd.s32 $0xFFFFE700  }
.LBB2_1:
0x25: {  	s15 =	simm.s32 $0x140;
	s14 =	simm.s32 $0x0  }
.LBB2_2:
0x26: {  	p0 =	sne.s32 s15, $0x4EC0;
	[tilespmem:s14+$0x31C0] =	vst v0;
	s17 =	smov.u32 s15;
	s15 =	sadd.s32 $0x140, s15  }
.Ltmp2:
0x27: {  	[tilespmem:s14+$0x31B0] =	vst v0;
	(pc) =	sbr.rel @p0 .LBB2_2-.Ltmp2, $4  }
0x28: {  	[tilespmem:s14+$0x31A0] =	vst v0  }
0x29: {  	[tilespmem:s14+$0x3180] =	vst v0  }
0x2a: {  	[tilespmem:s14+$0x3190] =	vst v0  }
0x2b: {  	s14 =	sshra.s32 s17, $0x2  }
0x2c: {  	[tilespmem:s14+$0x31C0] =	vst v0  }
0x2d: {  	[tilespmem:s14+$0x31B0] =	vst v0  }
0x2e: {  	[tilespmem:s14+$0x31A0] =	vst v0  }
0x2f: {  	[tilespmem:s14+$0x3180] =	vst v0  }
0x30: {  	[tilespmem:s14+$0x3190] =	vst v0  }
0x31: {  	[spmem:s8] =	stream.linear.scatter [tilespmem:s24], [sflag:$0x5], $0x1400, $0x38;
	[tilespmem:$0x12180] =	vst v63  }
0x32: {  	_ =	swait.ge [sflag:s25], $0x1400  }
0x33: {  	[sflag:s25] =	ssyncset.done $0x0  }
0x34: {  	s17 =	rddreg [dreg:$0x4];
	[sflag:s25] =	ssyncadd.s32 $0xFFFFEC00  }
0x35: {  	[spmem:s17] =	stream.linear.scatter [tilespmem:s24], [sflag:$0x5], $0x1400, $0x38;
	[tilespmem:$0x12180] =	vst v63  }
0x36: {  	_ =	swait.ge [sflag:s25], $0x1400  }
0x37: {  	[sflag:s25] =	ssyncset.done $0x0  }
0x38: {  	s18 =	rddreg [dreg:$0x5];
	[sflag:s25] =	ssyncadd.s32 $0xFFFFEC00  }
0x39: {  	[spmem:s18] =	stream.linear.scatter [tilespmem:s24], [sflag:$0x5], $0x1400, $0x38;
	[tilespmem:$0x12180] =	vst v63  }
0x3a: {  	_ =	swait.ge [sflag:s25], $0x1400  }
0x3b: {  	[sflag:s25] =	ssyncset.done $0x0  }
0x3c: {  	s19 =	rddreg [dreg:$0x6];
	[sflag:s25] =	ssyncadd.s32 $0xFFFFEC00  }
0x3d: {  	[spmem:s19] =	stream.linear.scatter [tilespmem:s24], [sflag:$0x5], $0x1400, $0x38;
	[tilespmem:$0x12180] =	vst v63  }
0x3e: {  	_ =	swait.ge [sflag:s25], $0x1400  }
0x3f: {  	[sflag:s25] =	ssyncset.done $0x0  }
0x40: {  	s20 =	rddreg [dreg:$0x7];
	[sflag:s25] =	ssyncadd.s32 $0xFFFFEC00  }
0x41: {  	[spmem:s20] =	stream.linear.scatter [tilespmem:s24], [sflag:$0x5], $0x1400, $0x38;
	[tilespmem:$0x12180] =	vst v63  }
0x42: {  	_ =	swait.ge [sflag:s25], $0x1400  }
0x43: {  	[sflag:s25] =	ssyncset.done $0x0  }
0x44: {  	s22 =	rddreg [dreg:$0x8];
	[sflag:s25] =	ssyncadd.s32 $0xFFFFEC00  }
0x45: {  	[spmem:s22] =	stream.linear.scatter [tilespmem:s24], [sflag:$0x5], $0x1400, $0x38;
	[tilespmem:$0x12180] =	vst v63  }
0x46: {  	_ =	swait.ge [sflag:s25], $0x1400  }
0x47: {  	[sflag:s25] =	ssyncset.done $0x0  }
0x48: {  	s23 =	rddreg [dreg:$0x9];
	[sflag:s25] =	ssyncadd.s32 $0xFFFFEC00  }
0x49: {  	[spmem:s23] =	stream.linear.scatter [tilespmem:s24], [sflag:$0x5], $0x1400, $0x38;
	[tilespmem:$0x12180] =	vst v63  }
0x4a: {  	_ =	swait.ge [sflag:s25], $0x1400  }
0x4b: {  	[sflag:s25] =	ssyncset.done $0x0  }
0x4c: {  	s15 =	rddreg [dreg:$0xa];
	[sflag:s25] =	ssyncadd.s32 $0xFFFFEC00  }
0x4d: {  	[spmem:s15] =	stream.linear.scatter [tilespmem:s24], [sflag:$0x5], $0x1400, $0x38;
	[tilespmem:$0x12180] =	vst v63  }
0x4e: {  	_ =	swait.ge [sflag:s25], $0x1400  }
0x4f: {  	[sflag:s25] =	ssyncset.done $0x0  }
0x50: {  	s17 =	rddreg [dreg:$0xb];
	[sflag:s25] =	ssyncadd.s32 $0xFFFFEC00  }
0x51: {  	[spmem:s17] =	stream.linear.scatter [tilespmem:s24], [sflag:$0x5], $0x1400, $0x38;
	[tilespmem:$0x12180] =	vst v63  }
0x52: {  	_ =	swait.ge [sflag:s25], $0x1400  }
0x53: {  	[sflag:s25] =	ssyncset.done $0x0  }
0x54: {  	s18 =	rddreg [dreg:$0xc];
	[sflag:s25] =	ssyncadd.s32 $0xFFFFEC00  }
0x55: {  	[spmem:s18] =	stream.linear.scatter [tilespmem:s24], [sflag:$0x5], $0x1400, $0x38;
	[tilespmem:$0x12180] =	vst v63  }
0x56: {  	_ =	swait.ge [sflag:s25], $0x1400  }
0x57: {  	[sflag:s25] =	ssyncset.done $0x0  }
0x58: {  	[sflag:s25] =	ssyncadd.s32 $0xFFFFEC00  }
0x59: {  	[bflag:$0x0] =	sbarrier.arrive $0xFFFF  }
0x5a: {  	s14 =	simm.s32 $0x0;
	s15 =	rddreg [dreg:$0xd]  }
0x5b: {  	[tilespmem:s14], [sflag:$0x1] =	stream.linear.gather [hbm4b:s15+s14], $0xC0, $0x38;
	[tilespmem:$0x12180] =	vst v63  }
0x5c: {  	_ =	swait.ge [sflag:s26], $0xC0  }
0x5d: {  	[sflag:s26] =	ssyncset.done $0x0  }
0x5e: {  	s19 =	simm.s32 $0x180;
	[sflag:s26] =	ssyncadd.s32 $0xFFFFFF40  }
0x5f: {  	[tilespmem:s19], [sflag:$0x3] =	stream.indirect.gather [hbm4b:s2+s28], $0x10, s14, s28, $0xb8;
	[tilespmem:$0x12180] =	vst v63  }
0x60: {  	s20 =	simm.s32 $0x980  }
0x61: {  	[tilespmem:s20], [sflag:$0x3] =	stream.indirect.gather [hbm4b:s6+s28], $0x10, s28, s28, $0xb8;
	[tilespmem:$0x12180] =	vst v63  }
0x62: {  	s22 =	simm.s32 $0x1180  }
0x63: {  	[tilespmem:s22], [sflag:$0x3] =	stream.indirect.gather [hbm4b:s7+s28], $0x40, s14, s28, $0xb8;
	[tilespmem:$0x12180] =	vst v63  }
0x64: {  	s15 =	simm.s32 $0x0;
	s23 =	rddreg [dreg:$0xe]  }
0x65: {  	[tilespmem:s0], [sflag:$0x2] =	stream.linear.gather [hbm4b:s23+s14], $0xC0, $0x38;
	[tilespmem:$0x12180] =	vst v63  }
.LBB2_4:
0x66: {  	_ =	swait.ge [sflag:s29], $0xC0  }
0x67: {  	[sflag:s29] =	ssyncset.done $0x0  }
0x68: {  	[sflag:s29] =	ssyncadd.s32 $0xFFFFFF40  }
0x69: {  	[tilespmem:s30], [sflag:$0x4] =	stream.indirect.gather [hbm4b:s2+s28], $0x10, s0, s28, $0xb8;
	[tilespmem:$0x12180] =	vst v63  }
0x6a: {  	_ = 	snop  }
0x6b: {  	[tilespmem:s1], [sflag:$0x4] =	stream.indirect.gather [hbm4b:s6+s28], $0x10, s31, s28, $0xb8;
	[tilespmem:$0x12180] =	vst v63  }
0x6c: {  	_ = 	snop  }
0x6d: {  	[tilespmem:s9], [sflag:$0x4] =	stream.indirect.gather [hbm4b:s7+s28], $0x40, s0, s28, $0xb8;
	[tilespmem:$0x12180] =	vst v63  }
0x6e: {  	_ =	swait.ge [sflag:s10], $0x400  }
0x6f: {  	[sflag:s10] =	ssyncset.done $0x0  }
0x70: {  	[sflag:s10] =	ssyncadd.s32 $0xFFFFFC00  }
0x71: {  	_ =	swait.ge [sflag:s10], $0x400  }
0x72: {  	[sflag:s10] =	ssyncset.done $0x0  }
0x73: {  	[sflag:s10] =	ssyncadd.s32 $0xFFFFFC00  }
0x74: {  	_ =	swait.ge [sflag:s10], $0x1000  }
0x75: {  	[sflag:s10] =	ssyncset.done $0x0  }
0x76: {  	s17 =	simm.s32 $0x180;
	[sflag:s10] =	ssyncadd.s32 $0xFFFFF000  }
0x77: {  	s18 =	simm.s32 $0x980;
	v1 =	vld [tilespmem:s17+$0x0]  }
0x78: {  	v2 =	vld [tilespmem:s18+$0x0];
	_ =	sdelay $0x4  }
0x79: {  	v1 =	vadd.f32 v2, v1;
	_ =	sdelay $0x1  }
0x7a: {  	v2 =	vmul.f32 $2.000000030e-01, v1  }
0x7b: {  	vm0 =	vge.f32 v1, $0.0e+00  }
0x7c: {  	v1 =	vsel vm0, v1, v2  }
0x7d: {  	v1 =	vmul.f32 $1.442695020e+00, v1;
	_ =	sdelay $0x1  }
0x7e: {  	v2 =	vmov s14;
	(erf) = vpow2.f32 v1  }
0x7f: {  	v1 =	vand.u32 $0x3F, v2  }
0x80: {  	v1 =	vor.u32 $0x80, v1  }
0x81: {  	v1 =	vbroadcast v1, $0x0;
	_ =	sdelay $0x5  }
0x82: {  	s17 =	simm.s32 $0x31A0;
	v1 =	vld.idx.msk [tilespmem:v1+s4+$0x0], $0xffff;
	v2 =	vpop (erf)  }
0x83: {  	s18 =	simm.s32 $0x11A0;
	[tilespmem:s17+$0x20] =	vst v2  }
0x84: {  	v3 =	vld [tilespmem:s18+$0xFFFFFFE0];
	_ =	sdelay $0x2  }
0x85: {  	v1 =	vmul.f32 v1, v2;
	_ =	sdelay $0x1  }
0x86: {  	v2 =	vmul.f32 v1, v3;
	_ =	sdelay $0x1  }
0x87: {  	[tilespmem:s17+$0xFFFFFFE0] =	vst v2  }
0x88: {  	v2 =	vld [tilespmem:s18+$0xFFFFFFF0];
	_ =	sdelay $0x4  }
0x89: {  	v2 =	vmul.f32 v1, v2;
	_ =	sdelay $0x1  }
0x8a: {  	[tilespmem:s17+$0xFFFFFFF0] =	vst v2  }
0x8b: {  	v2 =	vld [tilespmem:s18+$0x0];
	_ =	sdelay $0x4  }
0x8c: {  	v2 =	vmul.f32 v2, v1;
	_ =	sdelay $0x1  }
0x8d: {  	[tilespmem:s17+$0x0] =	vst v2  }
0x8e: {  	v2 =	vld [tilespmem:s18+$0x10];
	_ =	sdelay $0x3  }
0x8f: {  	s19 =	simm.s32 $0x1  }
0x90: {  	v1 =	vmul.f32 v2, v1;
	v2 =	vmov s19  }
0x91: {  	v2 =	vand.u32 $0x3F, v2  }
0x92: {  	[tilespmem:s17+$0x10] =	vst v1;
	v1 =	vor.u32 $0x80, v2  }
0x93: {  	v1 =	vbroadcast v1, $0x0;
	_ =	sdelay $0x2  }
0x94: {  	s20 =	simm.s32 $0x190  }
0x95: {  	s22 =	simm.s32 $0x990;
	v2 =	vld [tilespmem:s20+$0x0]  }
0x96: {  	s23 =	simm.s32 $0x2;
	v3 =	vld [tilespmem:s22+$0x0]  }
.LBB2_5:
0x97: {  	p0 =	sne.s32 s23, $0x3F;
	v1 =	vld.idx.msk [tilespmem:v1+s4+$0x0], $0xffff;
	_ =	sdelay $0x3  }
0x98: {  	v2 =	vadd.f32 v3, v2;
	_ =	sdelay $0x1  }
0x99: {  	v3 =	vmul.f32 $2.000000030e-01, v2  }
0x9a: {  	vm0 =	vge.f32 v2, $0.0e+00  }
0x9b: {  	v2 =	vsel vm0, v2, v3  }
0x9c: {  	v2 =	vmul.f32 $1.442695020e+00, v2;
	_ =	sdelay $0x1  }
0x9d: {  	(erf) = vpow2.f32 v2;
	_ =	sdelay $0x8  }
0x9e: {  	s17 =	sadd.s32 $0x50, s17;
	v2 =	vpop (erf)  }
0x9f: {  	s18 =	sadd.s32 $0x40, s18;
	[tilespmem:s17+$0x20] =	vst v2  }
0xa0: {  	v3 =	vld [tilespmem:s18+$0xFFFFFFE0];
	_ =	sdelay $0x2  }
0xa1: {  	v2 =	vmul.f32 v1, v2;
	_ =	sdelay $0x1  }
0xa2: {  	v1 =	vmul.f32 v2, v3;
	_ =	sdelay $0x1  }
0xa3: {  	[tilespmem:s17+$0xFFFFFFE0] =	vst v1  }
0xa4: {  	v1 =	vld [tilespmem:s18+$0xFFFFFFF0];
	_ =	sdelay $0x4  }
0xa5: {  	v1 =	vmul.f32 v2, v1;
	_ =	sdelay $0x1  }
0xa6: {  	[tilespmem:s17+$0xFFFFFFF0] =	vst v1  }
0xa7: {  	v1 =	vld [tilespmem:s18+$0x0];
	_ =	sdelay $0x4  }
0xa8: {  	v1 =	vmul.f32 v1, v2;
	_ =	sdelay $0x1  }
0xa9: {  	[tilespmem:s17+$0x0] =	vst v1  }
0xaa: {  	v3 =	vld [tilespmem:s18+$0x10]  }
0xab: {  	v1 =	vmov s23  }
0xac: {  	v1 =	vand.u32 $0x3F, v1  }
0xad: {  	v1 =	vor.u32 $0x80, v1  }
0xae: {  	v1 =	vbroadcast v1, $0x0  }
.Ltmp3:
0xaf: {  	v2 =	vmul.f32 v3, v2;
	(pc) =	sbr.rel @p0 .LBB2_5-.Ltmp3, $4  }
0xb0: {  	_ = 	snop  }
0xb1: {  	s20 =	sadd.s32 $0x10, s20;
	[tilespmem:s17+$0x10] =	vst v2  }
0xb2: {  	s22 =	sadd.s32 $0x10, s22;
	v2 =	vld [tilespmem:s20+$0x0]  }
0xb3: {  	s23 =	sadd.s32 $0x1, s23;
	v3 =	vld [tilespmem:s22+$0x0]  }
0xb4: {  	_ =	sdelay $0x3  }
0xb5: {  	v2 =	vadd.f32 v3, v2;
	_ =	sdelay $0x1  }
0xb6: {  	v3 =	vmul.f32 $2.000000030e-01, v2  }
0xb7: {  	vm0 =	vge.f32 v2, $0.0e+00  }
0xb8: {  	v2 =	vsel vm0, v2, v3  }
0xb9: {  	v2 =	vmul.f32 $1.442695020e+00, v2;
	_ =	sdelay $0x1  }
0xba: {  	(erf) = vpow2.f32 v2;
	_ =	sdelay $0x8  }
0xbb: {  	v1 =	vld.idx.msk [tilespmem:v1+s4+$0x0], $0xffff;
	s19 =	sadd.s32 $0x50, s17;
	v2 =	vpop (erf)  }
0xbc: {  	s18 =	sadd.s32 $0x40, s18;
	[tilespmem:s19+$0x20] =	vst v2  }
0xbd: {  	v3 =	vld [tilespmem:s18+$0xFFFFFFE0];
	_ =	sdelay $0x2  }
0xbe: {  	v1 =	vmul.f32 v1, v2;
	_ =	sdelay $0x1  }
0xbf: {  	v2 =	vmul.f32 v1, v3;
	_ =	sdelay $0x1  }
0xc0: {  	[tilespmem:s19+$0xFFFFFFE0] =	vst v2  }
0xc1: {  	v2 =	vld [tilespmem:s18+$0xFFFFFFF0];
	_ =	sdelay $0x4  }
0xc2: {  	v2 =	vmul.f32 v1, v2;
	_ =	sdelay $0x1  }
0xc3: {  	[tilespmem:s19+$0xFFFFFFF0] =	vst v2  }
0xc4: {  	v2 =	vld [tilespmem:s18+$0x0];
	_ =	sdelay $0x4  }
0xc5: {  	v2 =	vmul.f32 v2, v1;
	_ =	sdelay $0x1  }
0xc6: {  	[tilespmem:s19+$0x0] =	vst v2  }
0xc7: {  	v2 =	vld [tilespmem:s18+$0x10];
	_ =	sdelay $0x4  }
0xc8: {  	s17 =	sshll.u32 s15, $0x1;
	p0 =	seq.s32 s15, $0x4F;
	v1 =	vmul.f32 v2, v1  }
0xc9: {  	s18 =	sadd.s32 @!p0 s16, s17  }
0xca: {  	s18 =	smul.u32 @!p0 $0xC0, s18;
	[tilespmem:s19+$0x10] =	vst v1  }
0xcb: {  	[spmem:s3] =	stream.indirect.scatter.add.f32 [tilespmem:s24], [sflag:$0x5], $0x50, s28, s28, $0xb8;
	[tilespmem:$0x12180] =	vst v63  }
0xcc: {  	s18 =	sshrl.u32 @!p0 s18, $0x3;
	_ =	swait.ge [sflag:s25], $0x1400  }
0xcd: {  	s18 =	sadd.s32 @!p0 s5, s18;
	[sflag:s25] =	ssyncset.done $0x0  }
0xce: {  	s18 =	sadd.s32 @!p0 $0x30, s18;
	s19 =	simm.s32 @!p0 $0x0;
	[sflag:s25] =	ssyncadd.s32 $0xFFFFEC00  }
0xcf: {  	[tilespmem:s19], [sflag:$0x1] =	stream.linear.gather @!p0 [hbm4b:s18+s19], $0xC0, $0x38;
	[tilespmem:$0x12180] =	vst v63  }
0xd0: {  	s18 =	simm.s32 @!p0 $0x1  }
0xd1: {  	_ =	swait.ge @!p0 [sflag:s18], $0xC0  }
0xd2: {  	[sflag:s18] =	ssyncset.done @!p0 $0x0  }
0xd3: {  	s20 =	simm.s32 @!p0 $0x180;
	[sflag:s18] =	ssyncadd.s32 @!p0 $0xFFFFFF40;
	s18 =	simm.s32 @!p0 $0x40  }
0xd4: {  	[tilespmem:s20], [sflag:$0x3] =	stream.indirect.gather @!p0 [hbm4b:s2+s18], $0x10, s19, s18, $0xb8;
	[tilespmem:$0x12180] =	vst v63  }
0xd5: {  	s20 =	simm.s32 @!p0 $0x980  }
0xd6: {  	[tilespmem:s20], [sflag:$0x3] =	stream.indirect.gather @!p0 [hbm4b:s6+s18], $0x10, s18, s18, $0xb8;
	[tilespmem:$0x12180] =	vst v63  }
0xd7: {  	s20 =	simm.s32 @!p0 $0x1180  }
0xd8: {  	[tilespmem:s20], [sflag:$0x3] =	stream.indirect.gather @!p0 [hbm4b:s7+s18], $0x40, s19, s18, $0xb8;
	[tilespmem:$0x12180] =	vst v63  }
0xd9: {  	_ =	swait.ge [sflag:s11], $0x400  }
0xda: {  	[sflag:s11] =	ssyncset.done $0x0  }
0xdb: {  	[sflag:s11] =	ssyncadd.s32 $0xFFFFFC00  }
0xdc: {  	_ =	swait.ge [sflag:s11], $0x400  }
0xdd: {  	[sflag:s11] =	ssyncset.done $0x0  }
0xde: {  	[sflag:s11] =	ssyncadd.s32 $0xFFFFFC00  }
0xdf: {  	_ =	swait.ge [sflag:s11], $0x1000  }
0xe0: {  	[sflag:s11] =	ssyncset.done $0x0  }
0xe1: {  	s19 =	simm.s32 $0x580;
	[sflag:s11] =	ssyncadd.s32 $0xFFFFF000  }
0xe2: {  	s20 =	simm.s32 $0xD80;
	v1 =	vld [tilespmem:s19+$0x0]  }
0xe3: {  	v2 =	vld [tilespmem:s20+$0x0];
	_ =	sdelay $0x4  }
0xe4: {  	v1 =	vadd.f32 v2, v1;
	_ =	sdelay $0x1  }
0xe5: {  	v2 =	vmul.f32 $2.000000030e-01, v1  }
0xe6: {  	vm15 =	vge.f32 v1, $0.0e+00  }
0xe7: {  	v1 =	vsel vm15, v1, v2  }
0xe8: {  	v1 =	vmul.f32 $1.442695020e+00, v1  }
0xe9: {  	s22 =	simm.s32 $0x0  }
0xea: {  	v2 =	vmov s22;
	(erf) = vpow2.f32 v1  }
0xeb: {  	v1 =	vand.u32 $0x3F, v2  }
0xec: {  	v1 =	vor.u32 $0x80, v1  }
0xed: {  	v1 =	vbroadcast v1, $0x0;
	_ =	sdelay $0x5  }
0xee: {  	s18 =	simm.s32 $0x45A0;
	v1 =	vld.idx.msk [tilespmem:v1+s0+$0x0], $0xffff;
	v2 =	vpop (erf)  }
0xef: {  	s20 =	simm.s32 $0x21A0;
	[tilespmem:s18+$0x20] =	vst v2  }
0xf0: {  	v3 =	vld [tilespmem:s20+$0xFFFFFFE0];
	_ =	sdelay $0x2  }
0xf1: {  	v1 =	vmul.f32 v1, v2;
	_ =	sdelay $0x1  }
0xf2: {  	v2 =	vmul.f32 v1, v3;
	_ =	sdelay $0x1  }
0xf3: {  	[tilespmem:s18+$0xFFFFFFE0] =	vst v2  }
0xf4: {  	v2 =	vld [tilespmem:s20+$0xFFFFFFF0];
	_ =	sdelay $0x4  }
0xf5: {  	v2 =	vmul.f32 v1, v2;
	_ =	sdelay $0x1  }
0xf6: {  	[tilespmem:s18+$0xFFFFFFF0] =	vst v2  }
0xf7: {  	v2 =	vld [tilespmem:s20+$0x0];
	_ =	sdelay $0x4  }
0xf8: {  	v2 =	vmul.f32 v2, v1;
	_ =	sdelay $0x1  }
0xf9: {  	[tilespmem:s18+$0x0] =	vst v2  }
0xfa: {  	v2 =	vld [tilespmem:s20+$0x10];
	_ =	sdelay $0x3  }
0xfb: {  	s23 =	simm.s32 $0x1  }
0xfc: {  	v1 =	vmul.f32 v2, v1;
	v2 =	vmov s23  }
0xfd: {  	v2 =	vand.u32 $0x3F, v2  }
0xfe: {  	[tilespmem:s18+$0x10] =	vst v1;
	v1 =	vor.u32 $0x80, v2  }
0xff: {  	v1 =	vbroadcast v1, $0x0;
	_ =	sdelay $0x2  }
0x100: {  	s22 =	simm.s32 $0x590  }
0x101: {  	s23 =	simm.s32 $0xD90;
	v2 =	vld [tilespmem:s22+$0x0]  }
0x102: {  	s19 =	simm.s32 $0x2;
	v3 =	vld [tilespmem:s23+$0x0]  }
.LBB2_7:
0x103: {  	p1 =	sne.s32 s19, $0x3F;
	v1 =	vld.idx.msk [tilespmem:v1+s0+$0x0], $0xffff;
	_ =	sdelay $0x3  }
0x104: {  	v2 =	vadd.f32 v3, v2;
	_ =	sdelay $0x1  }
0x105: {  	v3 =	vmul.f32 $2.000000030e-01, v2  }
0x106: {  	vm0 =	vge.f32 v2, $0.0e+00  }
0x107: {  	v2 =	vsel vm0, v2, v3  }
0x108: {  	v2 =	vmul.f32 $1.442695020e+00, v2;
	_ =	sdelay $0x1  }
0x109: {  	(erf) = vpow2.f32 v2;
	_ =	sdelay $0x8  }
0x10a: {  	s18 =	sadd.s32 $0x50, s18;
	v2 =	vpop (erf)  }
0x10b: {  	s20 =	sadd.s32 $0x40, s20;
	[tilespmem:s18+$0x20] =	vst v2  }
0x10c: {  	v3 =	vld [tilespmem:s20+$0xFFFFFFE0];
	_ =	sdelay $0x2  }
0x10d: {  	v2 =	vmul.f32 v1, v2;
	_ =	sdelay $0x1  }
0x10e: {  	v1 =	vmul.f32 v2, v3;
	_ =	sdelay $0x1  }
0x10f: {  	[tilespmem:s18+$0xFFFFFFE0] =	vst v1  }
0x110: {  	v1 =	vld [tilespmem:s20+$0xFFFFFFF0];
	_ =	sdelay $0x4  }
0x111: {  	v1 =	vmul.f32 v2, v1;
	_ =	sdelay $0x1  }
0x112: {  	[tilespmem:s18+$0xFFFFFFF0] =	vst v1  }
0x113: {  	v1 =	vld [tilespmem:s20+$0x0];
	_ =	sdelay $0x4  }
0x114: {  	v1 =	vmul.f32 v1, v2;
	_ =	sdelay $0x1  }
0x115: {  	[tilespmem:s18+$0x0] =	vst v1  }
0x116: {  	v3 =	vld [tilespmem:s20+$0x10]  }
0x117: {  	v1 =	vmov s19  }
0x118: {  	v1 =	vand.u32 $0x3F, v1  }
0x119: {  	v1 =	vor.u32 $0x80, v1  }
0x11a: {  	v1 =	vbroadcast v1, $0x0  }
.Ltmp4:
0x11b: {  	v2 =	vmul.f32 v3, v2;
	(pc) =	sbr.rel @p1 .LBB2_7-.Ltmp4, $4  }
0x11c: {  	_ = 	snop  }
0x11d: {  	s22 =	sadd.s32 $0x10, s22;
	[tilespmem:s18+$0x10] =	vst v2  }
0x11e: {  	s23 =	sadd.s32 $0x10, s23;
	v2 =	vld [tilespmem:s22+$0x0]  }
0x11f: {  	s19 =	sadd.s32 $0x1, s19;
	v3 =	vld [tilespmem:s23+$0x0]  }
0x120: {  	_ =	sdelay $0x3  }
0x121: {  	v2 =	vadd.f32 v3, v2;
	_ =	sdelay $0x1  }
0x122: {  	v3 =	vmul.f32 $2.000000030e-01, v2  }
0x123: {  	vm0 =	vge.f32 v2, $0.0e+00  }
0x124: {  	v2 =	vsel vm0, v2, v3  }
0x125: {  	v2 =	vmul.f32 $1.442695020e+00, v2;
	_ =	sdelay $0x1  }
0x126: {  	(erf) = vpow2.f32 v2;
	_ =	sdelay $0x8  }
0x127: {  	v1 =	vld.idx.msk [tilespmem:v1+s0+$0x0], $0xffff;
	s18 =	sadd.s32 $0x50, s18;
	v2 =	vpop (erf)  }
0x128: {  	s19 =	sadd.s32 $0x40, s20;
	[tilespmem:s18+$0x20] =	vst v2  }
0x129: {  	v3 =	vld [tilespmem:s19+$0xFFFFFFE0];
	_ =	sdelay $0x2  }
0x12a: {  	v1 =	vmul.f32 v1, v2;
	_ =	sdelay $0x1  }
0x12b: {  	v2 =	vmul.f32 v1, v3;
	_ =	sdelay $0x1  }
0x12c: {  	[tilespmem:s18+$0xFFFFFFE0] =	vst v2  }
0x12d: {  	v2 =	vld [tilespmem:s19+$0xFFFFFFF0];
	_ =	sdelay $0x4  }
0x12e: {  	v2 =	vmul.f32 v1, v2;
	_ =	sdelay $0x1  }
0x12f: {  	[tilespmem:s18+$0xFFFFFFF0] =	vst v2  }
0x130: {  	v2 =	vld [tilespmem:s19+$0x0];
	_ =	sdelay $0x4  }
0x131: {  	v2 =	vmul.f32 v2, v1;
	_ =	sdelay $0x1  }
0x132: {  	[tilespmem:s18+$0x0] =	vst v2  }
0x133: {  	v2 =	vld [tilespmem:s19+$0x10];
	_ =	sdelay $0x4  }
0x134: {  	v1 =	vmul.f32 v2, v1;
	_ =	sdelay $0x1  }
.Ltmp5:
0x135: {  	[tilespmem:s18+$0x10] =	vst v1;
	(pc) =	sbr.rel @p0 .LBB2_10-.Ltmp5, $4  }
0x136: {  	[spmem:s3] =	stream.indirect.scatter.add.f32 [tilespmem:s12], [sflag:$0x5], $0x50, s31, s28, $0xb8;
	[tilespmem:$0x12180] =	vst v63  }
0x137: {  	_ =	swait.ge [sflag:s25], $0x1400  }
0x138: {  	[sflag:s25] =	ssyncset.done $0x0  }
0x139: {  	[sflag:s25] =	ssyncadd.s32 $0xFFFFEC00  }
0x13a: {  	s17 =	sadd.s32 s17, s21  }
0x13b: {  	s17 =	smul.u32 $0xC0, s17  }
.Ltmp6:
0x13c: {  	_ = 	snop;
	(pc) =	sbr.rel .LBB2_4-.Ltmp6, $4  }
0x13d: {  	s17 =	sshrl.u32 s17, $0x3  }
0x13e: {  	s17 =	sadd.s32 s5, s17  }
0x13f: {  	s15 =	sadd.s32 $0x1, s15;
	s17 =	sadd.s32 $0x30, s17  }
0x140: {  	[tilespmem:s0], [sflag:$0x2] =	stream.linear.gather [hbm4b:s17+s4], $0xC0, $0x38;
	[tilespmem:$0x12180] =	vst v63  }
.LBB2_11:
0x141: {  	_ =	sfence.sel $0x180000  }
0x142: {  	[bflag:$0x0] =	sbarrier.arrive $0xFFFF  }
0x143: {  	_ =	strace $0x9000004A  }
0x144: {  	s0 =	stileid.u32;
	[bflag:$0x2] =	sbarrier.arrive $0xFFFF  }
0x145: {  	p0 =	sne.s32 s0, $0x0;
	s0 =	rddreg [dreg:$0x3]  }
0x146: {  	s0 =	sadd.s32 @!p0 $0x100000, s0  }
0x147: {  	[sflag:s0] =	ssyncadd.tile.s32 @!p0 $0x1;
	_ =	shalt  }
.Lfunc_end2:
_tile_overlayer_lowered:
.L_overlay_start_2:
0x148: {  	(tag) =	ssettag $0x2  }
0x149: {  	s0 =	rddreg [dreg:$0x0];
	s2 =	stileid.u32  }
0x14a: {  	s1 =	rddreg [dreg:$0x1];
	p0 =	sne.s32 s2, $0x0  }
0x14b: {  	s3 =	rddreg [dreg:$0x2];
	[bflag:$0x3] =	sbarrier.arrive $0xFFFF;
	s2 =	simm.s32 @!p0 $0x1C05  }
0x14c: {  	[timem:s3], [sflag:s2] =	dma.local @!p0 [hbm:s0], s1  }
0x14d: {  	s0 =	simm.s32 @!p0 $0x5  }
0x14e: {  	_ =	swait.ge @!p0 [sflag:s0], s1  }
0x14f: {  	s1 =	ssub.s32 @!p0 $0x0, s1;
	[sflag:s0] =	ssyncset.done @!p0 $0x0  }
0x150: {  	[sflag:s0] =	ssyncadd.s32 @!p0 s1  }
0x151: {  	[bflag:$0x3] =	sbarrier.arrive $0xFFFF  }
0x152: {  	_ =	shalt  }

// kernel: kernel.7.cloned.1.call-start
scs
__scs_entry_jumppad:
0x0: {  	(pc) =	sbr.rel $0x88, $3  }
0x1: {  	(tag) =	ssettag $0x0;
	lr =	simm.s32 $0x1  }
0x2: {  	[smem:$0x3F96] =	sst lr;
	_ =	strace $0xD0000000  }
0x3: {  	_ = 	snop  }
0x4: {  	_ = 	snop  }
0x5: {  	_ = 	snop  }
0x6: {  	_ = 	snop  }
0x7: {  	_ = 	snop  }
__scs_overlays_trampoline_lowered:
0x8: {  	[smem:$0x3FA5] =	sst s0  }
0x9: {  	[smem:$0x3FA6] =	sst s1  }
0xa: {  	[smem:$0x3FA7] =	sst s2  }
0xb: {  	[smem:$0x3FA8] =	sst s3  }
0xc: {  	[smem:$0x3FA9] =	sst s4  }
0xd: {  	[smem:$0x3FAA] =	sst s5  }
0xe: {  	[smem:$0x3FAB] =	sst s6  }
0xf: {  	[smem:$0x3FAC] =	sst s7  }
0x10: {  	[smem:$0x3FAD] =	sst s8  }
0x11: {  	[smem:$0x3FAE] =	sst s9;
	s0 =	simm.s32 @!p0 $0x0  }
0x12: {  	s1 =	sld [smem:$0x3F94];
	s0 =	simm.s32 @p0 $0x1  }
0x13: {  	[smem:$0x3FAF] =	sst s0;
	s0 =	simm.s32 @!p1 $0x0  }
0x14: {  	s2 =	sld [smem:$0x3F93];
	s0 =	simm.s32 @p1 $0x1  }
0x15: {  	[smem:$0x3FB0] =	sst s0;
	s0 =	simm.s32 @!p2 $0x0  }
0x16: {  	s3 =	sld [smem:$0x3FDB];
	s0 =	simm.s32 @p2 $0x1  }
0x17: {  	s4 =	simm.s32 $0x1BF5;
	[smem:$0x3FB2] =	sst s0  }
0x18: {  	s0 =	sld [smem:$0x3F95];
	_ =	swait.ge [sflag:s4], $0x0  }
0x19: {  	s7 =	sld [smem:$0x3F96]  }
0x1a: {  	s8 =	sadd.s32 $0xFFFFE003, lr  }
0x1b: {  	s9 =	sadd.s32 $0xFFFFFEF7, lr;
	s5 =	simm.s32 $0xFFFFFFFF;
	p2 =	slt.u32 s8, $0xFFFFF086  }
0x1c: {  	p1 =	slt.u32 s9, $0xF7A;
	s5 =	simm.s32 @!p2 $0x0  }
0x1d: {  	s5 =	simm.s32 @p1 $0x1;
	p0 =	seq.s32 s7, s2  }
0x1e: {  	s7 =	smul.u32 @!p0 $0xF7A, s2;
	p2 =	seq.s32 @!p0 s5, $0x0  }
0x1f: {  	s9 =	smul.u32 $0xF7A, s1;
	s8 =	simm.s32 @!p0 $0x1BF5;
	p2 =	por !p2, p0  }
0x20: {  	[sflag:s8] =	ssyncset.s32 @!p0 $0xFFFFF086;
	s6 =	sadd.s32 @!p0 s3, s7;
	s7 =	simm.s32 @!p0 $0x108  }
0x21: {  	s3 =	sadd.s32 s3, s9;
	s6 =	sadd.s32 @!p0 $0x88, s6;
	s7 =	simm.s32 @p2 $0x1082  }
0x22: {  	[simem:s7], [sflag:s8] =	dma.local @!p0 [hbm:s6], $0xF7A  }
0x23: {  	s9 =	sor.u32 $0xD0000000, s2;
	s6 =	simm.s32 $0x108;
	_ =	swait.ge @!p0 [sflag:s8], $0x0  }
0x24: {  	s3 =	sadd.s32 $0x88, s3;
	s6 =	simm.s32 @!p1 $0x1082;
	[sflag:s4] =	ssyncset.s32 $0xFFFFF086  }
0x25: {  	[simem:s6], [sflag:s4] =	dma.local [hbm:s3], $0xF7A  }
0x26: {  	[smem:$0x3F96] =	sst s1;
	(tag) =	ssettag s2;
	_ =	strace s9  }
0x27: {  	s1 =	sld [smem:$0x3FA6]  }
0x28: {  	s2 =	sld [smem:$0x3FA7]  }
0x29: {  	s4 =	sld [smem:$0x3FA9]  }
0x2a: {  	p0 =	seq.s32 s5, $0x0;
	s5 =	sld [smem:$0x3FAA]  }
0x2b: {  	s6 =	sld [smem:$0x3FAB]  }
0x2c: {  	s7 =	sld [smem:$0x3FAC]  }
0x2d: {  	s3 =	simm.s32 $0x108;
	s8 =	sld [smem:$0x3FAD]  }
0x2e: {  	s3 =	simm.s32 @!p0 $0x1082;
	s9 =	sld [smem:$0x3FAE]  }
0x2f: {  	lr =	sadd.s32 s0, s3;
	s0 =	sld [smem:$0x3FA5]  }
0x30: {  	s3 =	sld [smem:$0x3FA8]  }
0x31: {  	[smem:$0x3FB1] =	sst s10  }
0x32: {  	s10 =	sld [smem:$0x3FAF];
	_ =	sdelay $0x3  }
0x33: {  	p0 =	seq.s32 s10, $0x1;
	s10 =	sld [smem:$0x3FB1];
	_ =	sdelay $0x3  }
0x34: {  	[smem:$0x3FB1] =	sst s10  }
0x35: {  	s10 =	sld [smem:$0x3FB0];
	_ =	sdelay $0x3  }
0x36: {  	p1 =	seq.s32 s10, $0x1;
	s10 =	sld [smem:$0x3FB1];
	_ =	sdelay $0x3  }
0x37: {  	[smem:$0x3FB1] =	sst s10  }
0x38: {  	s10 =	sld [smem:$0x3FB2]  }
0x39: {  	_ = 	snop;
	(pc) =	sbr.ind lr, $3  }
0x3a: {  	_ = 	snop  }
0x3b: {  	_ = 	snop  }
0x3c: {  	p2 =	seq.s32 s10, $0x1;
	s10 =	sld [smem:$0x3FB1]  }
0x3d: {  	_ =	shalt  }
0x3e: {  	_ =	shalt  }
0x3f: {  	_ =	shalt  }
0x40: {  	_ =	shalt  }
0x41: {  	_ =	shalt  }
0x42: {  	_ =	shalt  }
0x43: {  	_ =	shalt  }
0x44: {  	_ =	shalt  }
0x45: {  	_ =	shalt  }
0x46: {  	_ =	shalt  }
0x47: {  	_ =	shalt  }
0x48: {  	_ =	shalt  }
0x49: {  	_ =	shalt  }
0x4a: {  	_ =	shalt  }
0x4b: {  	_ =	shalt  }
0x4c: {  	_ =	shalt  }
0x4d: {  	_ =	shalt  }
0x4e: {  	_ =	shalt  }
0x4f: {  	_ =	shalt  }
0x50: {  	_ =	shalt  }
0x51: {  	_ =	shalt  }
0x52: {  	_ =	shalt  }
0x53: {  	_ =	shalt  }
0x54: {  	_ =	shalt  }
0x55: {  	_ =	shalt  }
0x56: {  	_ =	shalt  }
0x57: {  	_ =	shalt  }
0x58: {  	_ =	shalt  }
0x59: {  	_ =	shalt  }
0x5a: {  	_ =	shalt  }
0x5b: {  	_ =	shalt  }
0x5c: {  	_ =	shalt  }
0x5d: {  	_ =	shalt  }
0x5e: {  	_ =	shalt  }
0x5f: {  	_ =	shalt  }
0x60: {  	_ =	shalt  }
0x61: {  	_ =	shalt  }
0x62: {  	_ =	shalt  }
0x63: {  	_ =	shalt  }
0x64: {  	_ =	shalt  }
0x65: {  	_ =	shalt  }
0x66: {  	_ =	shalt  }
0x67: {  	_ =	shalt  }
0x68: {  	_ =	shalt  }
0x69: {  	_ =	shalt  }
0x6a: {  	_ =	shalt  }
0x6b: {  	_ =	shalt  }
0x6c: {  	_ =	shalt  }
0x6d: {  	_ =	shalt  }
0x6e: {  	_ =	shalt  }
0x6f: {  	_ =	shalt  }
0x70: {  	_ =	shalt  }
0x71: {  	_ =	shalt  }
0x72: {  	_ =	shalt  }
0x73: {  	_ =	shalt  }
0x74: {  	_ =	shalt  }
0x75: {  	_ =	shalt  }
0x76: {  	_ =	shalt  }
0x77: {  	_ =	shalt  }
0x78: {  	_ =	shalt  }
0x79: {  	_ =	shalt  }
0x7a: {  	_ =	shalt  }
0x7b: {  	_ =	shalt  }
0x7c: {  	_ =	shalt  }
0x7d: {  	_ =	shalt  }
0x7e: {  	_ =	shalt  }
0x7f: {  	_ =	shalt  }
0x80: {  	_ =	shalt  }
0x81: {  	_ =	shalt  }
0x82: {  	_ =	shalt  }
0x83: {  	_ =	shalt  }
0x84: {  	_ =	shalt  }
0x85: {  	_ =	shalt  }
0x86: {  	_ =	shalt  }
0x87: {  	_ =	shalt  }
.Lfunc_end0:
.L_simem_size_0:
called_computation_lowered:
.L_overlay_start_0:
0x88: {  	s2 =	sld [smem:$0x3FD9]  }
0x89: {  	s3 =	sld [smem:$0x3FFE];
	_ =	sdelay $0x1  }
0x8a: {  	s1 =	srdreg.scid  }
0x8b: {  	s0 =	sand.u32 $0x1, s1  }
0x8c: {  	s17 =	sshll.u32 s0, $0xA;
	s2 =	sadd.s32 s3, s2  }
0x8d: {  	s2 =	sadd.s32 s2, s17  }
0x8e: {  	[smem:$0x3FBD] =	sst s2  }
0x8f: {  	_ = 	snop  }
0x90: {  	s2 =	sld [smem:$0x3FD0];
	(tm) =	ssettm $0x1  }
0x91: {  	s18 =	sld [smem:$0x3FFB];
	_ =	sdelay $0x3  }
0x92: {  	_ =	strace s18  }
0x93: {  	s3 =	sld [smem:$0x3FFC];
	_ =	sdelay $0x3  }
0x94: {  	_ =	strace s3  }
0x95: {  	s3 =	sld [smem:$0x3FFD];
	_ =	sdelay $0x3  }
0x96: {  	_ =	strace s3  }
0x97: {  	_ =	strace $0x8FFFFFFF  }
0x98: {  	s19 =	sld [smem:$0x3FDB];
	_ =	sdelay $0x1  }
0x99: {  	s4 =	simm.s32 $_scs_section_size  }
0x9a: {  	s5 =	simm.s32 $_size__tile_overlayer_lowered;
	s6 =	simm.s32 $_tile_overlayer_lowered  }
0x9b: {  	s22 =	simm.s32 $0x1BFF;
	s21 =	sshll.u32 s6, $0x1;
	s3 =	sadd.s32 s4, s19  }
0x9c: {  	s7 =	simm.s32 $0x0;
	s20 =	sshll.u32 s5, $0x1;
	s5 =	sadd.s32 s21, s3  }
0x9d: {  	[timem:s7], [sflag:s22] =	dma.local [hbm:s5], s20  }
0x9e: {  	_ =	swait.ge [sflag:s22], s20  }
0x9f: {  	s4 =	ssub.s32 $0x0, s20;
	[sflag:s22] =	ssyncset.done $0x0  }
0xa0: {  	[sflag:s22] =	ssyncadd.s32 s4;
	_ =	sdelay $0x1  }
0xa1: {  	s23 =	simm.s32 $0x1B8B  }
0xa2: {  	_ =	swait.ge [sflag:s23], $0x1  }
0xa3: {  	[sflag:s23] =	ssyncset.done $0x0  }
0xa4: {  	s25 =	simm.s32 $0x1B8E;
	s24 =	sld [smem:$0x3FFE];
	[sflag:s23] =	ssyncadd.s32 $0xFFFFFFFF  }
0xa5: {  	s26 =	simm.s32 $execute0_lowered;
	[smem:$0x3FD2] =	sst s25  }
0xa6: {  	s5 =	sshll.u32 s26, $0x1;
	_ =	strace $0x80000046;
	[dreg:$0x1] =	wrdreg $0xFFFFFFFF  }
0xa7: {  	s28 =	simm.s32 $_size_execute0_lowered;
	s3 =	sadd.s32 s3, s5;
	[dreg:$0x0] =	wrdreg $0x0  }
0xa8: {  	s5 =	sshll.u32 s28, $0x1;
	[dreg:$0x2] =	wrdreg s3  }
0xa9: {  	[dreg:$0x3] =	wrdreg s5  }
0xaa: {  	[dreg:$0x4] =	wrdreg $0xC0  }
0xab: {  	_ =	task [dreg:s7], $0x5FFFF  }
0xac: {  	[dreg:$0x1] =	wrdreg $0xFFFFFFFF  }
0xad: {  	[dreg:$0x0] =	wrdreg $0x60  }
0xae: {  	[dreg:$0x2] =	wrdreg s24  }
0xaf: {  	[dreg:$0x3] =	wrdreg s2  }
0xb0: {  	[dreg:$0x4] =	wrdreg $0x95800  }
0xb1: {  	[dreg:$0x5] =	wrdreg $0x9  }
0xb2: {  	_ =	task.clear_ibuf [dreg:s7], $0x6FFFF;
	_ =	strace $0x90000046  }
0xb3: {  	s29 =	simm.s32 $0x9;
	_ =	strace $0x80000048  }
0xb4: {  	_ =	swait.ge [sflag:s29], $0x1  }
0xb5: {  	[sflag:s29] =	ssyncadd.s32 $0xFFFFFFFF  }
0xb6: {  	_ =	strace $0x90000048  }
0xb7: {  	_ =	sfence  }
0xb8: {  	s30 =	sld [smem:$0x0];
	_ =	sdelay $0x2  }
0xb9: {  	s31 =	sshll.u32 s1, $0xD;
	s1 =	sshrl.u32 s1, $0x2  }
0xba: {  	s3 =	sand.u32 $0x4000, s31;
	s1 =	sadd.s32 s1, s30  }
0xbb: {  	s0 =	sor.u32 s3, s0;
	s1 =	sshll.u32 s1, $0x11  }
0xbc: {  	s0 =	sor.u32 s1, s0  }
0xbd: {  	s0 =	sadd.s32 $0x8F2B, s0  }
0xbe: {  	[sflag:s0] =	ssyncadd.remote.s32 $0x1  }
0xbf: {  	_ =	sfence.sel $0xFFFF  }
0xc0: {  	[dreg:$0x0] =	wrdreg $0xFFFFFFFF;
	(pc) =	sbr.abs _section_cstart, $3  }
0xc1: {  	[dreg:$0x1] =	wrdreg $0xFFFFFFFF  }
0xc2: {  	_ =	task.clear_ibuf [dreg:s7], $0x2FFFF;
	_ =	strace $0x9FFFFFFF  }
0xc3: {  	(tm) =	ssettm $0x7FFFFFFF  }
tec
execute0_lowered:
.L_overlay_start_1:
0x0: {  	(tag) =	ssettag $0x1  }
0x1: {  	s0 =	rddreg [dreg:$0x0]  }
0x2: {  	s2 =	rddreg [dreg:$0x1]  }
0x3: {  	s3 =	rddreg [dreg:$0x2]  }
0x4: {  	s1 =	srdreg.scid;
	s12 =	stileid.u32  }
0x5: {  	s4 =	simm.s32 $0x0;
	s1 =	sand.u32 $0x1, s1;
	s8 =	smul.u32 $0x15400, s12  }
0x6: {  	[smem:$0x7FF] =	sst s4;
	s5 =	sadd.s32 $0x1C00, s0;
	s11 =	smul.u32 $0x55000, s12  }
0x7: {  	s6 =	sadd.s32 $0x47C00, s0;
	s7 =	smul.u32 $0x154000, s1;
	s10 =	ssub.s32 $0x2, s1  }
0x8: {  	_ =	strace $0x80000047;
	s1 =	sshll.u32 s1, $0x4;
	s26 =	sshrl.u32 s10, $0x1  }
0x9: {  	s13 =	sshrl.u32 s11, $0x2;
	s1 =	sor.u32 s12, s1;
	s7 =	sadd.s32 s8, s7  }
0xa: {  	s17 =	sadd.s32 s8, s3;
	s20 =	smul.u32 $0xF00, s1;
	s9 =	sshrl.u32 s7, $0x3  }
0xb: {  	[dreg:$0x4] =	wrdreg s17;
	s7 =	sadd.s32 $0x1FC00, s0;
	s0 =	sadd.s32 s9, s0  }
0xc: {  	s9 =	ssub.s32 s10, s26;
	s10 =	sadd.s32 s13, s3;
	s25 =	sadd.s32 s5, s20  }
0xd: {  	s14 =	sadd.s32 $0x2200, s10;
	[dreg:$0xe] =	wrdreg s25  }
0xe: {  	s28 =	simm.s32 $0x40;
	s15 =	sadd.s32 $0x4400, s10;
	[dreg:$0x5] =	wrdreg s14  }
0xf: {  	s29 =	simm.s32 $0x2;
	s16 =	sadd.s32 $0x6600, s10;
	[dreg:$0x6] =	wrdreg s15  }
0x10: {  	s30 =	simm.s32 $0x580;
	s18 =	sadd.s32 $0x8800, s10;
	[dreg:$0x7] =	wrdreg s16  }
0x11: {  	s31 =	simm.s32 $0x100;
	s19 =	sadd.s32 $0xAA00, s10;
	[dreg:$0x8] =	wrdreg s18  }
0x12: {  	s11 =	simm.s32 $0x4;
	s21 =	sadd.s32 $0xCC00, s10;
	[dreg:$0x9] =	wrdreg s19  }
0x13: {  	s12 =	simm.s32 $0x7380;
	s22 =	sadd.s32 $0xEE00, s10;
	[dreg:$0xa] =	wrdreg s21  }
0x14: {  	s13 =	simm.s32 $0x0;
	s23 =	sadd.s32 $0x11000, s10;
	[dreg:$0xb] =	wrdreg s22  }
0x15: {  	s24 =	sadd.s32 $0x13200, s10;
	s0 =	sadd.s32 $0x4CC00, s0;
	[dreg:$0xc] =	wrdreg s23  }
.Ltmp0:
0x16: {  	s26 =	smax.u32 s9, $0x1;
	[dreg:$0xd] =	wrdreg s24;
	(pc) =	sbr.rel .LBB2_1-.Ltmp0, $4  }
0x17: {  	s9 =	simm.s32 $0x3180;
	s10 =	simm.s32 $0x3;
	[dreg:$0x10] =	wrdreg s0  }
0x18: {  	v0 =	vimm.f32 $0.0e+00;
	v1 =	vimm.s32 $0x0;
	v2 =	vimm.s32 $0x1;
	s16 =	smul.u32 $0xA0, s1;
	s1 =	sadd.s32 $0x18, s25;
	[dreg:$0x11] =	wrdreg s26  }
0x19: {  	v3 =	vimm.s32 $0x2;
	v4 =	vimm.s32 $0x3;
	v5 =	vimm.s32 $0x4;
	s24 =	simm.s32 $0x5180;
	s25 =	simm.s32 $0x5;
	s0 =	simm.s32 $0xC0  }
0x1a: {  	v6 =	vimm.s32 $0x5;
	v7 =	vimm.s32 $0x6;
	v8 =	vimm.s32 $0x7;
	[dreg:$0xf] =	wrdreg s1;
	s1 =	simm.s32 $0xD80;
	s21 =	sor.u32 $0x1, s16  }
.LBB2_10:
0x1b: {  	s8 =	stileid.u32;
	[bflag:$0x0] =	sbarrier.arrive $0xFFFF  }
0x1c: {  	s8 =	sshll.u32 s8, $0x6;
	s17 =	rddreg [dreg:$0x4]  }
0x1d: {  	s15 =	rddreg [dreg:$0x10];
	s8 =	sor.u32 $0x1C05, s8;
	s14 =	sshrl.u32 s17, $0x3  }
0x1e: {  	[hbm:s15], [sflag:s8] =	dma.local [spmem:s14], $0x2A80  }
0x1f: {  	_ =	swait.ge [sflag:s25], $0x2A80  }
0x20: {  	s13 =	sadd.s32 $0x1, s13;
	s26 =	rddreg [dreg:$0x11]  }
0x21: {  	p0 =	sne.s32 s13, s26  }
.Ltmp1:
0x22: {  	_ = 	snop;
	(pc) =	sbr.rel @!p0 .LBB2_11-.Ltmp1, $3  }
0x23: {  	_ =	sdelay $0x1  }
0x24: {  	[sflag:s25] =	ssyncset.done $0x0  }
0x25: {  	[sflag:s25] =	ssyncadd.s32 $0xFFFFD580  }
.LBB2_1:
0x26: {  	s14 =	simm.s32 $0x0;
	s15 =	simm.s32 $0x220  }
.LBB2_2:
0x27: {  	p0 =	sne.s32 s15, $0x85E0;
	[tilespmem:s14+$0x51F0] =	vst v0  }
0x28: {  	[tilespmem:s14+$0x5180] =	vst v0  }
0x29: {  	[tilespmem:s14+$0x5190] =	vst v0  }
.Ltmp2:
0x2a: {  	[tilespmem:s14+$0x51A0] =	vst v0;
	(pc) =	sbr.rel @p0 .LBB2_2-.Ltmp2, $4  }
0x2b: {  	[tilespmem:s14+$0x51B0] =	vst v0  }
0x2c: {  	[tilespmem:s14+$0x51C0] =	vst v0  }
0x2d: {  	[tilespmem:s14+$0x51D0] =	vst v0  }
0x2e: {  	[tilespmem:s14+$0x51E0] =	vst v0;
	s14 =	sshra.s32 s15, $0x2;
	s15 =	sadd.s32 $0x220, s15  }
0x2f: {  	[tilespmem:s14+$0x51F0] =	vst v0  }
0x30: {  	[tilespmem:s14+$0x5180] =	vst v0  }
0x31: {  	[tilespmem:s14+$0x5190] =	vst v0  }
0x32: {  	[tilespmem:s14+$0x51A0] =	vst v0  }
0x33: {  	[tilespmem:s14+$0x51B0] =	vst v0  }
0x34: {  	[tilespmem:s14+$0x51C0] =	vst v0  }
0x35: {  	[tilespmem:s14+$0x51D0] =	vst v0  }
0x36: {  	[tilespmem:s14+$0x51E0] =	vst v0  }
0x37: {  	[spmem:s17] =	stream.linear.scatter [tilespmem:s24], [sflag:$0x5], $0x2200, $0x38;
	[tilespmem:$0x1E980] =	vst v63  }
0x38: {  	_ =	swait.ge [sflag:s25], $0x2200  }
0x39: {  	[sflag:s25] =	ssyncset.done $0x0  }
0x3a: {  	s8 =	rddreg [dreg:$0x5];
	[sflag:s25] =	ssyncadd.s32 $0xFFFFDE00  }
0x3b: {  	[spmem:s8] =	stream.linear.scatter [tilespmem:s24], [sflag:$0x5], $0x2200, $0x38;
	[tilespmem:$0x1E980] =	vst v63  }
0x3c: {  	_ =	swait.ge [sflag:s25], $0x2200  }
0x3d: {  	[sflag:s25] =	ssyncset.done $0x0  }
0x3e: {  	s19 =	rddreg [dreg:$0x6];
	[sflag:s25] =	ssyncadd.s32 $0xFFFFDE00  }
0x3f: {  	[spmem:s19] =	stream.linear.scatter [tilespmem:s24], [sflag:$0x5], $0x2200, $0x38;
	[tilespmem:$0x1E980] =	vst v63  }
0x40: {  	_ =	swait.ge [sflag:s25], $0x2200  }
0x41: {  	[sflag:s25] =	ssyncset.done $0x0  }
0x42: {  	s20 =	rddreg [dreg:$0x7];
	[sflag:s25] =	ssyncadd.s32 $0xFFFFDE00  }
0x43: {  	[spmem:s20] =	stream.linear.scatter [tilespmem:s24], [sflag:$0x5], $0x2200, $0x38;
	[tilespmem:$0x1E980] =	vst v63  }
0x44: {  	_ =	swait.ge [sflag:s25], $0x2200  }
0x45: {  	[sflag:s25] =	ssyncset.done $0x0  }
0x46: {  	s22 =	rddreg [dreg:$0x8];
	[sflag:s25] =	ssyncadd.s32 $0xFFFFDE00  }
0x47: {  	[spmem:s22] =	stream.linear.scatter [tilespmem:s24], [sflag:$0x5], $0x2200, $0x38;
	[tilespmem:$0x1E980] =	vst v63  }
0x48: {  	_ =	swait.ge [sflag:s25], $0x2200  }
0x49: {  	[sflag:s25] =	ssyncset.done $0x0  }
0x4a: {  	s23 =	rddreg [dreg:$0x9];
	[sflag:s25] =	ssyncadd.s32 $0xFFFFDE00  }
0x4b: {  	[spmem:s23] =	stream.linear.scatter [tilespmem:s24], [sflag:$0x5], $0x2200, $0x38;
	[tilespmem:$0x1E980] =	vst v63  }
0x4c: {  	_ =	swait.ge [sflag:s25], $0x2200  }
0x4d: {  	[sflag:s25] =	ssyncset.done $0x0  }
0x4e: {  	s26 =	rddreg [dreg:$0xa];
	[sflag:s25] =	ssyncadd.s32 $0xFFFFDE00  }
0x4f: {  	[spmem:s26] =	stream.linear.scatter [tilespmem:s24], [sflag:$0x5], $0x2200, $0x38;
	[tilespmem:$0x1E980] =	vst v63  }
0x50: {  	_ =	swait.ge [sflag:s25], $0x2200  }
0x51: {  	[sflag:s25] =	ssyncset.done $0x0  }
0x52: {  	s14 =	rddreg [dreg:$0xb];
	[sflag:s25] =	ssyncadd.s32 $0xFFFFDE00  }
0x53: {  	[spmem:s14] =	stream.linear.scatter [tilespmem:s24], [sflag:$0x5], $0x2200, $0x38;
	[tilespmem:$0x1E980] =	vst v63  }
0x54: {  	_ =	swait.ge [sflag:s25], $0x2200  }
0x55: {  	[sflag:s25] =	ssyncset.done $0x0  }
0x56: {  	s15 =	rddreg [dreg:$0xc];
	[sflag:s25] =	ssyncadd.s32 $0xFFFFDE00  }
0x57: {  	[spmem:s15] =	stream.linear.scatter [tilespmem:s24], [sflag:$0x5], $0x2200, $0x38;
	[tilespmem:$0x1E980] =	vst v63  }
0x58: {  	_ =	swait.ge [sflag:s25], $0x2200  }
0x59: {  	[sflag:s25] =	ssyncset.done $0x0  }
0x5a: {  	s17 =	rddreg [dreg:$0xd];
	[sflag:s25] =	ssyncadd.s32 $0xFFFFDE00  }
0x5b: {  	[spmem:s17] =	stream.linear.scatter [tilespmem:s24], [sflag:$0x5], $0x2200, $0x38;
	[tilespmem:$0x1E980] =	vst v63  }
0x5c: {  	_ =	swait.ge [sflag:s25], $0x2200  }
0x5d: {  	[sflag:s25] =	ssyncset.done $0x0  }
0x5e: {  	[sflag:s25] =	ssyncadd.s32 $0xFFFFDE00  }
0x5f: {  	[bflag:$0x0] =	sbarrier.arrive $0xFFFF  }
0x60: {  	s19 =	simm.s32 $0x1;
	s14 =	simm.s32 $0x0;
	s18 =	rddreg [dreg:$0xe]  }
0x61: {  	[tilespmem:s14], [sflag:$0x1] =	stream.linear.gather [hbm4b:s18+s14], $0xC0, $0x38;
	[tilespmem:$0x1E980] =	vst v63  }
0x62: {  	_ =	swait.ge [sflag:s19], $0xC0  }
0x63: {  	[sflag:s19] =	ssyncset.done $0x0  }
0x64: {  	s20 =	simm.s32 $0x180;
	[sflag:s19] =	ssyncadd.s32 $0xFFFFFF40  }
0x65: {  	[tilespmem:s20], [sflag:$0x3] =	stream.indirect.gather [hbm4b:s2+s28], $0x10, s14, s28, $0xb8;
	[tilespmem:$0x1E980] =	vst v63  }
0x66: {  	s22 =	simm.s32 $0x980  }
0x67: {  	[tilespmem:s22], [sflag:$0x3] =	stream.indirect.gather [hbm4b:s6+s28], $0x10, s28, s28, $0xb8;
	[tilespmem:$0x1E980] =	vst v63  }
0x68: {  	s23 =	simm.s32 $0x1180  }
0x69: {  	[tilespmem:s23], [sflag:$0x3] =	stream.indirect.gather [hbm4b:s7+s28], $0x80, s14, s28, $0xb8;
	[tilespmem:$0x1E980] =	vst v63  }
0x6a: {  	s15 =	simm.s32 $0x0;
	s26 =	rddreg [dreg:$0xf]  }
0x6b: {  	[tilespmem:s0], [sflag:$0x2] =	stream.linear.gather [hbm4b:s26+s14], $0xC0, $0x38;
	[tilespmem:$0x1E980] =	vst v63  }
.LBB2_4:
0x6c: {  	_ =	swait.ge [sflag:s29], $0xC0  }
0x6d: {  	[sflag:s29] =	ssyncset.done $0x0  }
0x6e: {  	[sflag:s29] =	ssyncadd.s32 $0xFFFFFF40  }
0x6f: {  	[tilespmem:s30], [sflag:$0x4] =	stream.indirect.gather [hbm4b:s2+s28], $0x10, s0, s28, $0xb8;
	[tilespmem:$0x1E980] =	vst v63  }
0x70: {  	_ = 	snop  }
0x71: {  	[tilespmem:s1], [sflag:$0x4] =	stream.indirect.gather [hbm4b:s6+s28], $0x10, s31, s28, $0xb8;
	[tilespmem:$0x1E980] =	vst v63  }
0x72: {  	_ = 	snop  }
0x73: {  	[tilespmem:s9], [sflag:$0x4] =	stream.indirect.gather [hbm4b:s7+s28], $0x80, s0, s28, $0xb8;
	[tilespmem:$0x1E980] =	vst v63  }
0x74: {  	_ =	swait.ge [sflag:s10], $0x400  }
0x75: {  	[sflag:s10] =	ssyncset.done $0x0  }
0x76: {  	[sflag:s10] =	ssyncadd.s32 $0xFFFFFC00  }
0x77: {  	_ =	swait.ge [sflag:s10], $0x400  }
0x78: {  	[sflag:s10] =	ssyncset.done $0x0  }
0x79: {  	[sflag:s10] =	ssyncadd.s32 $0xFFFFFC00  }
0x7a: {  	_ =	swait.ge [sflag:s10], $0x2000  }
0x7b: {  	[sflag:s10] =	ssyncset.done $0x0  }
0x7c: {  	s17 =	simm.s32 $0x180;
	[sflag:s10] =	ssyncadd.s32 $0xFFFFE000  }
0x7d: {  	s18 =	simm.s32 $0x980;
	v9 =	vld [tilespmem:s17+$0x0]  }
0x7e: {  	v10 =	vld [tilespmem:s18+$0x0];
	_ =	sdelay $0x4  }
0x7f: {  	v9 =	vadd.f32 v10, v9;
	_ =	sdelay $0x1  }
0x80: {  	v10 =	vmul.f32 $2.000000030e-01, v9  }
0x81: {  	vm0 =	vge.f32 v9, $0.0e+00  }
0x82: {  	v9 =	vsel vm0, v9, v10  }
0x83: {  	v10 =	vmov s14;
	v9 =	vmul.f32 $1.442695020e+00, v9  }
0x84: {  	v10 =	vand.u32 $0x3F, v10  }
0x85: {  	v10 =	vor.u32 $0x80, v10;
	(erf) = vpow2.f32 v9  }
0x86: {  	v9 =	vbroadcast v10, $0x0;
	_ =	sdelay $0x5  }
0x87: {  	v9 =	vld.idx.msk [tilespmem:v9+s4+$0x0], $0xffff;
	_ =	sdelay $0x1  }
0x88: {  	s22 =	simm.s32 $0x51C0;
	v10 =	vpop (erf)  }
0x89: {  	s20 =	simm.s32 $0x11C0;
	[tilespmem:s22+$0x38] =	vst v10  }
0x8a: {  	v11 =	vld [tilespmem:s20+$0xFFFFFFC0]  }
0x8b: {  	v9 =	vmul.f32 v9, v10;
	_ =	sdelay $0x1  }
0x8c: {  	v10 =	vperm.xlane v9, v1;
	_ =	sdelay $0x1  }
0x8d: {  	v10 =	vmul.f32 v10, v11;
	_ =	sdelay $0x1  }
0x8e: {  	[tilespmem:s22+$0xFFFFFFC0] =	vst v10  }
0x8f: {  	v10 =	vld [tilespmem:s20+$0xFFFFFFD0];
	_ =	sdelay $0x2  }
0x90: {  	v11 =	vperm.xlane v9, v2;
	_ =	sdelay $0x1  }
0x91: {  	v10 =	vmul.f32 v11, v10;
	_ =	sdelay $0x1  }
0x92: {  	[tilespmem:s22+$0xFFFFFFD0] =	vst v10  }
0x93: {  	v10 =	vld [tilespmem:s20+$0xFFFFFFE0];
	_ =	sdelay $0x2  }
0x94: {  	v11 =	vperm.xlane v9, v3;
	_ =	sdelay $0x1  }
0x95: {  	v10 =	vmul.f32 v11, v10;
	_ =	sdelay $0x1  }
0x96: {  	[tilespmem:s22+$0xFFFFFFE0] =	vst v10  }
0x97: {  	v10 =	vld [tilespmem:s20+$0xFFFFFFF0];
	_ =	sdelay $0x2  }
0x98: {  	v11 =	vperm.xlane v9, v4;
	_ =	sdelay $0x1  }
0x99: {  	v10 =	vmul.f32 v11, v10;
	_ =	sdelay $0x1  }
0x9a: {  	[tilespmem:s22+$0xFFFFFFF0] =	vst v10  }
0x9b: {  	v10 =	vld [tilespmem:s20+$0x0];
	_ =	sdelay $0x2  }
0x9c: {  	v11 =	vperm.xlane v9, v5;
	_ =	sdelay $0x1  }
0x9d: {  	v10 =	vmul.f32 v11, v10;
	_ =	sdelay $0x1  }
0x9e: {  	[tilespmem:s22+$0x0] =	vst v10  }
0x9f: {  	v10 =	vld [tilespmem:s20+$0x10];
	_ =	sdelay $0x2  }
0xa0: {  	v11 =	vperm.xlane v9, v6;
	_ =	sdelay $0x1  }
0xa1: {  	v10 =	vmul.f32 v11, v10;
	_ =	sdelay $0x1  }
0xa2: {  	[tilespmem:s22+$0x10] =	vst v10  }
0xa3: {  	v10 =	vld [tilespmem:s20+$0x20];
	_ =	sdelay $0x2  }
0xa4: {  	v11 =	vperm.xlane v9, v7;
	_ =	sdelay $0x1  }
0xa5: {  	v10 =	vmul.f32 v11, v10;
	_ =	sdelay $0x1  }
0xa6: {  	[tilespmem:s22+$0x20] =	vst v10  }
0xa7: {  	v10 =	vld [tilespmem:s20+$0x30];
	_ =	sdelay $0x2  }
0xa8: {  	v9 =	vperm.xlane v9, v8;
	_ =	sdelay $0x1  }
0xa9: {  	v9 =	vmul.f32 v9, v10  }
0xaa: {  	s23 =	simm.s32 $0x1;
	s19 =	simm.s32 $0x5248  }
.LBB2_5:
0xab: {  	[tilespmem:s22+$0x30] =	vst v9;
	s17 =	sadd.s32 $0x10, s17;
	s18 =	sadd.s32 $0x10, s18;
	s20 =	sadd.s32 $0x80, s20  }
0xac: {  	p0 =	sne.s32 s23, $0x3F;
	s26 =	smov.u32 s23;
	s23 =	sadd.s32 $0x1, s23;
	v9 =	vld [tilespmem:s17+$0x0]  }
0xad: {  	s22 =	smov.u32 s19;
	v10 =	vld [tilespmem:s18+$0x0];
	_ =	sdelay $0x4  }
0xae: {  	v9 =	vadd.f32 v10, v9;
	_ =	sdelay $0x1  }
0xaf: {  	v11 =	vmov s26;
	v10 =	vmul.f32 $2.000000030e-01, v9  }
0xb0: {  	v11 =	vand.u32 $0x3F, v11;
	vm0 =	vge.f32 v9, $0.0e+00  }
0xb1: {  	v9 =	vsel vm0, v9, v10;
	v10 =	vor.u32 $0x80, v11  }
0xb2: {  	v9 =	vmul.f32 $1.442695020e+00, v9;
	v10 =	vbroadcast v10, $0x0;
	_ =	sdelay $0x1  }
0xb3: {  	(erf) = vpow2.f32 v9;
	_ =	sdelay $0x3  }
0xb4: {  	v9 =	vld.idx.msk [tilespmem:v10+s4+$0x0], $0xffff;
	_ =	sdelay $0x4  }
0xb5: {  	v10 =	vpop (erf)  }
0xb6: {  	v9 =	vmul.f32 v9, v10;
	[tilespmem:s19+$0x38] =	vst v10  }
0xb7: {  	v10 =	vld [tilespmem:s20+$0xFFFFFFC0];
	_ =	sdelay $0x2  }
0xb8: {  	v11 =	vperm.xlane v9, v1;
	_ =	sdelay $0x1  }
0xb9: {  	v10 =	vmul.f32 v11, v10;
	_ =	sdelay $0x1  }
0xba: {  	[tilespmem:s19+$0xFFFFFFC0] =	vst v10  }
0xbb: {  	v10 =	vld [tilespmem:s20+$0xFFFFFFD0];
	_ =	sdelay $0x2  }
0xbc: {  	v11 =	vperm.xlane v9, v2;
	_ =	sdelay $0x1  }
0xbd: {  	v10 =	vmul.f32 v11, v10;
	_ =	sdelay $0x1  }
0xbe: {  	[tilespmem:s19+$0xFFFFFFD0] =	vst v10  }
0xbf: {  	v10 =	vld [tilespmem:s20+$0xFFFFFFE0];
	_ =	sdelay $0x2  }
0xc0: {  	v11 =	vperm.xlane v9, v3;
	_ =	sdelay $0x1  }
0xc1: {  	v10 =	vmul.f32 v11, v10;
	_ =	sdelay $0x1  }
0xc2: {  	[tilespmem:s19+$0xFFFFFFE0] =	vst v10  }
0xc3: {  	v10 =	vld [tilespmem:s20+$0xFFFFFFF0];
	_ =	sdelay $0x2  }
0xc4: {  	v11 =	vperm.xlane v9, v4;
	_ =	sdelay $0x1  }
0xc5: {  	v10 =	vmul.f32 v11, v10;
	_ =	sdelay $0x1  }
0xc6: {  	[tilespmem:s19+$0xFFFFFFF0] =	vst v10  }
0xc7: {  	v10 =	vld [tilespmem:s20+$0x0];
	_ =	sdelay $0x2  }
0xc8: {  	v11 =	vperm.xlane v9, v5;
	_ =	sdelay $0x1  }
0xc9: {  	v10 =	vmul.f32 v11, v10;
	_ =	sdelay $0x1  }
0xca: {  	[tilespmem:s19+$0x0] =	vst v10  }
0xcb: {  	v10 =	vld [tilespmem:s20+$0x10];
	_ =	sdelay $0x2  }
0xcc: {  	v11 =	vperm.xlane v9, v6;
	_ =	sdelay $0x1  }
0xcd: {  	v10 =	vmul.f32 v11, v10;
	_ =	sdelay $0x1  }
0xce: {  	[tilespmem:s19+$0x10] =	vst v10  }
0xcf: {  	v10 =	vld [tilespmem:s20+$0x20];
	_ =	sdelay $0x2  }
0xd0: {  	v11 =	vperm.xlane v9, v7;
	_ =	sdelay $0x1  }
0xd1: {  	v10 =	vmul.f32 v11, v10;
	_ =	sdelay $0x1  }
0xd2: {  	[tilespmem:s19+$0x20] =	vst v10  }
0xd3: {  	v10 =	vld [tilespmem:s20+$0x30];
	_ =	sdelay $0x1  }
.Ltmp3:
0xd4: {  	(pc) =	sbr.rel @p0 .LBB2_5-.Ltmp3, $3  }
0xd5: {  	v9 =	vperm.xlane v9, v8;
	_ =	sdelay $0x1  }
0xd6: {  	v9 =	vmul.f32 v9, v10  }
0xd7: {  	s19 =	sadd.s32 $0x88, s19  }
0xd8: {  	s17 =	sshll.u32 s15, $0x1;
	p0 =	seq.s32 s15, $0x4F  }
0xd9: {  	s18 =	sadd.s32 @!p0 s16, s17  }
0xda: {  	[tilespmem:s22+$0x30] =	vst v9;
	s18 =	smul.u32 @!p0 $0xC0, s18  }
0xdb: {  	[spmem:s3] =	stream.indirect.scatter.add.f32 [tilespmem:s24], [sflag:$0x5], $0x88, s28, s28, $0xb8;
	[tilespmem:$0x1E980] =	vst v63  }
0xdc: {  	_ =	swait.ge [sflag:s25], $0x2200;
	s18 =	sshrl.u32 @!p0 s18, $0x3  }
0xdd: {  	[sflag:s25] =	ssyncset.done $0x0;
	s18 =	sadd.s32 @!p0 s5, s18  }
0xde: {  	s19 =	simm.s32 @!p0 $0x0;
	[sflag:s25] =	ssyncadd.s32 $0xFFFFDE00;
	s18 =	sadd.s32 @!p0 $0x30, s18  }
0xdf: {  	[tilespmem:s19], [sflag:$0x1] =	stream.linear.gather @!p0 [hbm4b:s18+s19], $0xC0, $0x38;
	[tilespmem:$0x1E980] =	vst v63  }
0xe0: {  	s18 =	simm.s32 @!p0 $0x1  }
0xe1: {  	_ =	swait.ge @!p0 [sflag:s18], $0xC0  }
0xe2: {  	[sflag:s18] =	ssyncset.done @!p0 $0x0  }
0xe3: {  	s20 =	simm.s32 @!p0 $0x180;
	[sflag:s18] =	ssyncadd.s32 @!p0 $0xFFFFFF40;
	s18 =	simm.s32 @!p0 $0x40  }
0xe4: {  	[tilespmem:s20], [sflag:$0x3] =	stream.indirect.gather @!p0 [hbm4b:s2+s18], $0x10, s19, s18, $0xb8;
	[tilespmem:$0x1E980] =	vst v63  }
0xe5: {  	s20 =	simm.s32 @!p0 $0x980  }
0xe6: {  	[tilespmem:s20], [sflag:$0x3] =	stream.indirect.gather @!p0 [hbm4b:s6+s18], $0x10, s18, s18, $0xb8;
	[tilespmem:$0x1E980] =	vst v63  }
0xe7: {  	s20 =	simm.s32 @!p0 $0x1180  }
0xe8: {  	[tilespmem:s20], [sflag:$0x3] =	stream.indirect.gather @!p0 [hbm4b:s7+s18], $0x80, s19, s18, $0xb8;
	[tilespmem:$0x1E980] =	vst v63  }
0xe9: {  	_ =	swait.ge [sflag:s11], $0x400  }
0xea: {  	[sflag:s11] =	ssyncset.done $0x0  }
0xeb: {  	[sflag:s11] =	ssyncadd.s32 $0xFFFFFC00  }
0xec: {  	_ =	swait.ge [sflag:s11], $0x400  }
0xed: {  	[sflag:s11] =	ssyncset.done $0x0  }
0xee: {  	[sflag:s11] =	ssyncadd.s32 $0xFFFFFC00  }
0xef: {  	_ =	swait.ge [sflag:s11], $0x2000  }
0xf0: {  	[sflag:s11] =	ssyncset.done $0x0  }
0xf1: {  	s18 =	simm.s32 $0x580;
	[sflag:s11] =	ssyncadd.s32 $0xFFFFE000  }
0xf2: {  	s20 =	simm.s32 $0xD80;
	v9 =	vld [tilespmem:s18+$0x0]  }
0xf3: {  	v10 =	vld [tilespmem:s20+$0x0];
	_ =	sdelay $0x4  }
0xf4: {  	v9 =	vadd.f32 v10, v9;
	_ =	sdelay $0x1  }
0xf5: {  	v10 =	vmul.f32 $2.000000030e-01, v9  }
0xf6: {  	vm0 =	vge.f32 v9, $0.0e+00  }
0xf7: {  	s26 =	simm.s32 $0x0;
	v9 =	vsel vm0, v9, v10  }
0xf8: {  	v10 =	vmov s26;
	v9 =	vmul.f32 $1.442695020e+00, v9  }
0xf9: {  	v10 =	vand.u32 $0x3F, v10  }
0xfa: {  	v10 =	vor.u32 $0x80, v10;
	(erf) = vpow2.f32 v9  }
0xfb: {  	v9 =	vbroadcast v10, $0x0;
	_ =	sdelay $0x5  }
0xfc: {  	v9 =	vld.idx.msk [tilespmem:v9+s0+$0x0], $0xffff;
	_ =	sdelay $0x1  }
0xfd: {  	s23 =	simm.s32 $0x73C0;
	v10 =	vpop (erf)  }
0xfe: {  	s22 =	simm.s32 $0x31C0;
	[tilespmem:s23+$0x38] =	vst v10  }
0xff: {  	v11 =	vld [tilespmem:s22+$0xFFFFFFC0]  }
0x100: {  	v9 =	vmul.f32 v9, v10;
	_ =	sdelay $0x1  }
0x101: {  	v10 =	vperm.xlane v9, v1;
	_ =	sdelay $0x1  }
0x102: {  	v10 =	vmul.f32 v10, v11;
	_ =	sdelay $0x1  }
0x103: {  	[tilespmem:s23+$0xFFFFFFC0] =	vst v10  }
0x104: {  	v10 =	vld [tilespmem:s22+$0xFFFFFFD0];
	_ =	sdelay $0x2  }
0x105: {  	v11 =	vperm.xlane v9, v2;
	_ =	sdelay $0x1  }
0x106: {  	v10 =	vmul.f32 v11, v10;
	_ =	sdelay $0x1  }
0x107: {  	[tilespmem:s23+$0xFFFFFFD0] =	vst v10  }
0x108: {  	v10 =	vld [tilespmem:s22+$0xFFFFFFE0];
	_ =	sdelay $0x2  }
0x109: {  	v11 =	vperm.xlane v9, v3;
	_ =	sdelay $0x1  }
0x10a: {  	v10 =	vmul.f32 v11, v10;
	_ =	sdelay $0x1  }
0x10b: {  	[tilespmem:s23+$0xFFFFFFE0] =	vst v10  }
0x10c: {  	v10 =	vld [tilespmem:s22+$0xFFFFFFF0];
	_ =	sdelay $0x2  }
0x10d: {  	v11 =	vperm.xlane v9, v4;
	_ =	sdelay $0x1  }
0x10e: {  	v10 =	vmul.f32 v11, v10;
	_ =	sdelay $0x1  }
0x10f: {  	[tilespmem:s23+$0xFFFFFFF0] =	vst v10  }
0x110: {  	v10 =	vld [tilespmem:s22+$0x0];
	_ =	sdelay $0x2  }
0x111: {  	v11 =	vperm.xlane v9, v5;
	_ =	sdelay $0x1  }
0x112: {  	v10 =	vmul.f32 v11, v10;
	_ =	sdelay $0x1  }
0x113: {  	[tilespmem:s23+$0x0] =	vst v10  }
0x114: {  	v10 =	vld [tilespmem:s22+$0x10];
	_ =	sdelay $0x2  }
0x115: {  	v11 =	vperm.xlane v9, v6;
	_ =	sdelay $0x1  }
0x116: {  	v10 =	vmul.f32 v11, v10;
	_ =	sdelay $0x1  }
0x117: {  	[tilespmem:s23+$0x10] =	vst v10  }
0x118: {  	v10 =	vld [tilespmem:s22+$0x20];
	_ =	sdelay $0x2  }
0x119: {  	v11 =	vperm.xlane v9, v7;
	_ =	sdelay $0x1  }
0x11a: {  	v10 =	vmul.f32 v11, v10;
	_ =	sdelay $0x1  }
0x11b: {  	[tilespmem:s23+$0x20] =	vst v10  }
0x11c: {  	v10 =	vld [tilespmem:s22+$0x30];
	_ =	sdelay $0x2  }
0x11d: {  	v9 =	vperm.xlane v9, v8;
	_ =	sdelay $0x1  }
0x11e: {  	v9 =	vmul.f32 v9, v10  }
0x11f: {  	s19 =	simm.s32 $0x1;
	s26 =	simm.s32 $0x7448  }
.LBB2_7:
0x120: {  	[tilespmem:s23+$0x30] =	vst v9;
	s18 =	sadd.s32 $0x10, s18;
	s20 =	sadd.s32 $0x10, s20;
	s22 =	sadd.s32 $0x80, s22  }
0x121: {  	p1 =	sne.s32 s19, $0x3F;
	s8 =	smov.u32 s19;
	s19 =	sadd.s32 $0x1, s19;
	v9 =	vld [tilespmem:s18+$0x0]  }
0x122: {  	s23 =	smov.u32 s26;
	v10 =	vld [tilespmem:s20+$0x0];
	_ =	sdelay $0x4  }
0x123: {  	v9 =	vadd.f32 v10, v9;
	_ =	sdelay $0x1  }
0x124: {  	v11 =	vmov s8;
	v10 =	vmul.f32 $2.000000030e-01, v9  }
0x125: {  	v11 =	vand.u32 $0x3F, v11;
	vm0 =	vge.f32 v9, $0.0e+00  }
0x126: {  	v9 =	vsel vm0, v9, v10;
	v10 =	vor.u32 $0x80, v11  }
0x127: {  	v9 =	vmul.f32 $1.442695020e+00, v9;
	v10 =	vbroadcast v10, $0x0;
	_ =	sdelay $0x1  }
0x128: {  	(erf) = vpow2.f32 v9;
	_ =	sdelay $0x3  }
0x129: {  	v9 =	vld.idx.msk [tilespmem:v10+s0+$0x0], $0xffff;
	_ =	sdelay $0x4  }
0x12a: {  	v10 =	vpop (erf)  }
0x12b: {  	v9 =	vmul.f32 v9, v10;
	[tilespmem:s26+$0x38] =	vst v10  }
0x12c: {  	v10 =	vld [tilespmem:s22+$0xFFFFFFC0];
	_ =	sdelay $0x2  }
0x12d: {  	v11 =	vperm.xlane v9, v1;
	_ =	sdelay $0x1  }
0x12e: {  	v10 =	vmul.f32 v11, v10;
	_ =	sdelay $0x1  }
0x12f: {  	[tilespmem:s26+$0xFFFFFFC0] =	vst v10  }
0x130: {  	v10 =	vld [tilespmem:s22+$0xFFFFFFD0];
	_ =	sdelay $0x2  }
0x131: {  	v11 =	vperm.xlane v9, v2;
	_ =	sdelay $0x1  }
0x132: {  	v10 =	vmul.f32 v11, v10;
	_ =	sdelay $0x1  }
0x133: {  	[tilespmem:s26+$0xFFFFFFD0] =	vst v10  }
0x134: {  	v10 =	vld [tilespmem:s22+$0xFFFFFFE0];
	_ =	sdelay $0x2  }
0x135: {  	v11 =	vperm.xlane v9, v3;
	_ =	sdelay $0x1  }
0x136: {  	v10 =	vmul.f32 v11, v10;
	_ =	sdelay $0x1  }
0x137: {  	[tilespmem:s26+$0xFFFFFFE0] =	vst v10  }
0x138: {  	v10 =	vld [tilespmem:s22+$0xFFFFFFF0];
	_ =	sdelay $0x2  }
0x139: {  	v11 =	vperm.xlane v9, v4;
	_ =	sdelay $0x1  }
0x13a: {  	v10 =	vmul.f32 v11, v10;
	_ =	sdelay $0x1  }
0x13b: {  	[tilespmem:s26+$0xFFFFFFF0] =	vst v10  }
0x13c: {  	v10 =	vld [tilespmem:s22+$0x0];
	_ =	sdelay $0x2  }
0x13d: {  	v11 =	vperm.xlane v9, v5;
	_ =	sdelay $0x1  }
0x13e: {  	v10 =	vmul.f32 v11, v10;
	_ =	sdelay $0x1  }
0x13f: {  	[tilespmem:s26+$0x0] =	vst v10  }
0x140: {  	v10 =	vld [tilespmem:s22+$0x10];
	_ =	sdelay $0x2  }
0x141: {  	v11 =	vperm.xlane v9, v6;
	_ =	sdelay $0x1  }
0x142: {  	v10 =	vmul.f32 v11, v10;
	_ =	sdelay $0x1  }
0x143: {  	[tilespmem:s26+$0x10] =	vst v10  }
0x144: {  	v10 =	vld [tilespmem:s22+$0x20];
	_ =	sdelay $0x2  }
0x145: {  	v11 =	vperm.xlane v9, v7;
	_ =	sdelay $0x1  }
0x146: {  	v10 =	vmul.f32 v11, v10;
	_ =	sdelay $0x1  }
0x147: {  	[tilespmem:s26+$0x20] =	vst v10  }
0x148: {  	v10 =	vld [tilespmem:s22+$0x30];
	_ =	sdelay $0x1  }
.Ltmp4:
0x149: {  	(pc) =	sbr.rel @p1 .LBB2_7-.Ltmp4, $3  }
0x14a: {  	v9 =	vperm.xlane v9, v8;
	_ =	sdelay $0x1  }
0x14b: {  	v9 =	vmul.f32 v9, v10  }
0x14c: {  	s26 =	sadd.s32 $0x88, s26  }
.Ltmp5:
0x14d: {  	[tilespmem:s23+$0x30] =	vst v9;
	(pc) =	sbr.rel @p0 .LBB2_10-.Ltmp5, $4  }
0x14e: {  	[spmem:s3] =	stream.indirect.scatter.add.f32 [tilespmem:s12], [sflag:$0x5], $0x88, s31, s28, $0xb8;
	[tilespmem:$0x1E980] =	vst v63  }
0x14f: {  	_ =	swait.ge [sflag:s25], $0x2200  }
0x150: {  	[sflag:s25] =	ssyncset.done $0x0  }
0x151: {  	[sflag:s25] =	ssyncadd.s32 $0xFFFFDE00  }
0x152: {  	s8 =	sadd.s32 s17, s21  }
0x153: {  	s8 =	smul.u32 $0xC0, s8  }
.Ltmp6:
0x154: {  	_ = 	snop;
	(pc) =	sbr.rel .LBB2_4-.Ltmp6, $4  }
0x155: {  	s8 =	sshrl.u32 s8, $0x3  }
0x156: {  	s8 =	sadd.s32 s5, s8  }
0x157: {  	s15 =	sadd.s32 $0x1, s15;
	s8 =	sadd.s32 $0x30, s8  }
0x158: {  	[tilespmem:s0], [sflag:$0x2] =	stream.linear.gather [hbm4b:s8+s4], $0xC0, $0x38;
	[tilespmem:$0x1E980] =	vst v63  }
.LBB2_11:
0x159: {  	_ =	sfence.sel $0x180000  }
0x15a: {  	[bflag:$0x0] =	sbarrier.arrive $0xFFFF  }
0x15b: {  	_ =	strace $0x90000047  }
0x15c: {  	s0 =	stileid.u32;
	[bflag:$0x2] =	sbarrier.arrive $0xFFFF  }
0x15d: {  	p0 =	sne.s32 s0, $0x0;
	s0 =	rddreg [dreg:$0x3]  }
0x15e: {  	s0 =	sadd.s32 @!p0 $0x100000, s0  }
0x15f: {  	[sflag:s0] =	ssyncadd.tile.s32 @!p0 $0x1;
	_ =	shalt  }
.Lfunc_end2:
_tile_overlayer_lowered:
.L_overlay_start_2:
0x160: {  	(tag) =	ssettag $0x2  }
0x161: {  	s0 =	rddreg [dreg:$0x0];
	s2 =	stileid.u32  }
0x162: {  	s1 =	rddreg [dreg:$0x1];
	p0 =	sne.s32 s2, $0x0  }
0x163: {  	s3 =	rddreg [dreg:$0x2];
	[bflag:$0x3] =	sbarrier.arrive $0xFFFF;
	s2 =	simm.s32 @!p0 $0x1C05  }
0x164: {  	[timem:s3], [sflag:s2] =	dma.local @!p0 [hbm:s0], s1  }
0x165: {  	s0 =	simm.s32 @!p0 $0x5  }
0x166: {  	_ =	swait.ge @!p0 [sflag:s0], s1  }
0x167: {  	s1 =	ssub.s32 @!p0 $0x0, s1;
	[sflag:s0] =	ssyncset.done @!p0 $0x0  }
0x168: {  	[sflag:s0] =	ssyncadd.s32 @!p0 s1  }
0x169: {  	[bflag:$0x3] =	sbarrier.arrive $0xFFFF  }
0x16a: {  	_ =	shalt  }

</sc_bundles>
